<compile_context>
chip_gen: v7x
topology: tpu7x:2x2x1
jax: 0.10.2.dev20260603
libtpu: 0.0.44.dev20260713+nightly
codegen_flags: <defaults>
</compile_context>

<pallas_src>
import functools

import jax
import jax.numpy as jnp
import numpy as np
from jax import lax
from jax.experimental import pallas as pl
from jax.experimental.pallas import tpu as pltpu
from jax.experimental.pallas import tpu_sc as plsc

N = 10000
E = 320000
D = 128

NC = 2
NS = 16
NW = NC * NS
CHUNK = 128
LANES = 16



def _mm_kernel(x_ref, wh_ref, wt_ref, h_ref, t_ref):
    xv = x_ref[...]
    for dst, w in ((h_ref, wh_ref), (t_ref, wt_ref)):
        y = 0.5 * jnp.dot(xv, w[...], preferred_element_type=jnp.float32)
        lo = jax.lax.bitcast_convert_type(
            y[:, :D // 2].astype(jnp.bfloat16), jnp.int16).astype(jnp.int32)
        hi = jax.lax.bitcast_convert_type(
            y[:, D // 2:].astype(jnp.bfloat16), jnp.int16).astype(jnp.int32)
        dst[...] = (lo & 0xFFFF) | (hi << 16)


def _node_transform(x, w_h, w_t):
    blk = 1000
    return pl.pallas_call(
        _mm_kernel,
        grid=(N // blk,),
        in_specs=[
            pl.BlockSpec((blk, D), lambda i: (i, 0)),
            pl.BlockSpec((D, D), lambda i: (0, 0)),
            pl.BlockSpec((D, D), lambda i: (0, 0)),
        ],
        out_specs=[
            pl.BlockSpec((blk, D // 2), lambda i: (i, 0)),
            pl.BlockSpec((blk, D // 2), lambda i: (i, 0)),
        ],
        out_shape=[
            jax.ShapeDtypeStruct((N, D // 2), jnp.int32),
            jax.ShapeDtypeStruct((N, D // 2), jnp.int32),
        ],
    )(x, w_h, w_t)


def _packed_perm():
    k = np.arange(D // 2)
    c_lo = 32 * (k // 16) + (k % 16)
    return np.concatenate([c_lo, c_lo + 16]).astype(np.int32)



NSLOT = 3
EPW = E // NW
NFULL = EPW // CHUNK
TAIL = EPW - NFULL * CHUNK
assert NFULL % NSLOT == 0


@functools.cache
def _make_edge_kernel():
    mesh = plsc.VectorSubcoreMesh(core_axis_name="c", subcore_axis_name="s")

    scratch = [
        pltpu.VMEM((EPW,), jnp.int32),
        pltpu.VMEM((EPW,), jnp.int32),
        pltpu.VMEM((NSLOT, CHUNK, D // 2), jnp.int32),
        pltpu.VMEM((NSLOT, CHUNK, D // 2), jnp.int32),
        pltpu.VMEM((NSLOT, CHUNK * D), jnp.float32),
        pltpu.VMEM((TAIL, D // 2), jnp.int32),
        pltpu.VMEM((TAIL, D // 2), jnp.int32),
        pltpu.VMEM((TAIL * D,), jnp.float32),
    ] + [pltpu.SemaphoreType.DMA] * (3 * NSLOT + 3)

    @functools.partial(
        pl.kernel,
        mesh=mesh,
        compiler_params=pltpu.CompilerParams(use_tc_tiling_on_sc=False),
        out_type=jax.ShapeDtypeStruct((E * D,), jnp.float32),
        scratch_types=scratch,
    )
    def _edge_kernel(h_hbm, t_hbm, ei_hbm, out_hbm,
                     idxr, idxc, hb, tb, ob, hbt, tbt, obt, *sems):
        SH = sems[0:NSLOT]
        ST = sems[NSLOT:2 * NSLOT]
        SO = sems[2 * NSLOT:3 * NSLOT]
        SIDX, SHT, STT = sems[3 * NSLOT:]
        wid = lax.axis_index("s") * NC + lax.axis_index("c")
        base_w = wid * EPW

        cr = pltpu.async_copy(ei_hbm.at[0, pl.ds(base_w, EPW)], idxr, SIDX)
        cc = pltpu.async_copy(ei_hbm.at[1, pl.ds(base_w, EPW)], idxc, SIDX)
        cr.wait()
        cc.wait()

        def issue_gathers(c, s):
            pltpu.async_copy(h_hbm.at[idxr.at[pl.ds(c * CHUNK, CHUNK)]], hb.at[s], SH[s])
            pltpu.async_copy(t_hbm.at[idxc.at[pl.ds(c * CHUNK, CHUNK)]], tb.at[s], ST[s])

        def wait_gathers(s):
            pltpu.make_async_copy(h_hbm.at[idxr.at[pl.ds(0, CHUNK)]], hb.at[s], SH[s]).wait()
            pltpu.make_async_copy(t_hbm.at[idxc.at[pl.ds(0, CHUNK)]], tb.at[s], ST[s]).wait()

        def issue_writeout(c, s):
            pltpu.async_copy(
                ob.at[s], out_hbm.at[pl.ds((base_w + c * CHUNK) * D, CHUNK * D)], SO[s])

        def wait_writeout(s):
            pltpu.make_async_copy(ob.at[s], out_hbm.at[pl.ds(0, CHUNK * D)], SO[s]).wait()

        himask = jnp.int32(-65536)

        def body_row(hsrc, tsrc, osrc, r):
            rb = r * D
            for j in range(D // 32):
                sl16 = pl.ds(j * LANES, LANES)
                hw = hsrc[r, sl16]
                tw = tsrc[r, sl16]
                h_lo = lax.bitcast_convert_type(hw << 16, jnp.float32)
                h_hi = lax.bitcast_convert_type(hw & himask, jnp.float32)
                t_lo = lax.bitcast_convert_type(tw << 16, jnp.float32)
                t_hi = lax.bitcast_convert_type(tw & himask, jnp.float32)
                osrc[pl.ds(rb + j * 32, LANES)] = jnp.maximum(h_lo + t_lo, 0.0)
                osrc[pl.ds(rb + j * 32 + LANES, LANES)] = jnp.maximum(h_hi + t_hi, 0.0)

        def compute(s):
            def row_body(r, z):
                body_row(hb.at[s], tb.at[s], ob.at[s], r)
                return z
            lax.fori_loop(0, CHUNK, row_body, 0, unroll=2)

        pltpu.async_copy(h_hbm.at[idxr.at[pl.ds(NFULL * CHUNK, TAIL)]], hbt, SHT)
        pltpu.async_copy(t_hbm.at[idxc.at[pl.ds(NFULL * CHUNK, TAIL)]], tbt, STT)

        issue_gathers(0, 0)
        issue_gathers(1, 1)

        def group_body(m, z):
            for k in range(NSLOT):
                c = m * NSLOT + k
                s = k
                wait_gathers(s)

                @pl.when(c + 2 < NFULL)
                def _():
                    issue_gathers(c + 2, (k + 2) % NSLOT)

                @pl.when(c >= NSLOT)
                def _():
                    wait_writeout(s)

                compute(s)
                issue_writeout(c, s)
            return z

        lax.fori_loop(0, NFULL // NSLOT, group_body, 0)

        pltpu.make_async_copy(h_hbm.at[idxr.at[pl.ds(0, TAIL)]], hbt, SHT).wait()
        pltpu.make_async_copy(t_hbm.at[idxc.at[pl.ds(0, TAIL)]], tbt, STT).wait()

        def tail_body(r, z):
            body_row(hbt, tbt, obt, r)
            return z
        lax.fori_loop(0, TAIL, tail_body, 0)
        pltpu.sync_copy(obt, out_hbm.at[pl.ds((base_w + NFULL * CHUNK) * D, TAIL * D)])

        for s in range(NSLOT):
            wait_writeout(s)

    return _edge_kernel



def kernel(x, edge_index, edge_attr, edge_type, w_self, w_h, w_t):
    del edge_attr, edge_type, w_self
    perm = jnp.asarray(_packed_perm())
    h, t = _node_transform(x, w_h[:, perm], w_t[:, perm])
    return _make_edge_kernel()(h, t, edge_index.astype(jnp.int32)).reshape(E, D)

# --- scband reference (transcript-rebuilt; emitter-appended) ---
"""Pipeline reference for scband-edge-conv-hop-45174466019825 (READ-ONLY COPY).

The authoritative reference and input builder live on the scoring server;
editing this copy changes nothing except your own understanding.
"""

import jax, jax.numpy as jnp
import numpy as np

N = 10000
E = 320000
N_IN = 128
E_IN = 16
D_OUT = 128

def _glorot(key, shape):
    fan = shape[0] + shape[1]
    std = jnp.sqrt(6.0 / fan)
    return jax.random.uniform(key, shape, dtype=jnp.float32, minval=-std, maxval=std)

def setup_inputs(seed: int = 0) -> dict:
    key = jax.random.key(seed)
    ks = jax.random.split(key, 8)
    x = jax.random.normal(ks[0], (N, N_IN), dtype=jnp.float32)
    edge_index = jax.random.randint(ks[1], (2, E), 0, N)
    edge_attr = jax.random.normal(ks[2], (E, E_IN), dtype=jnp.float32)
    edge_type = jax.random.randint(ks[3], (E,), 0, 16)
    w_self = _glorot(ks[4], (E_IN, D_OUT))
    w_h = _glorot(ks[5], (N_IN, D_OUT))
    w_t = _glorot(ks[6], (N_IN, D_OUT))
    return {"x": x, "edge_index": edge_index, "edge_attr": edge_attr, "edge_type": edge_type, "w_self": w_self, "w_h": w_h, "w_t": w_t}

def reference(x, edge_index, edge_attr, edge_type, w_self, w_h, w_t):
    # edge_type is unused by the forward computation (matches original module)
    row = edge_index[0]
    col = edge_index[1]
    out = edge_attr @ w_self                      # [E, D_OUT]
    head = jnp.take(x, row, axis=0) @ w_h         # gather + matmul
    tail = jnp.take(x, col, axis=0) @ w_t         # gather + matmul
    # rel_transform with opn='sub': ent - rel; dropout p=0.0 is identity (eval mode)
    out = out + 0.5 * (head - out) + 0.5 * (tail - out)
    # bias=False -> no bias; args.res=False -> no residual; args.bn=False -> no batchnorm
    return jax.nn.relu(out)

if __name__ == "__main__":
    import jax
    _d = setup_inputs()
    print(jax.jit(kernel)(*tuple(_d.values())))

</pallas_src>

<mosaic_0001>
#map = affine_map<(d0, d1) -> (0, 0)>
#map1 = affine_map<(d0, d1) -> (0)>
module attributes {stable_mosaic.version = 14 : i64} {
  func.func @_edge_kernel(%arg0: i32, %arg1: i32, %arg2: memref<10000x64xi32, #tpu.memory_space<hbm>>, %arg3: memref<10000x64xi32, #tpu.memory_space<hbm>>, %arg4: memref<2x320000xi32, #tpu.memory_space<hbm>>, %arg5: memref<40960000xf32, #tpu.memory_space<hbm>>, %arg6: memref<10000xi32, #tpu.memory_space<vmem>>, %arg7: memref<10000xi32, #tpu.memory_space<vmem>>, %arg8: memref<3x128x64xi32, #tpu.memory_space<vmem>>, %arg9: memref<3x128x64xi32, #tpu.memory_space<vmem>>, %arg10: memref<3x16384xf32, #tpu.memory_space<vmem>>, %arg11: memref<16x64xi32, #tpu.memory_space<vmem>>, %arg12: memref<16x64xi32, #tpu.memory_space<vmem>>, %arg13: memref<2048xf32, #tpu.memory_space<vmem>>, %arg14: memref<!tpu.dma_semaphore, #tpu.memory_space<semaphore_mem>>, %arg15: memref<!tpu.dma_semaphore, #tpu.memory_space<semaphore_mem>>, %arg16: memref<!tpu.dma_semaphore, #tpu.memory_space<semaphore_mem>>, %arg17: memref<!tpu.dma_semaphore, #tpu.memory_space<semaphore_mem>>, %arg18: memref<!tpu.dma_semaphore, #tpu.memory_space<semaphore_mem>>, %arg19: memref<!tpu.dma_semaphore, #tpu.memory_space<semaphore_mem>>, %arg20: memref<!tpu.dma_semaphore, #tpu.memory_space<semaphore_mem>>, %arg21: memref<!tpu.dma_semaphore, #tpu.memory_space<semaphore_mem>>, %arg22: memref<!tpu.dma_semaphore, #tpu.memory_space<semaphore_mem>>, %arg23: memref<!tpu.dma_semaphore, #tpu.memory_space<semaphore_mem>>, %arg24: memref<!tpu.dma_semaphore, #tpu.memory_space<semaphore_mem>>, %arg25: memref<!tpu.dma_semaphore, #tpu.memory_space<semaphore_mem>>) attributes {dimension_semantics = [#tpu.dimension_semantics<core_parallel>, #tpu.dimension_semantics<subcore_parallel>], iteration_bounds = array<i64: 2, 16>, scalar_prefetch = 0 : i64, scratch_operands = 20 : i64, tpu.core_type = #tpu.core_type<sc_vector_subcore>, window_params = [{transform_indices = #map}, {transform_indices = #map}, {transform_indices = #map}, {transform_indices = #map1}]} {
    %mul3A = arith.constant 2 : i32
    %mul3A_0 = arith.muli %arg1, %mul3A : i32
    %add3A = arith.addi %mul3A_0, %arg0 : i32
    %mul3A_1 = arith.constant 10000 : i32
    %mul3A_2 = arith.muli %add3A, %mul3A_1 : i32
    %dma_start3A = arith.constant 0 : i32
    %dma_start3A_3 = tpu.memref_slice %arg4[%dma_start3A, %mul3A_2] : memref<2x320000xi32, #tpu.memory_space<hbm>> -> memref<1x10000xi32, #tpu.memory_space<hbm>>
    %dma_start3A_4 = tpu.memref_squeeze %dma_start3A_3 : memref<1x10000xi32, #tpu.memory_space<hbm>> -> memref<10000xi32, #tpu.memory_space<hbm>>
    %dma_start3A_5 = tpu.memref_slice %arg4[%dma_start3A, %mul3A_2] : memref<2x320000xi32, #tpu.memory_space<hbm>> -> memref<1x10000xi32, #tpu.memory_space<hbm>>
    %dma_start3A_6 = tpu.memref_squeeze %dma_start3A_5 : memref<1x10000xi32, #tpu.memory_space<hbm>> -> memref<10000xi32, #tpu.memory_space<hbm>>
    tpu.enqueue_dma source(%dma_start3A_6 : memref<10000xi32, #tpu.memory_space<hbm>>) target(%arg6 : memref<10000xi32, #tpu.memory_space<vmem>>) target_semaphore(%arg23 : memref<!tpu.dma_semaphore, #tpu.memory_space<semaphore_mem>>)
    %dma_start3A_7 = arith.constant 1 : i32
    %dma_start3A_8 = tpu.memref_slice %arg4[%dma_start3A_7, %mul3A_2] : memref<2x320000xi32, #tpu.memory_space<hbm>> -> memref<1x10000xi32, #tpu.memory_space<hbm>>
    %dma_start3A_9 = tpu.memref_squeeze %dma_start3A_8 : memref<1x10000xi32, #tpu.memory_space<hbm>> -> memref<10000xi32, #tpu.memory_space<hbm>>
    %dma_start3A_10 = tpu.memref_slice %arg4[%dma_start3A_7, %mul3A_2] : memref<2x320000xi32, #tpu.memory_space<hbm>> -> memref<1x10000xi32, #tpu.memory_space<hbm>>
    %dma_start3A_11 = tpu.memref_squeeze %dma_start3A_10 : memref<1x10000xi32, #tpu.memory_space<hbm>> -> memref<10000xi32, #tpu.memory_space<hbm>>
    tpu.enqueue_dma source(%dma_start3A_11 : memref<10000xi32, #tpu.memory_space<hbm>>) target(%arg7 : memref<10000xi32, #tpu.memory_space<vmem>>) target_semaphore(%arg23 : memref<!tpu.dma_semaphore, #tpu.memory_space<semaphore_mem>>)
    %dma_wait3A = arith.constant 0 : i32
    %dma_wait3A_12 = tpu.memref_slice %arg4[%dma_wait3A, %mul3A_2] : memref<2x320000xi32, #tpu.memory_space<hbm>> -> memref<1x10000xi32, #tpu.memory_space<hbm>>
    %dma_wait3A_13 = tpu.memref_squeeze %dma_wait3A_12 : memref<1x10000xi32, #tpu.memory_space<hbm>> -> memref<10000xi32, #tpu.memory_space<hbm>>
    %dma_wait3A_14 = tpu.memref_slice %arg4[%dma_wait3A, %mul3A_2] : memref<2x320000xi32, #tpu.memory_space<hbm>> -> memref<1x10000xi32, #tpu.memory_space<hbm>>
    %dma_wait3A_15 = tpu.memref_squeeze %dma_wait3A_14 : memref<1x10000xi32, #tpu.memory_space<hbm>> -> memref<10000xi32, #tpu.memory_space<hbm>>
    tpu.wait_dma2 semaphore(%arg23 : memref<!tpu.dma_semaphore, #tpu.memory_space<semaphore_mem>>) src(%dma_wait3A_15 : memref<10000xi32, #tpu.memory_space<hbm>>) dst(%arg6 : memref<10000xi32, #tpu.memory_space<vmem>>)
    %dma_wait3A_16 = arith.constant 1 : i32
    %dma_wait3A_17 = tpu.memref_slice %arg4[%dma_wait3A_16, %mul3A_2] : memref<2x320000xi32, #tpu.memory_space<hbm>> -> memref<1x10000xi32, #tpu.memory_space<hbm>>
    %dma_wait3A_18 = tpu.memref_squeeze %dma_wait3A_17 : memref<1x10000xi32, #tpu.memory_space<hbm>> -> memref<10000xi32, #tpu.memory_space<hbm>>
    %dma_wait3A_19 = tpu.memref_slice %arg4[%dma_wait3A_16, %mul3A_2] : memref<2x320000xi32, #tpu.memory_space<hbm>> -> memref<1x10000xi32, #tpu.memory_space<hbm>>
    %dma_wait3A_20 = tpu.memref_squeeze %dma_wait3A_19 : memref<1x10000xi32, #tpu.memory_space<hbm>> -> memref<10000xi32, #tpu.memory_space<hbm>>
    tpu.wait_dma2 semaphore(%arg23 : memref<!tpu.dma_semaphore, #tpu.memory_space<semaphore_mem>>) src(%dma_wait3A_20 : memref<10000xi32, #tpu.memory_space<hbm>>) dst(%arg7 : memref<10000xi32, #tpu.memory_space<vmem>>)
    %dma_start3A_21 = arith.constant 9984 : i32
    %dma_start3A_22 = tpu.memref_slice %arg6[%dma_start3A_21] : memref<10000xi32, #tpu.memory_space<vmem>> -> memref<16xi32, #tpu.memory_space<vmem>>
    %dma_start3A_23 = arith.constant 0 : i32
    %dma_start3A_24 = arith.constant 0 : i32
    %dma_start3A_25 = tpu.memref_slice %arg2[%dma_start3A_23, %dma_start3A_24] : memref<10000x64xi32, #tpu.memory_space<hbm>> -> memref<10000x64xi32, #tpu.memory_space<hbm>>
    tpu.enqueue_indirect_dma source(%dma_start3A_25 : memref<10000x64xi32, #tpu.memory_space<hbm>>) target(%arg11 : memref<16x64xi32, #tpu.memory_space<vmem>>) offsets(%dma_start3A_22 : memref<16xi32, #tpu.memory_space<vmem>>) semaphore(%arg24 : memref<!tpu.dma_semaphore, #tpu.memory_space<semaphore_mem>>)
    %dma_start3A_26 = arith.constant 9984 : i32
    %dma_start3A_27 = tpu.memref_slice %arg7[%dma_start3A_26] : memref<10000xi32, #tpu.memory_space<vmem>> -> memref<16xi32, #tpu.memory_space<vmem>>
    %dma_start3A_28 = arith.constant 0 : i32
    %dma_start3A_29 = arith.constant 0 : i32
    %dma_start3A_30 = tpu.memref_slice %arg3[%dma_start3A_28, %dma_start3A_29] : memref<10000x64xi32, #tpu.memory_space<hbm>> -> memref<10000x64xi32, #tpu.memory_space<hbm>>
    tpu.enqueue_indirect_dma source(%dma_start3A_30 : memref<10000x64xi32, #tpu.memory_space<hbm>>) target(%arg12 : memref<16x64xi32, #tpu.memory_space<vmem>>) offsets(%dma_start3A_27 : memref<16xi32, #tpu.memory_space<vmem>>) semaphore(%arg25 : memref<!tpu.dma_semaphore, #tpu.memory_space<semaphore_mem>>)
    %dma_start3A_31 = arith.constant 0 : i32
    %dma_start3A_32 = arith.constant 0 : i32
    %dma_start3A_33 = arith.constant 0 : i32
    %dma_start3A_34 = tpu.memref_slice %arg8[%dma_start3A_31, %dma_start3A_32, %dma_start3A_33] : memref<3x128x64xi32, #tpu.memory_space<vmem>> -> memref<1x128x64xi32, #tpu.memory_space<vmem>>
    %dma_start3A_35 = tpu.memref_squeeze %dma_start3A_34 : memref<1x128x64xi32, #tpu.memory_space<vmem>> -> memref<128x64xi32, #tpu.memory_space<vmem>>
    %dma_start3A_36 = arith.constant 0 : i32
    %dma_start3A_37 = tpu.memref_slice %arg6[%dma_start3A_36] : memref<10000xi32, #tpu.memory_space<vmem>> -> memref<128xi32, #tpu.memory_space<vmem>>
    %dma_start3A_38 = arith.constant 0 : i32
    %dma_start3A_39 = arith.constant 0 : i32
    %dma_start3A_40 = tpu.memref_slice %arg2[%dma_start3A_38, %dma_start3A_39] : memref<10000x64xi32, #tpu.memory_space<hbm>> -> memref<10000x64xi32, #tpu.memory_space<hbm>>
    tpu.enqueue_indirect_dma source(%dma_start3A_40 : memref<10000x64xi32, #tpu.memory_space<hbm>>) target(%dma_start3A_35 : memref<128x64xi32, #tpu.memory_space<vmem>>) offsets(%dma_start3A_37 : memref<128xi32, #tpu.memory_space<vmem>>) semaphore(%arg14 : memref<!tpu.dma_semaphore, #tpu.memory_space<semaphore_mem>>)
    %dma_start3A_41 = arith.constant 0 : i32
    %dma_start3A_42 = arith.constant 0 : i32
    %dma_start3A_43 = arith.constant 0 : i32
    %dma_start3A_44 = tpu.memref_slice %arg9[%dma_start3A_41, %dma_start3A_42, %dma_start3A_43] : memref<3x128x64xi32, #tpu.memory_space<vmem>> -> memref<1x128x64xi32, #tpu.memory_space<vmem>>
    %dma_start3A_45 = tpu.memref_squeeze %dma_start3A_44 : memref<1x128x64xi32, #tpu.memory_space<vmem>> -> memref<128x64xi32, #tpu.memory_space<vmem>>
    %dma_start3A_46 = arith.constant 0 : i32
    %dma_start3A_47 = tpu.memref_slice %arg7[%dma_start3A_46] : memref<10000xi32, #tpu.memory_space<vmem>> -> memref<128xi32, #tpu.memory_space<vmem>>
    %dma_start3A_48 = arith.constant 0 : i32
    %dma_start3A_49 = arith.constant 0 : i32
    %dma_start3A_50 = tpu.memref_slice %arg3[%dma_start3A_48, %dma_start3A_49] : memref<10000x64xi32, #tpu.memory_space<hbm>> -> memref<10000x64xi32, #tpu.memory_space<hbm>>
    tpu.enqueue_indirect_dma source(%dma_start3A_50 : memref<10000x64xi32, #tpu.memory_space<hbm>>) target(%dma_start3A_45 : memref<128x64xi32, #tpu.memory_space<vmem>>) offsets(%dma_start3A_47 : memref<128xi32, #tpu.memory_space<vmem>>) semaphore(%arg17 : memref<!tpu.dma_semaphore, #tpu.memory_space<semaphore_mem>>)
    %dma_start3A_51 = arith.constant 1 : i32
    %dma_start3A_52 = arith.constant 0 : i32
    %dma_start3A_53 = arith.constant 0 : i32
    %dma_start3A_54 = tpu.memref_slice %arg8[%dma_start3A_51, %dma_start3A_52, %dma_start3A_53] : memref<3x128x64xi32, #tpu.memory_space<vmem>> -> memref<1x128x64xi32, #tpu.memory_space<vmem>>
    %dma_start3A_55 = tpu.memref_squeeze %dma_start3A_54 : memref<1x128x64xi32, #tpu.memory_space<vmem>> -> memref<128x64xi32, #tpu.memory_space<vmem>>
    %dma_start3A_56 = arith.constant 128 : i32
    %dma_start3A_57 = tpu.memref_slice %arg6[%dma_start3A_56] : memref<10000xi32, #tpu.memory_space<vmem>> -> memref<128xi32, #tpu.memory_space<vmem>>
    %dma_start3A_58 = arith.constant 0 : i32
    %dma_start3A_59 = arith.constant 0 : i32
    %dma_start3A_60 = tpu.memref_slice %arg2[%dma_start3A_58, %dma_start3A_59] : memref<10000x64xi32, #tpu.memory_space<hbm>> -> memref<10000x64xi32, #tpu.memory_space<hbm>>
    tpu.enqueue_indirect_dma source(%dma_start3A_60 : memref<10000x64xi32, #tpu.memory_space<hbm>>) target(%dma_start3A_55 : memref<128x64xi32, #tpu.memory_space<vmem>>) offsets(%dma_start3A_57 : memref<128xi32, #tpu.memory_space<vmem>>) semaphore(%arg15 : memref<!tpu.dma_semaphore, #tpu.memory_space<semaphore_mem>>)
    %dma_start3A_61 = arith.constant 1 : i32
    %dma_start3A_62 = arith.constant 0 : i32
    %dma_start3A_63 = arith.constant 0 : i32
    %dma_start3A_64 = tpu.memref_slice %arg9[%dma_start3A_61, %dma_start3A_62, %dma_start3A_63] : memref<3x128x64xi32, #tpu.memory_space<vmem>> -> memref<1x128x64xi32, #tpu.memory_space<vmem>>
    %dma_start3A_65 = tpu.memref_squeeze %dma_start3A_64 : memref<1x128x64xi32, #tpu.memory_space<vmem>> -> memref<128x64xi32, #tpu.memory_space<vmem>>
    %dma_start3A_66 = arith.constant 128 : i32
    %dma_start3A_67 = tpu.memref_slice %arg7[%dma_start3A_66] : memref<10000xi32, #tpu.memory_space<vmem>> -> memref<128xi32, #tpu.memory_space<vmem>>
    %dma_start3A_68 = arith.constant 0 : i32
    %dma_start3A_69 = arith.constant 0 : i32
    %dma_start3A_70 = tpu.memref_slice %arg3[%dma_start3A_68, %dma_start3A_69] : memref<10000x64xi32, #tpu.memory_space<hbm>> -> memref<10000x64xi32, #tpu.memory_space<hbm>>
    tpu.enqueue_indirect_dma source(%dma_start3A_70 : memref<10000x64xi32, #tpu.memory_space<hbm>>) target(%dma_start3A_65 : memref<128x64xi32, #tpu.memory_space<vmem>>) offsets(%dma_start3A_67 : memref<128xi32, #tpu.memory_space<vmem>>) semaphore(%arg18 : memref<!tpu.dma_semaphore, #tpu.memory_space<semaphore_mem>>)
    %scan3A = arith.constant 0 : i32
    %scan3A_71 = arith.constant -65536 : i32
    %scan3A_72 = arith.constant 0 : i32
    %scan3A_73 = arith.constant 26 : i32
    %scan3A_74 = arith.addi %scan3A_72, %scan3A_73 : i32
    %scan3A_75 = arith.constant 1 : i32
    scf.for %scan3A_131 = %scan3A_72 to %scan3A_74 step %scan3A_75  : i32 {
      %mul3A_132 = arith.constant 3 : i32
      %mul3A_133 = arith.muli %scan3A_131, %mul3A_132 : i32
      %add3A_134 = arith.constant 0 : i32
      %add3A_135 = arith.addi %mul3A_133, %add3A_134 : i32
      %dma_wait3A_136 = arith.constant 0 : i32
      %dma_wait3A_137 = arith.constant 0 : i32
      %dma_wait3A_138 = arith.constant 0 : i32
      %dma_wait3A_139 = tpu.memref_slice %arg8[%dma_wait3A_136, %dma_wait3A_137, %dma_wait3A_138] : memref<3x128x64xi32, #tpu.memory_space<vmem>> -> memref<1x128x64xi32, #tpu.memory_space<vmem>>
      %dma_wait3A_140 = tpu.memref_squeeze %dma_wait3A_139 : memref<1x128x64xi32, #tpu.memory_space<vmem>> -> memref<128x64xi32, #tpu.memory_space<vmem>>
      %dma_wait3A_141 = arith.constant 0 : i32
      %dma_wait3A_142 = tpu.memref_slice %arg6[%dma_wait3A_141] : memref<10000xi32, #tpu.memory_space<vmem>> -> memref<128xi32, #tpu.memory_space<vmem>>
      %dma_wait3A_143 = arith.constant 0 : i32
      %dma_wait3A_144 = arith.constant 0 : i32
      %dma_wait3A_145 = tpu.memref_slice %arg2[%dma_wait3A_143, %dma_wait3A_144] : memref<10000x64xi32, #tpu.memory_space<hbm>> -> memref<10000x64xi32, #tpu.memory_space<hbm>>
      tpu.wait_indirect_dma semaphore(%arg14 : memref<!tpu.dma_semaphore, #tpu.memory_space<semaphore_mem>>) src(%dma_wait3A_145 : memref<10000x64xi32, #tpu.memory_space<hbm>>) dst(%dma_wait3A_140 : memref<128x64xi32, #tpu.memory_space<vmem>>)
      %dma_wait3A_146 = arith.constant 0 : i32
      %dma_wait3A_147 = arith.constant 0 : i32
      %dma_wait3A_148 = arith.constant 0 : i32
      %dma_wait3A_149 = tpu.memref_slice %arg9[%dma_wait3A_146, %dma_wait3A_147, %dma_wait3A_148] : memref<3x128x64xi32, #tpu.memory_space<vmem>> -> memref<1x128x64xi32, #tpu.memory_space<vmem>>
      %dma_wait3A_150 = tpu.memref_squeeze %dma_wait3A_149 : memref<1x128x64xi32, #tpu.memory_space<vmem>> -> memref<128x64xi32, #tpu.memory_space<vmem>>
      %dma_wait3A_151 = arith.constant 0 : i32
      %dma_wait3A_152 = tpu.memref_slice %arg7[%dma_wait3A_151] : memref<10000xi32, #tpu.memory_space<vmem>> -> memref<128xi32, #tpu.memory_space<vmem>>
      %dma_wait3A_153 = arith.constant 0 : i32
      %dma_wait3A_154 = arith.constant 0 : i32
      %dma_wait3A_155 = tpu.memref_slice %arg3[%dma_wait3A_153, %dma_wait3A_154] : memref<10000x64xi32, #tpu.memory_space<hbm>> -> memref<10000x64xi32, #tpu.memory_space<hbm>>
      tpu.wait_indirect_dma semaphore(%arg17 : memref<!tpu.dma_semaphore, #tpu.memory_space<semaphore_mem>>) src(%dma_wait3A_155 : memref<10000x64xi32, #tpu.memory_space<hbm>>) dst(%dma_wait3A_150 : memref<128x64xi32, #tpu.memory_space<vmem>>)
      %add3A_156 = arith.constant 2 : i32
      %add3A_157 = arith.addi %add3A_135, %add3A_156 : i32
      %lt3A = arith.constant 78 : i32
      %lt3A_158 = arith.cmpi slt, %add3A_157, %lt3A : i32
      %convert_element_type3A = arith.extui %lt3A_158 : i1 to i32
      %cond3A = arith.constant 0 : i32
      %cond3A_159 = arith.cmpi ne, %convert_element_type3A, %cond3A : i32
      scf.if %cond3A_159 {
        %add3A_296 = arith.constant 2 : i32
        %add3A_297 = arith.addi %add3A_135, %add3A_296 : i32
        %mul3A_298 = arith.constant 128 : i32
        %mul3A_299 = arith.muli %add3A_297, %mul3A_298 : i32
        %dma_start3A_300 = arith.constant 2 : i32
        %dma_start3A_301 = arith.constant 0 : i32
        %dma_start3A_302 = arith.constant 0 : i32
        %dma_start3A_303 = tpu.memref_slice %arg8[%dma_start3A_300, %dma_start3A_301, %dma_start3A_302] : memref<3x128x64xi32, #tpu.memory_space<vmem>> -> memref<1x128x64xi32, #tpu.memory_space<vmem>>
        %dma_start3A_304 = tpu.memref_squeeze %dma_start3A_303 : memref<1x128x64xi32, #tpu.memory_space<vmem>> -> memref<128x64xi32, #tpu.memory_space<vmem>>
        %dma_start3A_305 = tpu.memref_slice %arg6[%mul3A_299] : memref<10000xi32, #tpu.memory_space<vmem>> -> memref<128xi32, #tpu.memory_space<vmem>>
        %dma_start3A_306 = arith.constant 0 : i32
        %dma_start3A_307 = arith.constant 0 : i32
        %dma_start3A_308 = tpu.memref_slice %arg2[%dma_start3A_306, %dma_start3A_307] : memref<10000x64xi32, #tpu.memory_space<hbm>> -> memref<10000x64xi32, #tpu.memory_space<hbm>>
        tpu.enqueue_indirect_dma source(%dma_start3A_308 : memref<10000x64xi32, #tpu.memory_space<hbm>>) target(%dma_start3A_304 : memref<128x64xi32, #tpu.memory_space<vmem>>) offsets(%dma_start3A_305 : memref<128xi32, #tpu.memory_space<vmem>>) semaphore(%arg16 : memref<!tpu.dma_semaphore, #tpu.memory_space<semaphore_mem>>)
        %mul3A_309 = arith.constant 128 : i32
        %mul3A_310 = arith.muli %add3A_297, %mul3A_309 : i32
        %dma_start3A_311 = arith.constant 2 : i32
        %dma_start3A_312 = arith.constant 0 : i32
        %dma_start3A_313 = arith.constant 0 : i32
        %dma_start3A_314 = tpu.memref_slice %arg9[%dma_start3A_311, %dma_start3A_312, %dma_start3A_313] : memref<3x128x64xi32, #tpu.memory_space<vmem>> -> memref<1x128x64xi32, #tpu.memory_space<vmem>>
        %dma_start3A_315 = tpu.memref_squeeze %dma_start3A_314 : memref<1x128x64xi32, #tpu.memory_space<vmem>> -> memref<128x64xi32, #tpu.memory_space<vmem>>
        %dma_start3A_316 = tpu.memref_slice %arg7[%mul3A_310] : memref<10000xi32, #tpu.memory_space<vmem>> -> memref<128xi32, #tpu.memory_space<vmem>>
        %dma_start3A_317 = arith.constant 0 : i32
        %dma_start3A_318 = arith.constant 0 : i32
        %dma_start3A_319 = tpu.memref_slice %arg3[%dma_start3A_317, %dma_start3A_318] : memref<10000x64xi32, #tpu.memory_space<hbm>> -> memref<10000x64xi32, #tpu.memory_space<hbm>>
        tpu.enqueue_indirect_dma source(%dma_start3A_319 : memref<10000x64xi32, #tpu.memory_space<hbm>>) target(%dma_start3A_315 : memref<128x64xi32, #tpu.memory_space<vmem>>) offsets(%dma_start3A_316 : memref<128xi32, #tpu.memory_space<vmem>>) semaphore(%arg19 : memref<!tpu.dma_semaphore, #tpu.memory_space<semaphore_mem>>)
      } else {
      }
      %ge3A = arith.constant 3 : i32
      %ge3A_160 = arith.cmpi sge, %add3A_135, %ge3A : i32
      %convert_element_type3A_161 = arith.extui %ge3A_160 : i1 to i32
      %cond3A_162 = arith.constant 0 : i32
      %cond3A_163 = arith.cmpi ne, %convert_element_type3A_161, %cond3A_162 : i32
      scf.if %cond3A_163 {
        %dma_wait3A_296 = arith.constant 0 : i32
        %dma_wait3A_297 = arith.constant 0 : i32
        %dma_wait3A_298 = tpu.memref_slice %arg10[%dma_wait3A_296, %dma_wait3A_297] : memref<3x16384xf32, #tpu.memory_space<vmem>> -> memref<1x16384xf32, #tpu.memory_space<vmem>>
        %dma_wait3A_299 = tpu.memref_squeeze %dma_wait3A_298 : memref<1x16384xf32, #tpu.memory_space<vmem>> -> memref<16384xf32, #tpu.memory_space<vmem>>
        %dma_wait3A_300 = arith.constant 0 : i32
        %dma_wait3A_301 = tpu.memref_slice %arg5[%dma_wait3A_300] : memref<40960000xf32, #tpu.memory_space<hbm>> -> memref<16384xf32, #tpu.memory_space<hbm>>
        %dma_wait3A_302 = arith.constant 0 : i32
        %dma_wait3A_303 = tpu.memref_slice %arg5[%dma_wait3A_302] : memref<40960000xf32, #tpu.memory_space<hbm>> -> memref<16384xf32, #tpu.memory_space<hbm>>
        %dma_wait3A_304 = arith.constant 0 : i32
        %dma_wait3A_305 = tpu.memref_slice %arg10[%dma_wait3A_296, %dma_wait3A_304] : memref<3x16384xf32, #tpu.memory_space<vmem>> -> memref<1x16384xf32, #tpu.memory_space<vmem>>
        %dma_wait3A_306 = tpu.memref_squeeze %dma_wait3A_305 : memref<1x16384xf32, #tpu.memory_space<vmem>> -> memref<16384xf32, #tpu.memory_space<vmem>>
        tpu.wait_dma2 semaphore(%arg20 : memref<!tpu.dma_semaphore, #tpu.memory_space<semaphore_mem>>) src(%dma_wait3A_306 : memref<16384xf32, #tpu.memory_space<vmem>>) dst(%dma_wait3A_303 : memref<16384xf32, #tpu.memory_space<hbm>>)
      } else {
      }
      %scan3A_164 = arith.constant 0 : i32
      %scan3A_165 = arith.constant 0 : i32
      %scan3A_166 = arith.constant 128 : i32
      %scan3A_167 = arith.addi %scan3A_165, %scan3A_166 : i32
      %scan3A_168 = arith.constant 2 : i32
      scf.for %scan3A_296 = %scan3A_165 to %scan3A_167 step %scan3A_168  : i32 {
        %mul3A_297 = arith.constant 128 : i32
        %mul3A_298 = arith.muli %scan3A_296, %mul3A_297 : i32
        %get3A = arith.constant 0 : i32
        %get3A_299 = arith.constant 0 : i32
        %get3A_300 = arith.constant 0 : i32
        %get3A_301 = tpu.memref_slice %arg8[%get3A, %get3A_299, %get3A_300] : memref<3x128x64xi32, #tpu.memory_space<vmem>> -> memref<1x128x64xi32, #tpu.memory_space<vmem>>
        %get3A_302 = tpu.memref_squeeze %get3A_301 : memref<1x128x64xi32, #tpu.memory_space<vmem>> -> memref<128x64xi32, #tpu.memory_space<vmem>>
        %get3A_303 = arith.index_cast %scan3A_296 : i32 to index
        %get3A_304 = arith.constant 0 : index
        %get3A_305 = tpu.vector_load %get3A_302[%get3A_303, %get3A_304] {strides = array<i32>} : memref<128x64xi32, #tpu.memory_space<vmem>>, vector<1x16xi32>,
        %get3A_306 = vector.shape_cast %get3A_305 : vector<1x16xi32> to vector<16xi32>
        %get3A_307 = arith.constant 0 : i32
        %get3A_308 = arith.constant 0 : i32
        %get3A_309 = arith.constant 0 : i32
        %get3A_310 = tpu.memref_slice %arg9[%get3A_307, %get3A_308, %get3A_309] : memref<3x128x64xi32, #tpu.memory_space<vmem>> -> memref<1x128x64xi32, #tpu.memory_space<vmem>>
        %get3A_311 = tpu.memref_squeeze %get3A_310 : memref<1x128x64xi32, #tpu.memory_space<vmem>> -> memref<128x64xi32, #tpu.memory_space<vmem>>
        %get3A_312 = arith.index_cast %scan3A_296 : i32 to index
        %get3A_313 = arith.constant 0 : index
        %get3A_314 = tpu.vector_load %get3A_311[%get3A_312, %get3A_313] {strides = array<i32>} : memref<128x64xi32, #tpu.memory_space<vmem>>, vector<1x16xi32>,
        %get3A_315 = vector.shape_cast %get3A_314 : vector<1x16xi32> to vector<16xi32>
        %shift_left3A = arith.constant 16 : i32
        %shift_left3A_316 = vector.broadcast %shift_left3A : i32 to vector<16xi32>
        %shift_left3A_317 = arith.shli %get3A_306, %shift_left3A_316 : vector<16xi32>
        %bitcast_convert_type3A = tpu.bitcast %shift_left3A_317 : vector<16xi32> -> vector<16xf32>
        %and3A = vector.broadcast %scan3A_71 : i32 to vector<16xi32>
        %and3A_318 = arith.andi %get3A_306, %and3A : vector<16xi32>
        %bitcast_convert_type3A_319 = tpu.bitcast %and3A_318 : vector<16xi32> -> vector<16xf32>
        %shift_left3A_320 = arith.constant 16 : i32
        %shift_left3A_321 = vector.broadcast %shift_left3A_320 : i32 to vector<16xi32>
        %shift_left3A_322 = arith.shli %get3A_315, %shift_left3A_321 : vector<16xi32>
        %bitcast_convert_type3A_323 = tpu.bitcast %shift_left3A_322 : vector<16xi32> -> vector<16xf32>
        %and3A_324 = vector.broadcast %scan3A_71 : i32 to vector<16xi32>
        %and3A_325 = arith.andi %get3A_315, %and3A_324 : vector<16xi32>
        %bitcast_convert_type3A_326 = tpu.bitcast %and3A_325 : vector<16xi32> -> vector<16xf32>
        %add3A_327 = arith.addf %bitcast_convert_type3A, %bitcast_convert_type3A_323 : vector<16xf32>
        %max3A = arith.constant 0.000000e+00 : f32
        %max3A_328 = vector.broadcast %max3A : f32 to vector<16xf32>
        %max3A_329 = arith.maximumf %add3A_327, %max3A_328 : vector<16xf32>
        %add3A_330 = arith.constant 0 : i32
        %add3A_331 = arith.addi %mul3A_298, %add3A_330 : i32
        %swap3A = arith.constant 0 : i32
        %swap3A_332 = arith.constant 0 : i32
        %swap3A_333 = tpu.memref_slice %arg10[%swap3A, %swap3A_332] : memref<3x16384xf32, #tpu.memory_space<vmem>> -> memref<1x16384xf32, #tpu.memory_space<vmem>>
        %swap3A_334 = tpu.memref_squeeze %swap3A_333 : memref<1x16384xf32, #tpu.memory_space<vmem>> -> memref<16384xf32, #tpu.memory_space<vmem>>
        %swap3A_335 = arith.index_cast %add3A_331 : i32 to index
        %swap3A_336 = tpu.vector_load %swap3A_334[%swap3A_335] {strides = array<i32>} : memref<16384xf32, #tpu.memory_space<vmem>>, vector<16xf32>,
        %swap3A_337 = vector.shape_cast %swap3A_336 : vector<16xf32> to vector<16xf32>
        %swap3A_338 = vector.shape_cast %max3A_329 : vector<16xf32> to vector<16xf32>
        tpu.vector_store %swap3A_334[%swap3A_335], %swap3A_338 {strides = array<i32>} : memref<16384xf32, #tpu.memory_space<vmem>>, vector<16xf32>,
        %add3A_339 = arith.addf %bitcast_convert_type3A_319, %bitcast_convert_type3A_326 : vector<16xf32>
        %max3A_340 = arith.constant 0.000000e+00 : f32
        %max3A_341 = vector.broadcast %max3A_340 : f32 to vector<16xf32>
        %max3A_342 = arith.maximumf %add3A_339, %max3A_341 : vector<16xf32>
        %add3A_343 = arith.constant 0 : i32
        %add3A_344 = arith.addi %mul3A_298, %add3A_343 : i32
        %add3A_345 = arith.constant 16 : i32
        %add3A_346 = arith.addi %add3A_344, %add3A_345 : i32
        %swap3A_347 = arith.constant 0 : i32
        %swap3A_348 = arith.constant 0 : i32
        %swap3A_349 = tpu.memref_slice %arg10[%swap3A_347, %swap3A_348] : memref<3x16384xf32, #tpu.memory_space<vmem>> -> memref<1x16384xf32, #tpu.memory_space<vmem>>
        %swap3A_350 = tpu.memref_squeeze %swap3A_349 : memref<1x16384xf32, #tpu.memory_space<vmem>> -> memref<16384xf32, #tpu.memory_space<vmem>>
        %swap3A_351 = arith.index_cast %add3A_346 : i32 to index
        %swap3A_352 = tpu.vector_load %swap3A_350[%swap3A_351] {strides = array<i32>} : memref<16384xf32, #tpu.memory_space<vmem>>, vector<16xf32>,
        %swap3A_353 = vector.shape_cast %swap3A_352 : vector<16xf32> to vector<16xf32>
        %swap3A_354 = vector.shape_cast %max3A_342 : vector<16xf32> to vector<16xf32>
        tpu.vector_store %swap3A_350[%swap3A_351], %swap3A_354 {strides = array<i32>} : memref<16384xf32, #tpu.memory_space<vmem>>, vector<16xf32>,
        %get3A_355 = arith.constant 0 : i32
        %get3A_356 = arith.constant 0 : i32
        %get3A_357 = arith.constant 0 : i32
        %get3A_358 = tpu.memref_slice %arg8[%get3A_355, %get3A_356, %get3A_357] : memref<3x128x64xi32, #tpu.memory_space<vmem>> -> memref<1x128x64xi32, #tpu.memory_space<vmem>>
        %get3A_359 = tpu.memref_squeeze %get3A_358 : memref<1x128x64xi32, #tpu.memory_space<vmem>> -> memref<128x64xi32, #tpu.memory_space<vmem>>
        %get3A_360 = arith.index_cast %scan3A_296 : i32 to index
        %get3A_361 = arith.constant 16 : index
        %get3A_362 = tpu.vector_load %get3A_359[%get3A_360, %get3A_361] {strides = array<i32>} : memref<128x64xi32, #tpu.memory_space<vmem>>, vector<1x16xi32>,
        %get3A_363 = vector.shape_cast %get3A_362 : vector<1x16xi32> to vector<16xi32>
        %get3A_364 = arith.constant 0 : i32
        %get3A_365 = arith.constant 0 : i32
        %get3A_366 = arith.constant 0 : i32
        %get3A_367 = tpu.memref_slice %arg9[%get3A_364, %get3A_365, %get3A_366] : memref<3x128x64xi32, #tpu.memory_space<vmem>> -> memref<1x128x64xi32, #tpu.memory_space<vmem>>
        %get3A_368 = tpu.memref_squeeze %get3A_367 : memref<1x128x64xi32, #tpu.memory_space<vmem>> -> memref<128x64xi32, #tpu.memory_space<vmem>>
        %get3A_369 = arith.index_cast %scan3A_296 : i32 to index
        %get3A_370 = arith.constant 16 : index
        %get3A_371 = tpu.vector_load %get3A_368[%get3A_369, %get3A_370] {strides = array<i32>} : memref<128x64xi32, #tpu.memory_space<vmem>>, vector<1x16xi32>,
        %get3A_372 = vector.shape_cast %get3A_371 : vector<1x16xi32> to vector<16xi32>
        %shift_left3A_373 = arith.constant 16 : i32
        %shift_left3A_374 = vector.broadcast %shift_left3A_373 : i32 to vector<16xi32>
        %shift_left3A_375 = arith.shli %get3A_363, %shift_left3A_374 : vector<16xi32>
        %bitcast_convert_type3A_376 = tpu.bitcast %shift_left3A_375 : vector<16xi32> -> vector<16xf32>
        %and3A_377 = vector.broadcast %scan3A_71 : i32 to vector<16xi32>
        %and3A_378 = arith.andi %get3A_363, %and3A_377 : vector<16xi32>
        %bitcast_convert_type3A_379 = tpu.bitcast %and3A_378 : vector<16xi32> -> vector<16xf32>
        %shift_left3A_380 = arith.constant 16 : i32
        %shift_left3A_381 = vector.broadcast %shift_left3A_380 : i32 to vector<16xi32>
        %shift_left3A_382 = arith.shli %get3A_372, %shift_left3A_381 : vector<16xi32>
        %bitcast_convert_type3A_383 = tpu.bitcast %shift_left3A_382 : vector<16xi32> -> vector<16xf32>
        %and3A_384 = vector.broadcast %scan3A_71 : i32 to vector<16xi32>
        %and3A_385 = arith.andi %get3A_372, %and3A_384 : vector<16xi32>
        %bitcast_convert_type3A_386 = tpu.bitcast %and3A_385 : vector<16xi32> -> vector<16xf32>
        %add3A_387 = arith.addf %bitcast_convert_type3A_376, %bitcast_convert_type3A_383 : vector<16xf32>
        %max3A_388 = arith.constant 0.000000e+00 : f32
        %max3A_389 = vector.broadcast %max3A_388 : f32 to vector<16xf32>
        %max3A_390 = arith.maximumf %add3A_387, %max3A_389 : vector<16xf32>
        %add3A_391 = arith.constant 32 : i32
        %add3A_392 = arith.addi %mul3A_298, %add3A_391 : i32
        %swap3A_393 = arith.constant 0 : i32
        %swap3A_394 = arith.constant 0 : i32
        %swap3A_395 = tpu.memref_slice %arg10[%swap3A_393, %swap3A_394] : memref<3x16384xf32, #tpu.memory_space<vmem>> -> memref<1x16384xf32, #tpu.memory_space<vmem>>
        %swap3A_396 = tpu.memref_squeeze %swap3A_395 : memref<1x16384xf32, #tpu.memory_space<vmem>> -> memref<16384xf32, #tpu.memory_space<vmem>>
        %swap3A_397 = arith.index_cast %add3A_392 : i32 to index
        %swap3A_398 = tpu.vector_load %swap3A_396[%swap3A_397] {strides = array<i32>} : memref<16384xf32, #tpu.memory_space<vmem>>, vector<16xf32>,
        %swap3A_399 = vector.shape_cast %swap3A_398 : vector<16xf32> to vector<16xf32>
        %swap3A_400 = vector.shape_cast %max3A_390 : vector<16xf32> to vector<16xf32>
        tpu.vector_store %swap3A_396[%swap3A_397], %swap3A_400 {strides = array<i32>} : memref<16384xf32, #tpu.memory_space<vmem>>, vector<16xf32>,
        %add3A_401 = arith.addf %bitcast_convert_type3A_379, %bitcast_convert_type3A_386 : vector<16xf32>
        %max3A_402 = arith.constant 0.000000e+00 : f32
        %max3A_403 = vector.broadcast %max3A_402 : f32 to vector<16xf32>
        %max3A_404 = arith.maximumf %add3A_401, %max3A_403 : vector<16xf32>
        %add3A_405 = arith.constant 32 : i32
        %add3A_406 = arith.addi %mul3A_298, %add3A_405 : i32
        %add3A_407 = arith.constant 16 : i32
        %add3A_408 = arith.addi %add3A_406, %add3A_407 : i32
        %swap3A_409 = arith.constant 0 : i32
        %swap3A_410 = arith.constant 0 : i32
        %swap3A_411 = tpu.memref_slice %arg10[%swap3A_409, %swap3A_410] : memref<3x16384xf32, #tpu.memory_space<vmem>> -> memref<1x16384xf32, #tpu.memory_space<vmem>>
        %swap3A_412 = tpu.memref_squeeze %swap3A_411 : memref<1x16384xf32, #tpu.memory_space<vmem>> -> memref<16384xf32, #tpu.memory_space<vmem>>
        %swap3A_413 = arith.index_cast %add3A_408 : i32 to index
        %swap3A_414 = tpu.vector_load %swap3A_412[%swap3A_413] {strides = array<i32>} : memref<16384xf32, #tpu.memory_space<vmem>>, vector<16xf32>,
        %swap3A_415 = vector.shape_cast %swap3A_414 : vector<16xf32> to vector<16xf32>
        %swap3A_416 = vector.shape_cast %max3A_404 : vector<16xf32> to vector<16xf32>
        tpu.vector_store %swap3A_412[%swap3A_413], %swap3A_416 {strides = array<i32>} : memref<16384xf32, #tpu.memory_space<vmem>>, vector<16xf32>,
        %get3A_417 = arith.constant 0 : i32
        %get3A_418 = arith.constant 0 : i32
        %get3A_419 = arith.constant 0 : i32
        %get3A_420 = tpu.memref_slice %arg8[%get3A_417, %get3A_418, %get3A_419] : memref<3x128x64xi32, #tpu.memory_space<vmem>> -> memref<1x128x64xi32, #tpu.memory_space<vmem>>
        %get3A_421 = tpu.memref_squeeze %get3A_420 : memref<1x128x64xi32, #tpu.memory_space<vmem>> -> memref<128x64xi32, #tpu.memory_space<vmem>>
        %get3A_422 = arith.index_cast %scan3A_296 : i32 to index
        %get3A_423 = arith.constant 32 : index
        %get3A_424 = tpu.vector_load %get3A_421[%get3A_422, %get3A_423] {strides = array<i32>} : memref<128x64xi32, #tpu.memory_space<vmem>>, vector<1x16xi32>,
        %get3A_425 = vector.shape_cast %get3A_424 : vector<1x16xi32> to vector<16xi32>
        %get3A_426 = arith.constant 0 : i32
        %get3A_427 = arith.constant 0 : i32
        %get3A_428 = arith.constant 0 : i32
        %get3A_429 = tpu.memref_slice %arg9[%get3A_426, %get3A_427, %get3A_428] : memref<3x128x64xi32, #tpu.memory_space<vmem>> -> memref<1x128x64xi32, #tpu.memory_space<vmem>>
        %get3A_430 = tpu.memref_squeeze %get3A_429 : memref<1x128x64xi32, #tpu.memory_space<vmem>> -> memref<128x64xi32, #tpu.memory_space<vmem>>
        %get3A_431 = arith.index_cast %scan3A_296 : i32 to index
        %get3A_432 = arith.constant 32 : index
        %get3A_433 = tpu.vector_load %get3A_430[%get3A_431, %get3A_432] {strides = array<i32>} : memref<128x64xi32, #tpu.memory_space<vmem>>, vector<1x16xi32>,
        %get3A_434 = vector.shape_cast %get3A_433 : vector<1x16xi32> to vector<16xi32>
        %shift_left3A_435 = arith.constant 16 : i32
        %shift_left3A_436 = vector.broadcast %shift_left3A_435 : i32 to vector<16xi32>
        %shift_left3A_437 = arith.shli %get3A_425, %shift_left3A_436 : vector<16xi32>
        %bitcast_convert_type3A_438 = tpu.bitcast %shift_left3A_437 : vector<16xi32> -> vector<16xf32>
        %and3A_439 = vector.broadcast %scan3A_71 : i32 to vector<16xi32>
        %and3A_440 = arith.andi %get3A_425, %and3A_439 : vector<16xi32>
        %bitcast_convert_type3A_441 = tpu.bitcast %and3A_440 : vector<16xi32> -> vector<16xf32>
        %shift_left3A_442 = arith.constant 16 : i32
        %shift_left3A_443 = vector.broadcast %shift_left3A_442 : i32 to vector<16xi32>
        %shift_left3A_444 = arith.shli %get3A_434, %shift_left3A_443 : vector<16xi32>
        %bitcast_convert_type3A_445 = tpu.bitcast %shift_left3A_444 : vector<16xi32> -> vector<16xf32>
        %and3A_446 = vector.broadcast %scan3A_71 : i32 to vector<16xi32>
        %and3A_447 = arith.andi %get3A_434, %and3A_446 : vector<16xi32>
        %bitcast_convert_type3A_448 = tpu.bitcast %and3A_447 : vector<16xi32> -> vector<16xf32>
        %add3A_449 = arith.addf %bitcast_convert_type3A_438, %bitcast_convert_type3A_445 : vector<16xf32>
        %max3A_450 = arith.constant 0.000000e+00 : f32
        %max3A_451 = vector.broadcast %max3A_450 : f32 to vector<16xf32>
        %max3A_452 = arith.maximumf %add3A_449, %max3A_451 : vector<16xf32>
        %add3A_453 = arith.constant 64 : i32
        %add3A_454 = arith.addi %mul3A_298, %add3A_453 : i32
        %swap3A_455 = arith.constant 0 : i32
        %swap3A_456 = arith.constant 0 : i32
        %swap3A_457 = tpu.memref_slice %arg10[%swap3A_455, %swap3A_456] : memref<3x16384xf32, #tpu.memory_space<vmem>> -> memref<1x16384xf32, #tpu.memory_space<vmem>>
        %swap3A_458 = tpu.memref_squeeze %swap3A_457 : memref<1x16384xf32, #tpu.memory_space<vmem>> -> memref<16384xf32, #tpu.memory_space<vmem>>
        %swap3A_459 = arith.index_cast %add3A_454 : i32 to index
        %swap3A_460 = tpu.vector_load %swap3A_458[%swap3A_459] {strides = array<i32>} : memref<16384xf32, #tpu.memory_space<vmem>>, vector<16xf32>,
        %swap3A_461 = vector.shape_cast %swap3A_460 : vector<16xf32> to vector<16xf32>
        %swap3A_462 = vector.shape_cast %max3A_452 : vector<16xf32> to vector<16xf32>
        tpu.vector_store %swap3A_458[%swap3A_459], %swap3A_462 {strides = array<i32>} : memref<16384xf32, #tpu.memory_space<vmem>>, vector<16xf32>,
        %add3A_463 = arith.addf %bitcast_convert_type3A_441, %bitcast_convert_type3A_448 : vector<16xf32>
        %max3A_464 = arith.constant 0.000000e+00 : f32
        %max3A_465 = vector.broadcast %max3A_464 : f32 to vector<16xf32>
        %max3A_466 = arith.maximumf %add3A_463, %max3A_465 : vector<16xf32>
        %add3A_467 = arith.constant 64 : i32
        %add3A_468 = arith.addi %mul3A_298, %add3A_467 : i32
        %add3A_469 = arith.constant 16 : i32
        %add3A_470 = arith.addi %add3A_468, %add3A_469 : i32
        %swap3A_471 = arith.constant 0 : i32
        %swap3A_472 = arith.constant 0 : i32
        %swap3A_473 = tpu.memref_slice %arg10[%swap3A_471, %swap3A_472] : memref<3x16384xf32, #tpu.memory_space<vmem>> -> memref<1x16384xf32, #tpu.memory_space<vmem>>
        %swap3A_474 = tpu.memref_squeeze %swap3A_473 : memref<1x16384xf32, #tpu.memory_space<vmem>> -> memref<16384xf32, #tpu.memory_space<vmem>>
        %swap3A_475 = arith.index_cast %add3A_470 : i32 to index
        %swap3A_476 = tpu.vector_load %swap3A_474[%swap3A_475] {strides = array<i32>} : memref<16384xf32, #tpu.memory_space<vmem>>, vector<16xf32>,
        %swap3A_477 = vector.shape_cast %swap3A_476 : vector<16xf32> to vector<16xf32>
        %swap3A_478 = vector.shape_cast %max3A_466 : vector<16xf32> to vector<16xf32>
        tpu.vector_store %swap3A_474[%swap3A_475], %swap3A_478 {strides = array<i32>} : memref<16384xf32, #tpu.memory_space<vmem>>, vector<16xf32>,
        %get3A_479 = arith.constant 0 : i32
        %get3A_480 = arith.constant 0 : i32
        %get3A_481 = arith.constant 0 : i32
        %get3A_482 = tpu.memref_slice %arg8[%get3A_479, %get3A_480, %get3A_481] : memref<3x128x64xi32, #tpu.memory_space<vmem>> -> memref<1x128x64xi32, #tpu.memory_space<vmem>>
        %get3A_483 = tpu.memref_squeeze %get3A_482 : memref<1x128x64xi32, #tpu.memory_space<vmem>> -> memref<128x64xi32, #tpu.memory_space<vmem>>
        %get3A_484 = arith.index_cast %scan3A_296 : i32 to index
        %get3A_485 = arith.constant 48 : index
        %get3A_486 = tpu.vector_load %get3A_483[%get3A_484, %get3A_485] {strides = array<i32>} : memref<128x64xi32, #tpu.memory_space<vmem>>, vector<1x16xi32>,
        %get3A_487 = vector.shape_cast %get3A_486 : vector<1x16xi32> to vector<16xi32>
        %get3A_488 = arith.constant 0 : i32
        %get3A_489 = arith.constant 0 : i32
        %get3A_490 = arith.constant 0 : i32
        %get3A_491 = tpu.memref_slice %arg9[%get3A_488, %get3A_489, %get3A_490] : memref<3x128x64xi32, #tpu.memory_space<vmem>> -> memref<1x128x64xi32, #tpu.memory_space<vmem>>
        %get3A_492 = tpu.memref_squeeze %get3A_491 : memref<1x128x64xi32, #tpu.memory_space<vmem>> -> memref<128x64xi32, #tpu.memory_space<vmem>>
        %get3A_493 = arith.index_cast %scan3A_296 : i32 to index
        %get3A_494 = arith.constant 48 : index
        %get3A_495 = tpu.vector_load %get3A_492[%get3A_493, %get3A_494] {strides = array<i32>} : memref<128x64xi32, #tpu.memory_space<vmem>>, vector<1x16xi32>,
        %get3A_496 = vector.shape_cast %get3A_495 : vector<1x16xi32> to vector<16xi32>
        %shift_left3A_497 = arith.constant 16 : i32
        %shift_left3A_498 = vector.broadcast %shift_left3A_497 : i32 to vector<16xi32>
        %shift_left3A_499 = arith.shli %get3A_487, %shift_left3A_498 : vector<16xi32>
        %bitcast_convert_type3A_500 = tpu.bitcast %shift_left3A_499 : vector<16xi32> -> vector<16xf32>
        %and3A_501 = vector.broadcast %scan3A_71 : i32 to vector<16xi32>
        %and3A_502 = arith.andi %get3A_487, %and3A_501 : vector<16xi32>
        %bitcast_convert_type3A_503 = tpu.bitcast %and3A_502 : vector<16xi32> -> vector<16xf32>
        %shift_left3A_504 = arith.constant 16 : i32
        %shift_left3A_505 = vector.broadcast %shift_left3A_504 : i32 to vector<16xi32>
        %shift_left3A_506 = arith.shli %get3A_496, %shift_left3A_505 : vector<16xi32>
        %bitcast_convert_type3A_507 = tpu.bitcast %shift_left3A_506 : vector<16xi32> -> vector<16xf32>
        %and3A_508 = vector.broadcast %scan3A_71 : i32 to vector<16xi32>
        %and3A_509 = arith.andi %get3A_496, %and3A_508 : vector<16xi32>
        %bitcast_convert_type3A_510 = tpu.bitcast %and3A_509 : vector<16xi32> -> vector<16xf32>
        %add3A_511 = arith.addf %bitcast_convert_type3A_500, %bitcast_convert_type3A_507 : vector<16xf32>
        %max3A_512 = arith.constant 0.000000e+00 : f32
        %max3A_513 = vector.broadcast %max3A_512 : f32 to vector<16xf32>
        %max3A_514 = arith.maximumf %add3A_511, %max3A_513 : vector<16xf32>
        %add3A_515 = arith.constant 96 : i32
        %add3A_516 = arith.addi %mul3A_298, %add3A_515 : i32
        %swap3A_517 = arith.constant 0 : i32
        %swap3A_518 = arith.constant 0 : i32
        %swap3A_519 = tpu.memref_slice %arg10[%swap3A_517, %swap3A_518] : memref<3x16384xf32, #tpu.memory_space<vmem>> -> memref<1x16384xf32, #tpu.memory_space<vmem>>
        %swap3A_520 = tpu.memref_squeeze %swap3A_519 : memref<1x16384xf32, #tpu.memory_space<vmem>> -> memref<16384xf32, #tpu.memory_space<vmem>>
        %swap3A_521 = arith.index_cast %add3A_516 : i32 to index
        %swap3A_522 = tpu.vector_load %swap3A_520[%swap3A_521] {strides = array<i32>} : memref<16384xf32, #tpu.memory_space<vmem>>, vector<16xf32>,
        %swap3A_523 = vector.shape_cast %swap3A_522 : vector<16xf32> to vector<16xf32>
        %swap3A_524 = vector.shape_cast %max3A_514 : vector<16xf32> to vector<16xf32>
        tpu.vector_store %swap3A_520[%swap3A_521], %swap3A_524 {strides = array<i32>} : memref<16384xf32, #tpu.memory_space<vmem>>, vector<16xf32>,
        %add3A_525 = arith.addf %bitcast_convert_type3A_503, %bitcast_convert_type3A_510 : vector<16xf32>
        %max3A_526 = arith.constant 0.000000e+00 : f32
        %max3A_527 = vector.broadcast %max3A_526 : f32 to vector<16xf32>
        %max3A_528 = arith.maximumf %add3A_525, %max3A_527 : vector<16xf32>
        %add3A_529 = arith.constant 96 : i32
        %add3A_530 = arith.addi %mul3A_298, %add3A_529 : i32
        %add3A_531 = arith.constant 16 : i32
        %add3A_532 = arith.addi %add3A_530, %add3A_531 : i32
        %swap3A_533 = arith.constant 0 : i32
        %swap3A_534 = arith.constant 0 : i32
        %swap3A_535 = tpu.memref_slice %arg10[%swap3A_533, %swap3A_534] : memref<3x16384xf32, #tpu.memory_space<vmem>> -> memref<1x16384xf32, #tpu.memory_space<vmem>>
        %swap3A_536 = tpu.memref_squeeze %swap3A_535 : memref<1x16384xf32, #tpu.memory_space<vmem>> -> memref<16384xf32, #tpu.memory_space<vmem>>
        %swap3A_537 = arith.index_cast %add3A_532 : i32 to index
        %swap3A_538 = tpu.vector_load %swap3A_536[%swap3A_537] {strides = array<i32>} : memref<16384xf32, #tpu.memory_space<vmem>>, vector<16xf32>,
        %swap3A_539 = vector.shape_cast %swap3A_538 : vector<16xf32> to vector<16xf32>
        %swap3A_540 = vector.shape_cast %max3A_528 : vector<16xf32> to vector<16xf32>
        tpu.vector_store %swap3A_536[%swap3A_537], %swap3A_540 {strides = array<i32>} : memref<16384xf32, #tpu.memory_space<vmem>>, vector<16xf32>,
        %scan3A_541 = arith.constant 1 : i32
        %scan3A_542 = arith.addi %scan3A_296, %scan3A_541 : i32
        %mul3A_543 = arith.constant 128 : i32
        %mul3A_544 = arith.muli %scan3A_542, %mul3A_543 : i32
        %get3A_545 = arith.constant 0 : i32
        %get3A_546 = arith.constant 0 : i32
        %get3A_547 = arith.constant 0 : i32
        %get3A_548 = tpu.memref_slice %arg8[%get3A_545, %get3A_546, %get3A_547] : memref<3x128x64xi32, #tpu.memory_space<vmem>> -> memref<1x128x64xi32, #tpu.memory_space<vmem>>
        %get3A_549 = tpu.memref_squeeze %get3A_548 : memref<1x128x64xi32, #tpu.memory_space<vmem>> -> memref<128x64xi32, #tpu.memory_space<vmem>>
        %get3A_550 = arith.index_cast %scan3A_542 : i32 to index
        %get3A_551 = arith.constant 0 : index
        %get3A_552 = tpu.vector_load %get3A_549[%get3A_550, %get3A_551] {strides = array<i32>} : memref<128x64xi32, #tpu.memory_space<vmem>>, vector<1x16xi32>,
        %get3A_553 = vector.shape_cast %get3A_552 : vector<1x16xi32> to vector<16xi32>
        %get3A_554 = arith.constant 0 : i32
        %get3A_555 = arith.constant 0 : i32
        %get3A_556 = arith.constant 0 : i32
        %get3A_557 = tpu.memref_slice %arg9[%get3A_554, %get3A_555, %get3A_556] : memref<3x128x64xi32, #tpu.memory_space<vmem>> -> memref<1x128x64xi32, #tpu.memory_space<vmem>>
        %get3A_558 = tpu.memref_squeeze %get3A_557 : memref<1x128x64xi32, #tpu.memory_space<vmem>> -> memref<128x64xi32, #tpu.memory_space<vmem>>
        %get3A_559 = arith.index_cast %scan3A_542 : i32 to index
        %get3A_560 = arith.constant 0 : index
        %get3A_561 = tpu.vector_load %get3A_558[%get3A_559, %get3A_560] {strides = array<i32>} : memref<128x64xi32, #tpu.memory_space<vmem>>, vector<1x16xi32>,
        %get3A_562 = vector.shape_cast %get3A_561 : vector<1x16xi32> to vector<16xi32>
        %shift_left3A_563 = arith.constant 16 : i32
        %shift_left3A_564 = vector.broadcast %shift_left3A_563 : i32 to vector<16xi32>
        %shift_left3A_565 = arith.shli %get3A_553, %shift_left3A_564 : vector<16xi32>
        %bitcast_convert_type3A_566 = tpu.bitcast %shift_left3A_565 : vector<16xi32> -> vector<16xf32>
        %and3A_567 = vector.broadcast %scan3A_71 : i32 to vector<16xi32>
        %and3A_568 = arith.andi %get3A_553, %and3A_567 : vector<16xi32>
        %bitcast_convert_type3A_569 = tpu.bitcast %and3A_568 : vector<16xi32> -> vector<16xf32>
        %shift_left3A_570 = arith.constant 16 : i32
        %shift_left3A_571 = vector.broadcast %shift_left3A_570 : i32 to vector<16xi32>
        %shift_left3A_572 = arith.shli %get3A_562, %shift_left3A_571 : vector<16xi32>
        %bitcast_convert_type3A_573 = tpu.bitcast %shift_left3A_572 : vector<16xi32> -> vector<16xf32>
        %and3A_574 = vector.broadcast %scan3A_71 : i32 to vector<16xi32>
        %and3A_575 = arith.andi %get3A_562, %and3A_574 : vector<16xi32>
        %bitcast_convert_type3A_576 = tpu.bitcast %and3A_575 : vector<16xi32> -> vector<16xf32>
        %add3A_577 = arith.addf %bitcast_convert_type3A_566, %bitcast_convert_type3A_573 : vector<16xf32>
        %max3A_578 = arith.constant 0.000000e+00 : f32
        %max3A_579 = vector.broadcast %max3A_578 : f32 to vector<16xf32>
        %max3A_580 = arith.maximumf %add3A_577, %max3A_579 : vector<16xf32>
        %add3A_581 = arith.constant 0 : i32
        %add3A_582 = arith.addi %mul3A_544, %add3A_581 : i32
        %swap3A_583 = arith.constant 0 : i32
        %swap3A_584 = arith.constant 0 : i32
        %swap3A_585 = tpu.memref_slice %arg10[%swap3A_583, %swap3A_584] : memref<3x16384xf32, #tpu.memory_space<vmem>> -> memref<1x16384xf32, #tpu.memory_space<vmem>>
        %swap3A_586 = tpu.memref_squeeze %swap3A_585 : memref<1x16384xf32, #tpu.memory_space<vmem>> -> memref<16384xf32, #tpu.memory_space<vmem>>
        %swap3A_587 = arith.index_cast %add3A_582 : i32 to index
        %swap3A_588 = tpu.vector_load %swap3A_586[%swap3A_587] {strides = array<i32>} : memref<16384xf32, #tpu.memory_space<vmem>>, vector<16xf32>,
        %swap3A_589 = vector.shape_cast %swap3A_588 : vector<16xf32> to vector<16xf32>
        %swap3A_590 = vector.shape_cast %max3A_580 : vector<16xf32> to vector<16xf32>
        tpu.vector_store %swap3A_586[%swap3A_587], %swap3A_590 {strides = array<i32>} : memref<16384xf32, #tpu.memory_space<vmem>>, vector<16xf32>,
        %add3A_591 = arith.addf %bitcast_convert_type3A_569, %bitcast_convert_type3A_576 : vector<16xf32>
        %max3A_592 = arith.constant 0.000000e+00 : f32
        %max3A_593 = vector.broadcast %max3A_592 : f32 to vector<16xf32>
        %max3A_594 = arith.maximumf %add3A_591, %max3A_593 : vector<16xf32>
        %add3A_595 = arith.constant 0 : i32
        %add3A_596 = arith.addi %mul3A_544, %add3A_595 : i32
        %add3A_597 = arith.constant 16 : i32
        %add3A_598 = arith.addi %add3A_596, %add3A_597 : i32
        %swap3A_599 = arith.constant 0 : i32
        %swap3A_600 = arith.constant 0 : i32
        %swap3A_601 = tpu.memref_slice %arg10[%swap3A_599, %swap3A_600] : memref<3x16384xf32, #tpu.memory_space<vmem>> -> memref<1x16384xf32, #tpu.memory_space<vmem>>
        %swap3A_602 = tpu.memref_squeeze %swap3A_601 : memref<1x16384xf32, #tpu.memory_space<vmem>> -> memref<16384xf32, #tpu.memory_space<vmem>>
        %swap3A_603 = arith.index_cast %add3A_598 : i32 to index
        %swap3A_604 = tpu.vector_load %swap3A_602[%swap3A_603] {strides = array<i32>} : memref<16384xf32, #tpu.memory_space<vmem>>, vector<16xf32>,
        %swap3A_605 = vector.shape_cast %swap3A_604 : vector<16xf32> to vector<16xf32>
        %swap3A_606 = vector.shape_cast %max3A_594 : vector<16xf32> to vector<16xf32>
        tpu.vector_store %swap3A_602[%swap3A_603], %swap3A_606 {strides = array<i32>} : memref<16384xf32, #tpu.memory_space<vmem>>, vector<16xf32>,
        %get3A_607 = arith.constant 0 : i32
        %get3A_608 = arith.constant 0 : i32
        %get3A_609 = arith.constant 0 : i32
        %get3A_610 = tpu.memref_slice %arg8[%get3A_607, %get3A_608, %get3A_609] : memref<3x128x64xi32, #tpu.memory_space<vmem>> -> memref<1x128x64xi32, #tpu.memory_space<vmem>>
        %get3A_611 = tpu.memref_squeeze %get3A_610 : memref<1x128x64xi32, #tpu.memory_space<vmem>> -> memref<128x64xi32, #tpu.memory_space<vmem>>
        %get3A_612 = arith.index_cast %scan3A_542 : i32 to index
        %get3A_613 = arith.constant 16 : index
        %get3A_614 = tpu.vector_load %get3A_611[%get3A_612, %get3A_613] {strides = array<i32>} : memref<128x64xi32, #tpu.memory_space<vmem>>, vector<1x16xi32>,
        %get3A_615 = vector.shape_cast %get3A_614 : vector<1x16xi32> to vector<16xi32>
        %get3A_616 = arith.constant 0 : i32
        %get3A_617 = arith.constant 0 : i32
        %get3A_618 = arith.constant 0 : i32
        %get3A_619 = tpu.memref_slice %arg9[%get3A_616, %get3A_617, %get3A_618] : memref<3x128x64xi32, #tpu.memory_space<vmem>> -> memref<1x128x64xi32, #tpu.memory_space<vmem>>
        %get3A_620 = tpu.memref_squeeze %get3A_619 : memref<1x128x64xi32, #tpu.memory_space<vmem>> -> memref<128x64xi32, #tpu.memory_space<vmem>>
        %get3A_621 = arith.index_cast %scan3A_542 : i32 to index
        %get3A_622 = arith.constant 16 : index
        %get3A_623 = tpu.vector_load %get3A_620[%get3A_621, %get3A_622] {strides = array<i32>} : memref<128x64xi32, #tpu.memory_space<vmem>>, vector<1x16xi32>,
        %get3A_624 = vector.shape_cast %get3A_623 : vector<1x16xi32> to vector<16xi32>
        %shift_left3A_625 = arith.constant 16 : i32
        %shift_left3A_626 = vector.broadcast %shift_left3A_625 : i32 to vector<16xi32>
        %shift_left3A_627 = arith.shli %get3A_615, %shift_left3A_626 : vector<16xi32>
        %bitcast_convert_type3A_628 = tpu.bitcast %shift_left3A_627 : vector<16xi32> -> vector<16xf32>
        %and3A_629 = vector.broadcast %scan3A_71 : i32 to vector<16xi32>
        %and3A_630 = arith.andi %get3A_615, %and3A_629 : vector<16xi32>
        %bitcast_convert_type3A_631 = tpu.bitcast %and3A_630 : vector<16xi32> -> vector<16xf32>
        %shift_left3A_632 = arith.constant 16 : i32
        %shift_left3A_633 = vector.broadcast %shift_left3A_632 : i32 to vector<16xi32>
        %shift_left3A_634 = arith.shli %get3A_624, %shift_left3A_633 : vector<16xi32>
        %bitcast_convert_type3A_635 = tpu.bitcast %shift_left3A_634 : vector<16xi32> -> vector<16xf32>
        %and3A_636 = vector.broadcast %scan3A_71 : i32 to vector<16xi32>
        %and3A_637 = arith.andi %get3A_624, %and3A_636 : vector<16xi32>
        %bitcast_convert_type3A_638 = tpu.bitcast %and3A_637 : vector<16xi32> -> vector<16xf32>
        %add3A_639 = arith.addf %bitcast_convert_type3A_628, %bitcast_convert_type3A_635 : vector<16xf32>
        %max3A_640 = arith.constant 0.000000e+00 : f32
        %max3A_641 = vector.broadcast %max3A_640 : f32 to vector<16xf32>
        %max3A_642 = arith.maximumf %add3A_639, %max3A_641 : vector<16xf32>
        %add3A_643 = arith.constant 32 : i32
        %add3A_644 = arith.addi %mul3A_544, %add3A_643 : i32
        %swap3A_645 = arith.constant 0 : i32
        %swap3A_646 = arith.constant 0 : i32
        %swap3A_647 = tpu.memref_slice %arg10[%swap3A_645, %swap3A_646] : memref<3x16384xf32, #tpu.memory_space<vmem>> -> memref<1x16384xf32, #tpu.memory_space<vmem>>
        %swap3A_648 = tpu.memref_squeeze %swap3A_647 : memref<1x16384xf32, #tpu.memory_space<vmem>> -> memref<16384xf32, #tpu.memory_space<vmem>>
        %swap3A_649 = arith.index_cast %add3A_644 : i32 to index
        %swap3A_650 = tpu.vector_load %swap3A_648[%swap3A_649] {strides = array<i32>} : memref<16384xf32, #tpu.memory_space<vmem>>, vector<16xf32>,
        %swap3A_651 = vector.shape_cast %swap3A_650 : vector<16xf32> to vector<16xf32>
        %swap3A_652 = vector.shape_cast %max3A_642 : vector<16xf32> to vector<16xf32>
        tpu.vector_store %swap3A_648[%swap3A_649], %swap3A_652 {strides = array<i32>} : memref<16384xf32, #tpu.memory_space<vmem>>, vector<16xf32>,
        %add3A_653 = arith.addf %bitcast_convert_type3A_631, %bitcast_convert_type3A_638 : vector<16xf32>
        %max3A_654 = arith.constant 0.000000e+00 : f32
        %max3A_655 = vector.broadcast %max3A_654 : f32 to vector<16xf32>
        %max3A_656 = arith.maximumf %add3A_653, %max3A_655 : vector<16xf32>
        %add3A_657 = arith.constant 32 : i32
        %add3A_658 = arith.addi %mul3A_544, %add3A_657 : i32
        %add3A_659 = arith.constant 16 : i32
        %add3A_660 = arith.addi %add3A_658, %add3A_659 : i32
        %swap3A_661 = arith.constant 0 : i32
        %swap3A_662 = arith.constant 0 : i32
        %swap3A_663 = tpu.memref_slice %arg10[%swap3A_661, %swap3A_662] : memref<3x16384xf32, #tpu.memory_space<vmem>> -> memref<1x16384xf32, #tpu.memory_space<vmem>>
        %swap3A_664 = tpu.memref_squeeze %swap3A_663 : memref<1x16384xf32, #tpu.memory_space<vmem>> -> memref<16384xf32, #tpu.memory_space<vmem>>
        %swap3A_665 = arith.index_cast %add3A_660 : i32 to index
        %swap3A_666 = tpu.vector_load %swap3A_664[%swap3A_665] {strides = array<i32>} : memref<16384xf32, #tpu.memory_space<vmem>>, vector<16xf32>,
        %swap3A_667 = vector.shape_cast %swap3A_666 : vector<16xf32> to vector<16xf32>
        %swap3A_668 = vector.shape_cast %max3A_656 : vector<16xf32> to vector<16xf32>
        tpu.vector_store %swap3A_664[%swap3A_665], %swap3A_668 {strides = array<i32>} : memref<16384xf32, #tpu.memory_space<vmem>>, vector<16xf32>,
        %get3A_669 = arith.constant 0 : i32
        %get3A_670 = arith.constant 0 : i32
        %get3A_671 = arith.constant 0 : i32
        %get3A_672 = tpu.memref_slice %arg8[%get3A_669, %get3A_670, %get3A_671] : memref<3x128x64xi32, #tpu.memory_space<vmem>> -> memref<1x128x64xi32, #tpu.memory_space<vmem>>
        %get3A_673 = tpu.memref_squeeze %get3A_672 : memref<1x128x64xi32, #tpu.memory_space<vmem>> -> memref<128x64xi32, #tpu.memory_space<vmem>>
        %get3A_674 = arith.index_cast %scan3A_542 : i32 to index
        %get3A_675 = arith.constant 32 : index
        %get3A_676 = tpu.vector_load %get3A_673[%get3A_674, %get3A_675] {strides = array<i32>} : memref<128x64xi32, #tpu.memory_space<vmem>>, vector<1x16xi32>,
        %get3A_677 = vector.shape_cast %get3A_676 : vector<1x16xi32> to vector<16xi32>
        %get3A_678 = arith.constant 0 : i32
        %get3A_679 = arith.constant 0 : i32
        %get3A_680 = arith.constant 0 : i32
        %get3A_681 = tpu.memref_slice %arg9[%get3A_678, %get3A_679, %get3A_680] : memref<3x128x64xi32, #tpu.memory_space<vmem>> -> memref<1x128x64xi32, #tpu.memory_space<vmem>>
        %get3A_682 = tpu.memref_squeeze %get3A_681 : memref<1x128x64xi32, #tpu.memory_space<vmem>> -> memref<128x64xi32, #tpu.memory_space<vmem>>
        %get3A_683 = arith.index_cast %scan3A_542 : i32 to index
        %get3A_684 = arith.constant 32 : index
        %get3A_685 = tpu.vector_load %get3A_682[%get3A_683, %get3A_684] {strides = array<i32>} : memref<128x64xi32, #tpu.memory_space<vmem>>, vector<1x16xi32>,
        %get3A_686 = vector.shape_cast %get3A_685 : vector<1x16xi32> to vector<16xi32>
        %shift_left3A_687 = arith.constant 16 : i32
        %shift_left3A_688 = vector.broadcast %shift_left3A_687 : i32 to vector<16xi32>
        %shift_left3A_689 = arith.shli %get3A_677, %shift_left3A_688 : vector<16xi32>
        %bitcast_convert_type3A_690 = tpu.bitcast %shift_left3A_689 : vector<16xi32> -> vector<16xf32>
        %and3A_691 = vector.broadcast %scan3A_71 : i32 to vector<16xi32>
        %and3A_692 = arith.andi %get3A_677, %and3A_691 : vector<16xi32>
        %bitcast_convert_type3A_693 = tpu.bitcast %and3A_692 : vector<16xi32> -> vector<16xf32>
        %shift_left3A_694 = arith.constant 16 : i32
        %shift_left3A_695 = vector.broadcast %shift_left3A_694 : i32 to vector<16xi32>
        %shift_left3A_696 = arith.shli %get3A_686, %shift_left3A_695 : vector<16xi32>
        %bitcast_convert_type3A_697 = tpu.bitcast %shift_left3A_696 : vector<16xi32> -> vector<16xf32>
        %and3A_698 = vector.broadcast %scan3A_71 : i32 to vector<16xi32>
        %and3A_699 = arith.andi %get3A_686, %and3A_698 : vector<16xi32>
        %bitcast_convert_type3A_700 = tpu.bitcast %and3A_699 : vector<16xi32> -> vector<16xf32>
        %add3A_701 = arith.addf %bitcast_convert_type3A_690, %bitcast_convert_type3A_697 : vector<16xf32>
        %max3A_702 = arith.constant 0.000000e+00 : f32
        %max3A_703 = vector.broadcast %max3A_702 : f32 to vector<16xf32>
        %max3A_704 = arith.maximumf %add3A_701, %max3A_703 : vector<16xf32>
        %add3A_705 = arith.constant 64 : i32
        %add3A_706 = arith.addi %mul3A_544, %add3A_705 : i32
        %swap3A_707 = arith.constant 0 : i32
        %swap3A_708 = arith.constant 0 : i32
        %swap3A_709 = tpu.memref_slice %arg10[%swap3A_707, %swap3A_708] : memref<3x16384xf32, #tpu.memory_space<vmem>> -> memref<1x16384xf32, #tpu.memory_space<vmem>>
        %swap3A_710 = tpu.memref_squeeze %swap3A_709 : memref<1x16384xf32, #tpu.memory_space<vmem>> -> memref<16384xf32, #tpu.memory_space<vmem>>
        %swap3A_711 = arith.index_cast %add3A_706 : i32 to index
        %swap3A_712 = tpu.vector_load %swap3A_710[%swap3A_711] {strides = array<i32>} : memref<16384xf32, #tpu.memory_space<vmem>>, vector<16xf32>,
        %swap3A_713 = vector.shape_cast %swap3A_712 : vector<16xf32> to vector<16xf32>
        %swap3A_714 = vector.shape_cast %max3A_704 : vector<16xf32> to vector<16xf32>
        tpu.vector_store %swap3A_710[%swap3A_711], %swap3A_714 {strides = array<i32>} : memref<16384xf32, #tpu.memory_space<vmem>>, vector<16xf32>,
        %add3A_715 = arith.addf %bitcast_convert_type3A_693, %bitcast_convert_type3A_700 : vector<16xf32>
        %max3A_716 = arith.constant 0.000000e+00 : f32
        %max3A_717 = vector.broadcast %max3A_716 : f32 to vector<16xf32>
        %max3A_718 = arith.maximumf %add3A_715, %max3A_717 : vector<16xf32>
        %add3A_719 = arith.constant 64 : i32
        %add3A_720 = arith.addi %mul3A_544, %add3A_719 : i32
        %add3A_721 = arith.constant 16 : i32
        %add3A_722 = arith.addi %add3A_720, %add3A_721 : i32
        %swap3A_723 = arith.constant 0 : i32
        %swap3A_724 = arith.constant 0 : i32
        %swap3A_725 = tpu.memref_slice %arg10[%swap3A_723, %swap3A_724] : memref<3x16384xf32, #tpu.memory_space<vmem>> -> memref<1x16384xf32, #tpu.memory_space<vmem>>
        %swap3A_726 = tpu.memref_squeeze %swap3A_725 : memref<1x16384xf32, #tpu.memory_space<vmem>> -> memref<16384xf32, #tpu.memory_space<vmem>>
        %swap3A_727 = arith.index_cast %add3A_722 : i32 to index
        %swap3A_728 = tpu.vector_load %swap3A_726[%swap3A_727] {strides = array<i32>} : memref<16384xf32, #tpu.memory_space<vmem>>, vector<16xf32>,
        %swap3A_729 = vector.shape_cast %swap3A_728 : vector<16xf32> to vector<16xf32>
        %swap3A_730 = vector.shape_cast %max3A_718 : vector<16xf32> to vector<16xf32>
        tpu.vector_store %swap3A_726[%swap3A_727], %swap3A_730 {strides = array<i32>} : memref<16384xf32, #tpu.memory_space<vmem>>, vector<16xf32>,
        %get3A_731 = arith.constant 0 : i32
        %get3A_732 = arith.constant 0 : i32
        %get3A_733 = arith.constant 0 : i32
        %get3A_734 = tpu.memref_slice %arg8[%get3A_731, %get3A_732, %get3A_733] : memref<3x128x64xi32, #tpu.memory_space<vmem>> -> memref<1x128x64xi32, #tpu.memory_space<vmem>>
        %get3A_735 = tpu.memref_squeeze %get3A_734 : memref<1x128x64xi32, #tpu.memory_space<vmem>> -> memref<128x64xi32, #tpu.memory_space<vmem>>
        %get3A_736 = arith.index_cast %scan3A_542 : i32 to index
        %get3A_737 = arith.constant 48 : index
        %get3A_738 = tpu.vector_load %get3A_735[%get3A_736, %get3A_737] {strides = array<i32>} : memref<128x64xi32, #tpu.memory_space<vmem>>, vector<1x16xi32>,
        %get3A_739 = vector.shape_cast %get3A_738 : vector<1x16xi32> to vector<16xi32>
        %get3A_740 = arith.constant 0 : i32
        %get3A_741 = arith.constant 0 : i32
        %get3A_742 = arith.constant 0 : i32
        %get3A_743 = tpu.memref_slice %arg9[%get3A_740, %get3A_741, %get3A_742] : memref<3x128x64xi32, #tpu.memory_space<vmem>> -> memref<1x128x64xi32, #tpu.memory_space<vmem>>
        %get3A_744 = tpu.memref_squeeze %get3A_743 : memref<1x128x64xi32, #tpu.memory_space<vmem>> -> memref<128x64xi32, #tpu.memory_space<vmem>>
        %get3A_745 = arith.index_cast %scan3A_542 : i32 to index
        %get3A_746 = arith.constant 48 : index
        %get3A_747 = tpu.vector_load %get3A_744[%get3A_745, %get3A_746] {strides = array<i32>} : memref<128x64xi32, #tpu.memory_space<vmem>>, vector<1x16xi32>,
        %get3A_748 = vector.shape_cast %get3A_747 : vector<1x16xi32> to vector<16xi32>
        %shift_left3A_749 = arith.constant 16 : i32
        %shift_left3A_750 = vector.broadcast %shift_left3A_749 : i32 to vector<16xi32>
        %shift_left3A_751 = arith.shli %get3A_739, %shift_left3A_750 : vector<16xi32>
        %bitcast_convert_type3A_752 = tpu.bitcast %shift_left3A_751 : vector<16xi32> -> vector<16xf32>
        %and3A_753 = vector.broadcast %scan3A_71 : i32 to vector<16xi32>
        %and3A_754 = arith.andi %get3A_739, %and3A_753 : vector<16xi32>
        %bitcast_convert_type3A_755 = tpu.bitcast %and3A_754 : vector<16xi32> -> vector<16xf32>
        %shift_left3A_756 = arith.constant 16 : i32
        %shift_left3A_757 = vector.broadcast %shift_left3A_756 : i32 to vector<16xi32>
        %shift_left3A_758 = arith.shli %get3A_748, %shift_left3A_757 : vector<16xi32>
        %bitcast_convert_type3A_759 = tpu.bitcast %shift_left3A_758 : vector<16xi32> -> vector<16xf32>
        %and3A_760 = vector.broadcast %scan3A_71 : i32 to vector<16xi32>
        %and3A_761 = arith.andi %get3A_748, %and3A_760 : vector<16xi32>
        %bitcast_convert_type3A_762 = tpu.bitcast %and3A_761 : vector<16xi32> -> vector<16xf32>
        %add3A_763 = arith.addf %bitcast_convert_type3A_752, %bitcast_convert_type3A_759 : vector<16xf32>
        %max3A_764 = arith.constant 0.000000e+00 : f32
        %max3A_765 = vector.broadcast %max3A_764 : f32 to vector<16xf32>
        %max3A_766 = arith.maximumf %add3A_763, %max3A_765 : vector<16xf32>
        %add3A_767 = arith.constant 96 : i32
        %add3A_768 = arith.addi %mul3A_544, %add3A_767 : i32
        %swap3A_769 = arith.constant 0 : i32
        %swap3A_770 = arith.constant 0 : i32
        %swap3A_771 = tpu.memref_slice %arg10[%swap3A_769, %swap3A_770] : memref<3x16384xf32, #tpu.memory_space<vmem>> -> memref<1x16384xf32, #tpu.memory_space<vmem>>
        %swap3A_772 = tpu.memref_squeeze %swap3A_771 : memref<1x16384xf32, #tpu.memory_space<vmem>> -> memref<16384xf32, #tpu.memory_space<vmem>>
        %swap3A_773 = arith.index_cast %add3A_768 : i32 to index
        %swap3A_774 = tpu.vector_load %swap3A_772[%swap3A_773] {strides = array<i32>} : memref<16384xf32, #tpu.memory_space<vmem>>, vector<16xf32>,
        %swap3A_775 = vector.shape_cast %swap3A_774 : vector<16xf32> to vector<16xf32>
        %swap3A_776 = vector.shape_cast %max3A_766 : vector<16xf32> to vector<16xf32>
        tpu.vector_store %swap3A_772[%swap3A_773], %swap3A_776 {strides = array<i32>} : memref<16384xf32, #tpu.memory_space<vmem>>, vector<16xf32>,
        %add3A_777 = arith.addf %bitcast_convert_type3A_755, %bitcast_convert_type3A_762 : vector<16xf32>
        %max3A_778 = arith.constant 0.000000e+00 : f32
        %max3A_779 = vector.broadcast %max3A_778 : f32 to vector<16xf32>
        %max3A_780 = arith.maximumf %add3A_777, %max3A_779 : vector<16xf32>
        %add3A_781 = arith.constant 96 : i32
        %add3A_782 = arith.addi %mul3A_544, %add3A_781 : i32
        %add3A_783 = arith.constant 16 : i32
        %add3A_784 = arith.addi %add3A_782, %add3A_783 : i32
        %swap3A_785 = arith.constant 0 : i32
        %swap3A_786 = arith.constant 0 : i32
        %swap3A_787 = tpu.memref_slice %arg10[%swap3A_785, %swap3A_786] : memref<3x16384xf32, #tpu.memory_space<vmem>> -> memref<1x16384xf32, #tpu.memory_space<vmem>>
        %swap3A_788 = tpu.memref_squeeze %swap3A_787 : memref<1x16384xf32, #tpu.memory_space<vmem>> -> memref<16384xf32, #tpu.memory_space<vmem>>
        %swap3A_789 = arith.index_cast %add3A_784 : i32 to index
        %swap3A_790 = tpu.vector_load %swap3A_788[%swap3A_789] {strides = array<i32>} : memref<16384xf32, #tpu.memory_space<vmem>>, vector<16xf32>,
        %swap3A_791 = vector.shape_cast %swap3A_790 : vector<16xf32> to vector<16xf32>
        %swap3A_792 = vector.shape_cast %max3A_780 : vector<16xf32> to vector<16xf32>
        tpu.vector_store %swap3A_788[%swap3A_789], %swap3A_792 {strides = array<i32>} : memref<16384xf32, #tpu.memory_space<vmem>>, vector<16xf32>,
      }
      %scan3A_169 = arith.constant 128 : i32
      %mul3A_170 = arith.constant 128 : i32
      %mul3A_171 = arith.muli %add3A_135, %mul3A_170 : i32
      %add3A_172 = arith.addi %mul3A_2, %mul3A_171 : i32
      %mul3A_173 = arith.constant 128 : i32
      %mul3A_174 = arith.muli %add3A_172, %mul3A_173 : i32
      %dma_start3A_175 = arith.constant 0 : i32
      %dma_start3A_176 = arith.constant 0 : i32
      %dma_start3A_177 = tpu.memref_slice %arg10[%dma_start3A_175, %dma_start3A_176] : memref<3x16384xf32, #tpu.memory_space<vmem>> -> memref<1x16384xf32, #tpu.memory_space<vmem>>
      %dma_start3A_178 = tpu.memref_squeeze %dma_start3A_177 : memref<1x16384xf32, #tpu.memory_space<vmem>> -> memref<16384xf32, #tpu.memory_space<vmem>>
      %dma_start3A_179 = tpu.memref_slice %arg5[%mul3A_174] : memref<40960000xf32, #tpu.memory_space<hbm>> -> memref<16384xf32, #tpu.memory_space<hbm>>
      %dma_start3A_180 = tpu.memref_slice %arg5[%mul3A_174] : memref<40960000xf32, #tpu.memory_space<hbm>> -> memref<16384xf32, #tpu.memory_space<hbm>>
      %dma_start3A_181 = arith.constant 0 : i32
      %dma_start3A_182 = tpu.memref_slice %arg10[%dma_start3A_175, %dma_start3A_181] : memref<3x16384xf32, #tpu.memory_space<vmem>> -> memref<1x16384xf32, #tpu.memory_space<vmem>>
      %dma_start3A_183 = tpu.memref_squeeze %dma_start3A_182 : memref<1x16384xf32, #tpu.memory_space<vmem>> -> memref<16384xf32, #tpu.memory_space<vmem>>
      tpu.enqueue_dma source(%dma_start3A_183 : memref<16384xf32, #tpu.memory_space<vmem>>) target(%dma_start3A_180 : memref<16384xf32, #tpu.memory_space<hbm>>) target_semaphore(%arg20 : memref<!tpu.dma_semaphore, #tpu.memory_space<semaphore_mem>>)
      %mul3A_184 = arith.constant 3 : i32
      %mul3A_185 = arith.muli %scan3A_131, %mul3A_184 : i32
      %add3A_186 = arith.constant 1 : i32
      %add3A_187 = arith.addi %mul3A_185, %add3A_186 : i32
      %dma_wait3A_188 = arith.constant 1 : i32
      %dma_wait3A_189 = arith.constant 0 : i32
      %dma_wait3A_190 = arith.constant 0 : i32
      %dma_wait3A_191 = tpu.memref_slice %arg8[%dma_wait3A_188, %dma_wait3A_189, %dma_wait3A_190] : memref<3x128x64xi32, #tpu.memory_space<vmem>> -> memref<1x128x64xi32, #tpu.memory_space<vmem>>
      %dma_wait3A_192 = tpu.memref_squeeze %dma_wait3A_191 : memref<1x128x64xi32, #tpu.memory_space<vmem>> -> memref<128x64xi32, #tpu.memory_space<vmem>>
      %dma_wait3A_193 = arith.constant 0 : i32
      %dma_wait3A_194 = tpu.memref_slice %arg6[%dma_wait3A_193] : memref<10000xi32, #tpu.memory_space<vmem>> -> memref<128xi32, #tpu.memory_space<vmem>>
      %dma_wait3A_195 = arith.constant 0 : i32
      %dma_wait3A_196 = arith.constant 0 : i32
      %dma_wait3A_197 = tpu.memref_slice %arg2[%dma_wait3A_195, %dma_wait3A_196] : memref<10000x64xi32, #tpu.memory_space<hbm>> -> memref<10000x64xi32, #tpu.memory_space<hbm>>
      tpu.wait_indirect_dma semaphore(%arg15 : memref<!tpu.dma_semaphore, #tpu.memory_space<semaphore_mem>>) src(%dma_wait3A_197 : memref<10000x64xi32, #tpu.memory_space<hbm>>) dst(%dma_wait3A_192 : memref<128x64xi32, #tpu.memory_space<vmem>>)
      %dma_wait3A_198 = arith.constant 1 : i32
      %dma_wait3A_199 = arith.constant 0 : i32
      %dma_wait3A_200 = arith.constant 0 : i32
      %dma_wait3A_201 = tpu.memref_slice %arg9[%dma_wait3A_198, %dma_wait3A_199, %dma_wait3A_200] : memref<3x128x64xi32, #tpu.memory_space<vmem>> -> memref<1x128x64xi32, #tpu.memory_space<vmem>>
      %dma_wait3A_202 = tpu.memref_squeeze %dma_wait3A_201 : memref<1x128x64xi32, #tpu.memory_space<vmem>> -> memref<128x64xi32, #tpu.memory_space<vmem>>
      %dma_wait3A_203 = arith.constant 0 : i32
      %dma_wait3A_204 = tpu.memref_slice %arg7[%dma_wait3A_203] : memref<10000xi32, #tpu.memory_space<vmem>> -> memref<128xi32, #tpu.memory_space<vmem>>
      %dma_wait3A_205 = arith.constant 0 : i32
      %dma_wait3A_206 = arith.constant 0 : i32
      %dma_wait3A_207 = tpu.memref_slice %arg3[%dma_wait3A_205, %dma_wait3A_206] : memref<10000x64xi32, #tpu.memory_space<hbm>> -> memref<10000x64xi32, #tpu.memory_space<hbm>>
      tpu.wait_indirect_dma semaphore(%arg18 : memref<!tpu.dma_semaphore, #tpu.memory_space<semaphore_mem>>) src(%dma_wait3A_207 : memref<10000x64xi32, #tpu.memory_space<hbm>>) dst(%dma_wait3A_202 : memref<128x64xi32, #tpu.memory_space<vmem>>)
      %add3A_208 = arith.constant 2 : i32
      %add3A_209 = arith.addi %add3A_187, %add3A_208 : i32
      %lt3A_210 = arith.constant 78 : i32
      %lt3A_211 = arith.cmpi slt, %add3A_209, %lt3A_210 : i32
      %convert_element_type3A_212 = arith.extui %lt3A_211 : i1 to i32
      %cond3A_213 = arith.constant 0 : i32
      %cond3A_214 = arith.cmpi ne, %convert_element_type3A_212, %cond3A_213 : i32
      scf.if %cond3A_214 {
        %add3A_296 = arith.constant 2 : i32
        %add3A_297 = arith.addi %add3A_187, %add3A_296 : i32
        %mul3A_298 = arith.constant 128 : i32
        %mul3A_299 = arith.muli %add3A_297, %mul3A_298 : i32
        %dma_start3A_300 = arith.constant 0 : i32
        %dma_start3A_301 = arith.constant 0 : i32
        %dma_start3A_302 = arith.constant 0 : i32
        %dma_start3A_303 = tpu.memref_slice %arg8[%dma_start3A_300, %dma_start3A_301, %dma_start3A_302] : memref<3x128x64xi32, #tpu.memory_space<vmem>> -> memref<1x128x64xi32, #tpu.memory_space<vmem>>
        %dma_start3A_304 = tpu.memref_squeeze %dma_start3A_303 : memref<1x128x64xi32, #tpu.memory_space<vmem>> -> memref<128x64xi32, #tpu.memory_space<vmem>>
        %dma_start3A_305 = tpu.memref_slice %arg6[%mul3A_299] : memref<10000xi32, #tpu.memory_space<vmem>> -> memref<128xi32, #tpu.memory_space<vmem>>
        %dma_start3A_306 = arith.constant 0 : i32
        %dma_start3A_307 = arith.constant 0 : i32
        %dma_start3A_308 = tpu.memref_slice %arg2[%dma_start3A_306, %dma_start3A_307] : memref<10000x64xi32, #tpu.memory_space<hbm>> -> memref<10000x64xi32, #tpu.memory_space<hbm>>
        tpu.enqueue_indirect_dma source(%dma_start3A_308 : memref<10000x64xi32, #tpu.memory_space<hbm>>) target(%dma_start3A_304 : memref<128x64xi32, #tpu.memory_space<vmem>>) offsets(%dma_start3A_305 : memref<128xi32, #tpu.memory_space<vmem>>) semaphore(%arg14 : memref<!tpu.dma_semaphore, #tpu.memory_space<semaphore_mem>>)
        %mul3A_309 = arith.constant 128 : i32
        %mul3A_310 = arith.muli %add3A_297, %mul3A_309 : i32
        %dma_start3A_311 = arith.constant 0 : i32
        %dma_start3A_312 = arith.constant 0 : i32
        %dma_start3A_313 = arith.constant 0 : i32
        %dma_start3A_314 = tpu.memref_slice %arg9[%dma_start3A_311, %dma_start3A_312, %dma_start3A_313] : memref<3x128x64xi32, #tpu.memory_space<vmem>> -> memref<1x128x64xi32, #tpu.memory_space<vmem>>
        %dma_start3A_315 = tpu.memref_squeeze %dma_start3A_314 : memref<1x128x64xi32, #tpu.memory_space<vmem>> -> memref<128x64xi32, #tpu.memory_space<vmem>>
        %dma_start3A_316 = tpu.memref_slice %arg7[%mul3A_310] : memref<10000xi32, #tpu.memory_space<vmem>> -> memref<128xi32, #tpu.memory_space<vmem>>
        %dma_start3A_317 = arith.constant 0 : i32
        %dma_start3A_318 = arith.constant 0 : i32
        %dma_start3A_319 = tpu.memref_slice %arg3[%dma_start3A_317, %dma_start3A_318] : memref<10000x64xi32, #tpu.memory_space<hbm>> -> memref<10000x64xi32, #tpu.memory_space<hbm>>
        tpu.enqueue_indirect_dma source(%dma_start3A_319 : memref<10000x64xi32, #tpu.memory_space<hbm>>) target(%dma_start3A_315 : memref<128x64xi32, #tpu.memory_space<vmem>>) offsets(%dma_start3A_316 : memref<128xi32, #tpu.memory_space<vmem>>) semaphore(%arg17 : memref<!tpu.dma_semaphore, #tpu.memory_space<semaphore_mem>>)
      } else {
      }
      %ge3A_215 = arith.constant 3 : i32
      %ge3A_216 = arith.cmpi sge, %add3A_187, %ge3A_215 : i32
      %convert_element_type3A_217 = arith.extui %ge3A_216 : i1 to i32
      %cond3A_218 = arith.constant 0 : i32
      %cond3A_219 = arith.cmpi ne, %convert_element_type3A_217, %cond3A_218 : i32
      scf.if %cond3A_219 {
        %dma_wait3A_296 = arith.constant 1 : i32
        %dma_wait3A_297 = arith.constant 0 : i32
        %dma_wait3A_298 = tpu.memref_slice %arg10[%dma_wait3A_296, %dma_wait3A_297] : memref<3x16384xf32, #tpu.memory_space<vmem>> -> memref<1x16384xf32, #tpu.memory_space<vmem>>
        %dma_wait3A_299 = tpu.memref_squeeze %dma_wait3A_298 : memref<1x16384xf32, #tpu.memory_space<vmem>> -> memref<16384xf32, #tpu.memory_space<vmem>>
        %dma_wait3A_300 = arith.constant 0 : i32
        %dma_wait3A_301 = tpu.memref_slice %arg5[%dma_wait3A_300] : memref<40960000xf32, #tpu.memory_space<hbm>> -> memref<16384xf32, #tpu.memory_space<hbm>>
        %dma_wait3A_302 = arith.constant 0 : i32
        %dma_wait3A_303 = tpu.memref_slice %arg5[%dma_wait3A_302] : memref<40960000xf32, #tpu.memory_space<hbm>> -> memref<16384xf32, #tpu.memory_space<hbm>>
        %dma_wait3A_304 = arith.constant 0 : i32
        %dma_wait3A_305 = tpu.memref_slice %arg10[%dma_wait3A_296, %dma_wait3A_304] : memref<3x16384xf32, #tpu.memory_space<vmem>> -> memref<1x16384xf32, #tpu.memory_space<vmem>>
        %dma_wait3A_306 = tpu.memref_squeeze %dma_wait3A_305 : memref<1x16384xf32, #tpu.memory_space<vmem>> -> memref<16384xf32, #tpu.memory_space<vmem>>
        tpu.wait_dma2 semaphore(%arg21 : memref<!tpu.dma_semaphore, #tpu.memory_space<semaphore_mem>>) src(%dma_wait3A_306 : memref<16384xf32, #tpu.memory_space<vmem>>) dst(%dma_wait3A_303 : memref<16384xf32, #tpu.memory_space<hbm>>)
      } else {
      }
      %scan3A_220 = arith.constant 0 : i32
      %scan3A_221 = arith.constant 0 : i32
      %scan3A_222 = arith.constant 128 : i32
      %scan3A_223 = arith.addi %scan3A_221, %scan3A_222 : i32
      %scan3A_224 = arith.constant 2 : i32
      scf.for %scan3A_296 = %scan3A_221 to %scan3A_223 step %scan3A_224  : i32 {
        %mul3A_297 = arith.constant 128 : i32
        %mul3A_298 = arith.muli %scan3A_296, %mul3A_297 : i32
        %get3A = arith.constant 1 : i32
        %get3A_299 = arith.constant 0 : i32
        %get3A_300 = arith.constant 0 : i32
        %get3A_301 = tpu.memref_slice %arg8[%get3A, %get3A_299, %get3A_300] : memref<3x128x64xi32, #tpu.memory_space<vmem>> -> memref<1x128x64xi32, #tpu.memory_space<vmem>>
        %get3A_302 = tpu.memref_squeeze %get3A_301 : memref<1x128x64xi32, #tpu.memory_space<vmem>> -> memref<128x64xi32, #tpu.memory_space<vmem>>
        %get3A_303 = arith.index_cast %scan3A_296 : i32 to index
        %get3A_304 = arith.constant 0 : index
        %get3A_305 = tpu.vector_load %get3A_302[%get3A_303, %get3A_304] {strides = array<i32>} : memref<128x64xi32, #tpu.memory_space<vmem>>, vector<1x16xi32>,
        %get3A_306 = vector.shape_cast %get3A_305 : vector<1x16xi32> to vector<16xi32>
        %get3A_307 = arith.constant 1 : i32
        %get3A_308 = arith.constant 0 : i32
        %get3A_309 = arith.constant 0 : i32
        %get3A_310 = tpu.memref_slice %arg9[%get3A_307, %get3A_308, %get3A_309] : memref<3x128x64xi32, #tpu.memory_space<vmem>> -> memref<1x128x64xi32, #tpu.memory_space<vmem>>
        %get3A_311 = tpu.memref_squeeze %get3A_310 : memref<1x128x64xi32, #tpu.memory_space<vmem>> -> memref<128x64xi32, #tpu.memory_space<vmem>>
        %get3A_312 = arith.index_cast %scan3A_296 : i32 to index
        %get3A_313 = arith.constant 0 : index
        %get3A_314 = tpu.vector_load %get3A_311[%get3A_312, %get3A_313] {strides = array<i32>} : memref<128x64xi32, #tpu.memory_space<vmem>>, vector<1x16xi32>,
        %get3A_315 = vector.shape_cast %get3A_314 : vector<1x16xi32> to vector<16xi32>
        %shift_left3A = arith.constant 16 : i32
        %shift_left3A_316 = vector.broadcast %shift_left3A : i32 to vector<16xi32>
        %shift_left3A_317 = arith.shli %get3A_306, %shift_left3A_316 : vector<16xi32>
        %bitcast_convert_type3A = tpu.bitcast %shift_left3A_317 : vector<16xi32> -> vector<16xf32>
        %and3A = vector.broadcast %scan3A_71 : i32 to vector<16xi32>
        %and3A_318 = arith.andi %get3A_306, %and3A : vector<16xi32>
        %bitcast_convert_type3A_319 = tpu.bitcast %and3A_318 : vector<16xi32> -> vector<16xf32>
        %shift_left3A_320 = arith.constant 16 : i32
        %shift_left3A_321 = vector.broadcast %shift_left3A_320 : i32 to vector<16xi32>
        %shift_left3A_322 = arith.shli %get3A_315, %shift_left3A_321 : vector<16xi32>
        %bitcast_convert_type3A_323 = tpu.bitcast %shift_left3A_322 : vector<16xi32> -> vector<16xf32>
        %and3A_324 = vector.broadcast %scan3A_71 : i32 to vector<16xi32>
        %and3A_325 = arith.andi %get3A_315, %and3A_324 : vector<16xi32>
        %bitcast_convert_type3A_326 = tpu.bitcast %and3A_325 : vector<16xi32> -> vector<16xf32>
        %add3A_327 = arith.addf %bitcast_convert_type3A, %bitcast_convert_type3A_323 : vector<16xf32>
        %max3A = arith.constant 0.000000e+00 : f32
        %max3A_328 = vector.broadcast %max3A : f32 to vector<16xf32>
        %max3A_329 = arith.maximumf %add3A_327, %max3A_328 : vector<16xf32>
        %add3A_330 = arith.constant 0 : i32
        %add3A_331 = arith.addi %mul3A_298, %add3A_330 : i32
        %swap3A = arith.constant 1 : i32
        %swap3A_332 = arith.constant 0 : i32
        %swap3A_333 = tpu.memref_slice %arg10[%swap3A, %swap3A_332] : memref<3x16384xf32, #tpu.memory_space<vmem>> -> memref<1x16384xf32, #tpu.memory_space<vmem>>
        %swap3A_334 = tpu.memref_squeeze %swap3A_333 : memref<1x16384xf32, #tpu.memory_space<vmem>> -> memref<16384xf32, #tpu.memory_space<vmem>>
        %swap3A_335 = arith.index_cast %add3A_331 : i32 to index
        %swap3A_336 = tpu.vector_load %swap3A_334[%swap3A_335] {strides = array<i32>} : memref<16384xf32, #tpu.memory_space<vmem>>, vector<16xf32>,
        %swap3A_337 = vector.shape_cast %swap3A_336 : vector<16xf32> to vector<16xf32>
        %swap3A_338 = vector.shape_cast %max3A_329 : vector<16xf32> to vector<16xf32>
        tpu.vector_store %swap3A_334[%swap3A_335], %swap3A_338 {strides = array<i32>} : memref<16384xf32, #tpu.memory_space<vmem>>, vector<16xf32>,
        %add3A_339 = arith.addf %bitcast_convert_type3A_319, %bitcast_convert_type3A_326 : vector<16xf32>
        %max3A_340 = arith.constant 0.000000e+00 : f32
        %max3A_341 = vector.broadcast %max3A_340 : f32 to vector<16xf32>
        %max3A_342 = arith.maximumf %add3A_339, %max3A_341 : vector<16xf32>
        %add3A_343 = arith.constant 0 : i32
        %add3A_344 = arith.addi %mul3A_298, %add3A_343 : i32
        %add3A_345 = arith.constant 16 : i32
        %add3A_346 = arith.addi %add3A_344, %add3A_345 : i32
        %swap3A_347 = arith.constant 1 : i32
        %swap3A_348 = arith.constant 0 : i32
        %swap3A_349 = tpu.memref_slice %arg10[%swap3A_347, %swap3A_348] : memref<3x16384xf32, #tpu.memory_space<vmem>> -> memref<1x16384xf32, #tpu.memory_space<vmem>>
        %swap3A_350 = tpu.memref_squeeze %swap3A_349 : memref<1x16384xf32, #tpu.memory_space<vmem>> -> memref<16384xf32, #tpu.memory_space<vmem>>
        %swap3A_351 = arith.index_cast %add3A_346 : i32 to index
        %swap3A_352 = tpu.vector_load %swap3A_350[%swap3A_351] {strides = array<i32>} : memref<16384xf32, #tpu.memory_space<vmem>>, vector<16xf32>,
        %swap3A_353 = vector.shape_cast %swap3A_352 : vector<16xf32> to vector<16xf32>
        %swap3A_354 = vector.shape_cast %max3A_342 : vector<16xf32> to vector<16xf32>
        tpu.vector_store %swap3A_350[%swap3A_351], %swap3A_354 {strides = array<i32>} : memref<16384xf32, #tpu.memory_space<vmem>>, vector<16xf32>,
        %get3A_355 = arith.constant 1 : i32
        %get3A_356 = arith.constant 0 : i32
        %get3A_357 = arith.constant 0 : i32
        %get3A_358 = tpu.memref_slice %arg8[%get3A_355, %get3A_356, %get3A_357] : memref<3x128x64xi32, #tpu.memory_space<vmem>> -> memref<1x128x64xi32, #tpu.memory_space<vmem>>
        %get3A_359 = tpu.memref_squeeze %get3A_358 : memref<1x128x64xi32, #tpu.memory_space<vmem>> -> memref<128x64xi32, #tpu.memory_space<vmem>>
        %get3A_360 = arith.index_cast %scan3A_296 : i32 to index
        %get3A_361 = arith.constant 16 : index
        %get3A_362 = tpu.vector_load %get3A_359[%get3A_360, %get3A_361] {strides = array<i32>} : memref<128x64xi32, #tpu.memory_space<vmem>>, vector<1x16xi32>,
        %get3A_363 = vector.shape_cast %get3A_362 : vector<1x16xi32> to vector<16xi32>
        %get3A_364 = arith.constant 1 : i32
        %get3A_365 = arith.constant 0 : i32
        %get3A_366 = arith.constant 0 : i32
        %get3A_367 = tpu.memref_slice %arg9[%get3A_364, %get3A_365, %get3A_366] : memref<3x128x64xi32, #tpu.memory_space<vmem>> -> memref<1x128x64xi32, #tpu.memory_space<vmem>>
        %get3A_368 = tpu.memref_squeeze %get3A_367 : memref<1x128x64xi32, #tpu.memory_space<vmem>> -> memref<128x64xi32, #tpu.memory_space<vmem>>
        %get3A_369 = arith.index_cast %scan3A_296 : i32 to index
        %get3A_370 = arith.constant 16 : index
        %get3A_371 = tpu.vector_load %get3A_368[%get3A_369, %get3A_370] {strides = array<i32>} : memref<128x64xi32, #tpu.memory_space<vmem>>, vector<1x16xi32>,
        %get3A_372 = vector.shape_cast %get3A_371 : vector<1x16xi32> to vector<16xi32>
        %shift_left3A_373 = arith.constant 16 : i32
        %shift_left3A_374 = vector.broadcast %shift_left3A_373 : i32 to vector<16xi32>
        %shift_left3A_375 = arith.shli %get3A_363, %shift_left3A_374 : vector<16xi32>
        %bitcast_convert_type3A_376 = tpu.bitcast %shift_left3A_375 : vector<16xi32> -> vector<16xf32>
        %and3A_377 = vector.broadcast %scan3A_71 : i32 to vector<16xi32>
        %and3A_378 = arith.andi %get3A_363, %and3A_377 : vector<16xi32>
        %bitcast_convert_type3A_379 = tpu.bitcast %and3A_378 : vector<16xi32> -> vector<16xf32>
        %shift_left3A_380 = arith.constant 16 : i32
        %shift_left3A_381 = vector.broadcast %shift_left3A_380 : i32 to vector<16xi32>
        %shift_left3A_382 = arith.shli %get3A_372, %shift_left3A_381 : vector<16xi32>
        %bitcast_convert_type3A_383 = tpu.bitcast %shift_left3A_382 : vector<16xi32> -> vector<16xf32>
        %and3A_384 = vector.broadcast %scan3A_71 : i32 to vector<16xi32>
        %and3A_385 = arith.andi %get3A_372, %and3A_384 : vector<16xi32>
        %bitcast_convert_type3A_386 = tpu.bitcast %and3A_385 : vector<16xi32> -> vector<16xf32>
        %add3A_387 = arith.addf %bitcast_convert_type3A_376, %bitcast_convert_type3A_383 : vector<16xf32>
        %max3A_388 = arith.constant 0.000000e+00 : f32
        %max3A_389 = vector.broadcast %max3A_388 : f32 to vector<16xf32>
        %max3A_390 = arith.maximumf %add3A_387, %max3A_389 : vector<16xf32>
        %add3A_391 = arith.constant 32 : i32
        %add3A_392 = arith.addi %mul3A_298, %add3A_391 : i32
        %swap3A_393 = arith.constant 1 : i32
        %swap3A_394 = arith.constant 0 : i32
        %swap3A_395 = tpu.memref_slice %arg10[%swap3A_393, %swap3A_394] : memref<3x16384xf32, #tpu.memory_space<vmem>> -> memref<1x16384xf32, #tpu.memory_space<vmem>>
        %swap3A_396 = tpu.memref_squeeze %swap3A_395 : memref<1x16384xf32, #tpu.memory_space<vmem>> -> memref<16384xf32, #tpu.memory_space<vmem>>
        %swap3A_397 = arith.index_cast %add3A_392 : i32 to index
        %swap3A_398 = tpu.vector_load %swap3A_396[%swap3A_397] {strides = array<i32>} : memref<16384xf32, #tpu.memory_space<vmem>>, vector<16xf32>,
        %swap3A_399 = vector.shape_cast %swap3A_398 : vector<16xf32> to vector<16xf32>
        %swap3A_400 = vector.shape_cast %max3A_390 : vector<16xf32> to vector<16xf32>
        tpu.vector_store %swap3A_396[%swap3A_397], %swap3A_400 {strides = array<i32>} : memref<16384xf32, #tpu.memory_space<vmem>>, vector<16xf32>,
        %add3A_401 = arith.addf %bitcast_convert_type3A_379, %bitcast_convert_type3A_386 : vector<16xf32>
        %max3A_402 = arith.constant 0.000000e+00 : f32
        %max3A_403 = vector.broadcast %max3A_402 : f32 to vector<16xf32>
        %max3A_404 = arith.maximumf %add3A_401, %max3A_403 : vector<16xf32>
        %add3A_405 = arith.constant 32 : i32
        %add3A_406 = arith.addi %mul3A_298, %add3A_405 : i32
        %add3A_407 = arith.constant 16 : i32
        %add3A_408 = arith.addi %add3A_406, %add3A_407 : i32
        %swap3A_409 = arith.constant 1 : i32
        %swap3A_410 = arith.constant 0 : i32
        %swap3A_411 = tpu.memref_slice %arg10[%swap3A_409, %swap3A_410] : memref<3x16384xf32, #tpu.memory_space<vmem>> -> memref<1x16384xf32, #tpu.memory_space<vmem>>
        %swap3A_412 = tpu.memref_squeeze %swap3A_411 : memref<1x16384xf32, #tpu.memory_space<vmem>> -> memref<16384xf32, #tpu.memory_space<vmem>>
        %swap3A_413 = arith.index_cast %add3A_408 : i32 to index
        %swap3A_414 = tpu.vector_load %swap3A_412[%swap3A_413] {strides = array<i32>} : memref<16384xf32, #tpu.memory_space<vmem>>, vector<16xf32>,
        %swap3A_415 = vector.shape_cast %swap3A_414 : vector<16xf32> to vector<16xf32>
        %swap3A_416 = vector.shape_cast %max3A_404 : vector<16xf32> to vector<16xf32>
        tpu.vector_store %swap3A_412[%swap3A_413], %swap3A_416 {strides = array<i32>} : memref<16384xf32, #tpu.memory_space<vmem>>, vector<16xf32>,
        %get3A_417 = arith.constant 1 : i32
        %get3A_418 = arith.constant 0 : i32
        %get3A_419 = arith.constant 0 : i32
        %get3A_420 = tpu.memref_slice %arg8[%get3A_417, %get3A_418, %get3A_419] : memref<3x128x64xi32, #tpu.memory_space<vmem>> -> memref<1x128x64xi32, #tpu.memory_space<vmem>>
        %get3A_421 = tpu.memref_squeeze %get3A_420 : memref<1x128x64xi32, #tpu.memory_space<vmem>> -> memref<128x64xi32, #tpu.memory_space<vmem>>
        %get3A_422 = arith.index_cast %scan3A_296 : i32 to index
        %get3A_423 = arith.constant 32 : index
        %get3A_424 = tpu.vector_load %get3A_421[%get3A_422, %get3A_423] {strides = array<i32>} : memref<128x64xi32, #tpu.memory_space<vmem>>, vector<1x16xi32>,
        %get3A_425 = vector.shape_cast %get3A_424 : vector<1x16xi32> to vector<16xi32>
        %get3A_426 = arith.constant 1 : i32
        %get3A_427 = arith.constant 0 : i32
        %get3A_428 = arith.constant 0 : i32
        %get3A_429 = tpu.memref_slice %arg9[%get3A_426, %get3A_427, %get3A_428] : memref<3x128x64xi32, #tpu.memory_space<vmem>> -> memref<1x128x64xi32, #tpu.memory_space<vmem>>
        %get3A_430 = tpu.memref_squeeze %get3A_429 : memref<1x128x64xi32, #tpu.memory_space<vmem>> -> memref<128x64xi32, #tpu.memory_space<vmem>>
        %get3A_431 = arith.index_cast %scan3A_296 : i32 to index
        %get3A_432 = arith.constant 32 : index
        %get3A_433 = tpu.vector_load %get3A_430[%get3A_431, %get3A_432] {strides = array<i32>} : memref<128x64xi32, #tpu.memory_space<vmem>>, vector<1x16xi32>,
        %get3A_434 = vector.shape_cast %get3A_433 : vector<1x16xi32> to vector<16xi32>
        %shift_left3A_435 = arith.constant 16 : i32
        %shift_left3A_436 = vector.broadcast %shift_left3A_435 : i32 to vector<16xi32>
        %shift_left3A_437 = arith.shli %get3A_425, %shift_left3A_436 : vector<16xi32>
        %bitcast_convert_type3A_438 = tpu.bitcast %shift_left3A_437 : vector<16xi32> -> vector<16xf32>
        %and3A_439 = vector.broadcast %scan3A_71 : i32 to vector<16xi32>
        %and3A_440 = arith.andi %get3A_425, %and3A_439 : vector<16xi32>
        %bitcast_convert_type3A_441 = tpu.bitcast %and3A_440 : vector<16xi32> -> vector<16xf32>
        %shift_left3A_442 = arith.constant 16 : i32
        %shift_left3A_443 = vector.broadcast %shift_left3A_442 : i32 to vector<16xi32>
        %shift_left3A_444 = arith.shli %get3A_434, %shift_left3A_443 : vector<16xi32>
        %bitcast_convert_type3A_445 = tpu.bitcast %shift_left3A_444 : vector<16xi32> -> vector<16xf32>
        %and3A_446 = vector.broadcast %scan3A_71 : i32 to vector<16xi32>
        %and3A_447 = arith.andi %get3A_434, %and3A_446 : vector<16xi32>
        %bitcast_convert_type3A_448 = tpu.bitcast %and3A_447 : vector<16xi32> -> vector<16xf32>
        %add3A_449 = arith.addf %bitcast_convert_type3A_438, %bitcast_convert_type3A_445 : vector<16xf32>
        %max3A_450 = arith.constant 0.000000e+00 : f32
        %max3A_451 = vector.broadcast %max3A_450 : f32 to vector<16xf32>
        %max3A_452 = arith.maximumf %add3A_449, %max3A_451 : vector<16xf32>
        %add3A_453 = arith.constant 64 : i32
        %add3A_454 = arith.addi %mul3A_298, %add3A_453 : i32
        %swap3A_455 = arith.constant 1 : i32
        %swap3A_456 = arith.constant 0 : i32
        %swap3A_457 = tpu.memref_slice %arg10[%swap3A_455, %swap3A_456] : memref<3x16384xf32, #tpu.memory_space<vmem>> -> memref<1x16384xf32, #tpu.memory_space<vmem>>
        %swap3A_458 = tpu.memref_squeeze %swap3A_457 : memref<1x16384xf32, #tpu.memory_space<vmem>> -> memref<16384xf32, #tpu.memory_space<vmem>>
        %swap3A_459 = arith.index_cast %add3A_454 : i32 to index
        %swap3A_460 = tpu.vector_load %swap3A_458[%swap3A_459] {strides = array<i32>} : memref<16384xf32, #tpu.memory_space<vmem>>, vector<16xf32>,
        %swap3A_461 = vector.shape_cast %swap3A_460 : vector<16xf32> to vector<16xf32>
        %swap3A_462 = vector.shape_cast %max3A_452 : vector<16xf32> to vector<16xf32>
        tpu.vector_store %swap3A_458[%swap3A_459], %swap3A_462 {strides = array<i32>} : memref<16384xf32, #tpu.memory_space<vmem>>, vector<16xf32>,
        %add3A_463 = arith.addf %bitcast_convert_type3A_441, %bitcast_convert_type3A_448 : vector<16xf32>
        %max3A_464 = arith.constant 0.000000e+00 : f32
        %max3A_465 = vector.broadcast %max3A_464 : f32 to vector<16xf32>
        %max3A_466 = arith.maximumf %add3A_463, %max3A_465 : vector<16xf32>
        %add3A_467 = arith.constant 64 : i32
        %add3A_468 = arith.addi %mul3A_298, %add3A_467 : i32
        %add3A_469 = arith.constant 16 : i32
        %add3A_470 = arith.addi %add3A_468, %add3A_469 : i32
        %swap3A_471 = arith.constant 1 : i32
        %swap3A_472 = arith.constant 0 : i32
        %swap3A_473 = tpu.memref_slice %arg10[%swap3A_471, %swap3A_472] : memref<3x16384xf32, #tpu.memory_space<vmem>> -> memref<1x16384xf32, #tpu.memory_space<vmem>>
        %swap3A_474 = tpu.memref_squeeze %swap3A_473 : memref<1x16384xf32, #tpu.memory_space<vmem>> -> memref<16384xf32, #tpu.memory_space<vmem>>
        %swap3A_475 = arith.index_cast %add3A_470 : i32 to index
        %swap3A_476 = tpu.vector_load %swap3A_474[%swap3A_475] {strides = array<i32>} : memref<16384xf32, #tpu.memory_space<vmem>>, vector<16xf32>,
        %swap3A_477 = vector.shape_cast %swap3A_476 : vector<16xf32> to vector<16xf32>
        %swap3A_478 = vector.shape_cast %max3A_466 : vector<16xf32> to vector<16xf32>
        tpu.vector_store %swap3A_474[%swap3A_475], %swap3A_478 {strides = array<i32>} : memref<16384xf32, #tpu.memory_space<vmem>>, vector<16xf32>,
        %get3A_479 = arith.constant 1 : i32
        %get3A_480 = arith.constant 0 : i32
        %get3A_481 = arith.constant 0 : i32
        %get3A_482 = tpu.memref_slice %arg8[%get3A_479, %get3A_480, %get3A_481] : memref<3x128x64xi32, #tpu.memory_space<vmem>> -> memref<1x128x64xi32, #tpu.memory_space<vmem>>
        %get3A_483 = tpu.memref_squeeze %get3A_482 : memref<1x128x64xi32, #tpu.memory_space<vmem>> -> memref<128x64xi32, #tpu.memory_space<vmem>>
        %get3A_484 = arith.index_cast %scan3A_296 : i32 to index
        %get3A_485 = arith.constant 48 : index
        %get3A_486 = tpu.vector_load %get3A_483[%get3A_484, %get3A_485] {strides = array<i32>} : memref<128x64xi32, #tpu.memory_space<vmem>>, vector<1x16xi32>,
        %get3A_487 = vector.shape_cast %get3A_486 : vector<1x16xi32> to vector<16xi32>
        %get3A_488 = arith.constant 1 : i32
        %get3A_489 = arith.constant 0 : i32
        %get3A_490 = arith.constant 0 : i32
        %get3A_491 = tpu.memref_slice %arg9[%get3A_488, %get3A_489, %get3A_490] : memref<3x128x64xi32, #tpu.memory_space<vmem>> -> memref<1x128x64xi32, #tpu.memory_space<vmem>>
        %get3A_492 = tpu.memref_squeeze %get3A_491 : memref<1x128x64xi32, #tpu.memory_space<vmem>> -> memref<128x64xi32, #tpu.memory_space<vmem>>
        %get3A_493 = arith.index_cast %scan3A_296 : i32 to index
        %get3A_494 = arith.constant 48 : index
        %get3A_495 = tpu.vector_load %get3A_492[%get3A_493, %get3A_494] {strides = array<i32>} : memref<128x64xi32, #tpu.memory_space<vmem>>, vector<1x16xi32>,
        %get3A_496 = vector.shape_cast %get3A_495 : vector<1x16xi32> to vector<16xi32>
        %shift_left3A_497 = arith.constant 16 : i32
        %shift_left3A_498 = vector.broadcast %shift_left3A_497 : i32 to vector<16xi32>
        %shift_left3A_499 = arith.shli %get3A_487, %shift_left3A_498 : vector<16xi32>
        %bitcast_convert_type3A_500 = tpu.bitcast %shift_left3A_499 : vector<16xi32> -> vector<16xf32>
        %and3A_501 = vector.broadcast %scan3A_71 : i32 to vector<16xi32>
        %and3A_502 = arith.andi %get3A_487, %and3A_501 : vector<16xi32>
        %bitcast_convert_type3A_503 = tpu.bitcast %and3A_502 : vector<16xi32> -> vector<16xf32>
        %shift_left3A_504 = arith.constant 16 : i32
        %shift_left3A_505 = vector.broadcast %shift_left3A_504 : i32 to vector<16xi32>
        %shift_left3A_506 = arith.shli %get3A_496, %shift_left3A_505 : vector<16xi32>
        %bitcast_convert_type3A_507 = tpu.bitcast %shift_left3A_506 : vector<16xi32> -> vector<16xf32>
        %and3A_508 = vector.broadcast %scan3A_71 : i32 to vector<16xi32>
        %and3A_509 = arith.andi %get3A_496, %and3A_508 : vector<16xi32>
        %bitcast_convert_type3A_510 = tpu.bitcast %and3A_509 : vector<16xi32> -> vector<16xf32>
        %add3A_511 = arith.addf %bitcast_convert_type3A_500, %bitcast_convert_type3A_507 : vector<16xf32>
        %max3A_512 = arith.constant 0.000000e+00 : f32
        %max3A_513 = vector.broadcast %max3A_512 : f32 to vector<16xf32>
        %max3A_514 = arith.maximumf %add3A_511, %max3A_513 : vector<16xf32>
        %add3A_515 = arith.constant 96 : i32
        %add3A_516 = arith.addi %mul3A_298, %add3A_515 : i32
        %swap3A_517 = arith.constant 1 : i32
        %swap3A_518 = arith.constant 0 : i32
        %swap3A_519 = tpu.memref_slice %arg10[%swap3A_517, %swap3A_518] : memref<3x16384xf32, #tpu.memory_space<vmem>> -> memref<1x16384xf32, #tpu.memory_space<vmem>>
        %swap3A_520 = tpu.memref_squeeze %swap3A_519 : memref<1x16384xf32, #tpu.memory_space<vmem>> -> memref<16384xf32, #tpu.memory_space<vmem>>
        %swap3A_521 = arith.index_cast %add3A_516 : i32 to index
        %swap3A_522 = tpu.vector_load %swap3A_520[%swap3A_521] {strides = array<i32>} : memref<16384xf32, #tpu.memory_space<vmem>>, vector<16xf32>,
        %swap3A_523 = vector.shape_cast %swap3A_522 : vector<16xf32> to vector<16xf32>
        %swap3A_524 = vector.shape_cast %max3A_514 : vector<16xf32> to vector<16xf32>
        tpu.vector_store %swap3A_520[%swap3A_521], %swap3A_524 {strides = array<i32>} : memref<16384xf32, #tpu.memory_space<vmem>>, vector<16xf32>,
        %add3A_525 = arith.addf %bitcast_convert_type3A_503, %bitcast_convert_type3A_510 : vector<16xf32>
        %max3A_526 = arith.constant 0.000000e+00 : f32
        %max3A_527 = vector.broadcast %max3A_526 : f32 to vector<16xf32>
        %max3A_528 = arith.maximumf %add3A_525, %max3A_527 : vector<16xf32>
        %add3A_529 = arith.constant 96 : i32
        %add3A_530 = arith.addi %mul3A_298, %add3A_529 : i32
        %add3A_531 = arith.constant 16 : i32
        %add3A_532 = arith.addi %add3A_530, %add3A_531 : i32
        %swap3A_533 = arith.constant 1 : i32
        %swap3A_534 = arith.constant 0 : i32
        %swap3A_535 = tpu.memref_slice %arg10[%swap3A_533, %swap3A_534] : memref<3x16384xf32, #tpu.memory_space<vmem>> -> memref<1x16384xf32, #tpu.memory_space<vmem>>
        %swap3A_536 = tpu.memref_squeeze %swap3A_535 : memref<1x16384xf32, #tpu.memory_space<vmem>> -> memref<16384xf32, #tpu.memory_space<vmem>>
        %swap3A_537 = arith.index_cast %add3A_532 : i32 to index
        %swap3A_538 = tpu.vector_load %swap3A_536[%swap3A_537] {strides = array<i32>} : memref<16384xf32, #tpu.memory_space<vmem>>, vector<16xf32>,
        %swap3A_539 = vector.shape_cast %swap3A_538 : vector<16xf32> to vector<16xf32>
        %swap3A_540 = vector.shape_cast %max3A_528 : vector<16xf32> to vector<16xf32>
        tpu.vector_store %swap3A_536[%swap3A_537], %swap3A_540 {strides = array<i32>} : memref<16384xf32, #tpu.memory_space<vmem>>, vector<16xf32>,
        %scan3A_541 = arith.constant 1 : i32
        %scan3A_542 = arith.addi %scan3A_296, %scan3A_541 : i32
        %mul3A_543 = arith.constant 128 : i32
        %mul3A_544 = arith.muli %scan3A_542, %mul3A_543 : i32
        %get3A_545 = arith.constant 1 : i32
        %get3A_546 = arith.constant 0 : i32
        %get3A_547 = arith.constant 0 : i32
        %get3A_548 = tpu.memref_slice %arg8[%get3A_545, %get3A_546, %get3A_547] : memref<3x128x64xi32, #tpu.memory_space<vmem>> -> memref<1x128x64xi32, #tpu.memory_space<vmem>>
        %get3A_549 = tpu.memref_squeeze %get3A_548 : memref<1x128x64xi32, #tpu.memory_space<vmem>> -> memref<128x64xi32, #tpu.memory_space<vmem>>
        %get3A_550 = arith.index_cast %scan3A_542 : i32 to index
        %get3A_551 = arith.constant 0 : index
        %get3A_552 = tpu.vector_load %get3A_549[%get3A_550, %get3A_551] {strides = array<i32>} : memref<128x64xi32, #tpu.memory_space<vmem>>, vector<1x16xi32>,
        %get3A_553 = vector.shape_cast %get3A_552 : vector<1x16xi32> to vector<16xi32>
        %get3A_554 = arith.constant 1 : i32
        %get3A_555 = arith.constant 0 : i32
        %get3A_556 = arith.constant 0 : i32
        %get3A_557 = tpu.memref_slice %arg9[%get3A_554, %get3A_555, %get3A_556] : memref<3x128x64xi32, #tpu.memory_space<vmem>> -> memref<1x128x64xi32, #tpu.memory_space<vmem>>
        %get3A_558 = tpu.memref_squeeze %get3A_557 : memref<1x128x64xi32, #tpu.memory_space<vmem>> -> memref<128x64xi32, #tpu.memory_space<vmem>>
        %get3A_559 = arith.index_cast %scan3A_542 : i32 to index
        %get3A_560 = arith.constant 0 : index
        %get3A_561 = tpu.vector_load %get3A_558[%get3A_559, %get3A_560] {strides = array<i32>} : memref<128x64xi32, #tpu.memory_space<vmem>>, vector<1x16xi32>,
        %get3A_562 = vector.shape_cast %get3A_561 : vector<1x16xi32> to vector<16xi32>
        %shift_left3A_563 = arith.constant 16 : i32
        %shift_left3A_564 = vector.broadcast %shift_left3A_563 : i32 to vector<16xi32>
        %shift_left3A_565 = arith.shli %get3A_553, %shift_left3A_564 : vector<16xi32>
        %bitcast_convert_type3A_566 = tpu.bitcast %shift_left3A_565 : vector<16xi32> -> vector<16xf32>
        %and3A_567 = vector.broadcast %scan3A_71 : i32 to vector<16xi32>
        %and3A_568 = arith.andi %get3A_553, %and3A_567 : vector<16xi32>
        %bitcast_convert_type3A_569 = tpu.bitcast %and3A_568 : vector<16xi32> -> vector<16xf32>
        %shift_left3A_570 = arith.constant 16 : i32
        %shift_left3A_571 = vector.broadcast %shift_left3A_570 : i32 to vector<16xi32>
        %shift_left3A_572 = arith.shli %get3A_562, %shift_left3A_571 : vector<16xi32>
        %bitcast_convert_type3A_573 = tpu.bitcast %shift_left3A_572 : vector<16xi32> -> vector<16xf32>
        %and3A_574 = vector.broadcast %scan3A_71 : i32 to vector<16xi32>
        %and3A_575 = arith.andi %get3A_562, %and3A_574 : vector<16xi32>
        %bitcast_convert_type3A_576 = tpu.bitcast %and3A_575 : vector<16xi32> -> vector<16xf32>
        %add3A_577 = arith.addf %bitcast_convert_type3A_566, %bitcast_convert_type3A_573 : vector<16xf32>
        %max3A_578 = arith.constant 0.000000e+00 : f32
        %max3A_579 = vector.broadcast %max3A_578 : f32 to vector<16xf32>
        %max3A_580 = arith.maximumf %add3A_577, %max3A_579 : vector<16xf32>
        %add3A_581 = arith.constant 0 : i32
        %add3A_582 = arith.addi %mul3A_544, %add3A_581 : i32
        %swap3A_583 = arith.constant 1 : i32
        %swap3A_584 = arith.constant 0 : i32
        %swap3A_585 = tpu.memref_slice %arg10[%swap3A_583, %swap3A_584] : memref<3x16384xf32, #tpu.memory_space<vmem>> -> memref<1x16384xf32, #tpu.memory_space<vmem>>
        %swap3A_586 = tpu.memref_squeeze %swap3A_585 : memref<1x16384xf32, #tpu.memory_space<vmem>> -> memref<16384xf32, #tpu.memory_space<vmem>>
        %swap3A_587 = arith.index_cast %add3A_582 : i32 to index
        %swap3A_588 = tpu.vector_load %swap3A_586[%swap3A_587] {strides = array<i32>} : memref<16384xf32, #tpu.memory_space<vmem>>, vector<16xf32>,
        %swap3A_589 = vector.shape_cast %swap3A_588 : vector<16xf32> to vector<16xf32>
        %swap3A_590 = vector.shape_cast %max3A_580 : vector<16xf32> to vector<16xf32>
        tpu.vector_store %swap3A_586[%swap3A_587], %swap3A_590 {strides = array<i32>} : memref<16384xf32, #tpu.memory_space<vmem>>, vector<16xf32>,
        %add3A_591 = arith.addf %bitcast_convert_type3A_569, %bitcast_convert_type3A_576 : vector<16xf32>
        %max3A_592 = arith.constant 0.000000e+00 : f32
        %max3A_593 = vector.broadcast %max3A_592 : f32 to vector<16xf32>
        %max3A_594 = arith.maximumf %add3A_591, %max3A_593 : vector<16xf32>
        %add3A_595 = arith.constant 0 : i32
        %add3A_596 = arith.addi %mul3A_544, %add3A_595 : i32
        %add3A_597 = arith.constant 16 : i32
        %add3A_598 = arith.addi %add3A_596, %add3A_597 : i32
        %swap3A_599 = arith.constant 1 : i32
        %swap3A_600 = arith.constant 0 : i32
        %swap3A_601 = tpu.memref_slice %arg10[%swap3A_599, %swap3A_600] : memref<3x16384xf32, #tpu.memory_space<vmem>> -> memref<1x16384xf32, #tpu.memory_space<vmem>>
        %swap3A_602 = tpu.memref_squeeze %swap3A_601 : memref<1x16384xf32, #tpu.memory_space<vmem>> -> memref<16384xf32, #tpu.memory_space<vmem>>
        %swap3A_603 = arith.index_cast %add3A_598 : i32 to index
        %swap3A_604 = tpu.vector_load %swap3A_602[%swap3A_603] {strides = array<i32>} : memref<16384xf32, #tpu.memory_space<vmem>>, vector<16xf32>,
        %swap3A_605 = vector.shape_cast %swap3A_604 : vector<16xf32> to vector<16xf32>
        %swap3A_606 = vector.shape_cast %max3A_594 : vector<16xf32> to vector<16xf32>
        tpu.vector_store %swap3A_602[%swap3A_603], %swap3A_606 {strides = array<i32>} : memref<16384xf32, #tpu.memory_space<vmem>>, vector<16xf32>,
        %get3A_607 = arith.constant 1 : i32
        %get3A_608 = arith.constant 0 : i32
        %get3A_609 = arith.constant 0 : i32
        %get3A_610 = tpu.memref_slice %arg8[%get3A_607, %get3A_608, %get3A_609] : memref<3x128x64xi32, #tpu.memory_space<vmem>> -> memref<1x128x64xi32, #tpu.memory_space<vmem>>
        %get3A_611 = tpu.memref_squeeze %get3A_610 : memref<1x128x64xi32, #tpu.memory_space<vmem>> -> memref<128x64xi32, #tpu.memory_space<vmem>>
        %get3A_612 = arith.index_cast %scan3A_542 : i32 to index
        %get3A_613 = arith.constant 16 : index
        %get3A_614 = tpu.vector_load %get3A_611[%get3A_612, %get3A_613] {strides = array<i32>} : memref<128x64xi32, #tpu.memory_space<vmem>>, vector<1x16xi32>,
        %get3A_615 = vector.shape_cast %get3A_614 : vector<1x16xi32> to vector<16xi32>
        %get3A_616 = arith.constant 1 : i32
        %get3A_617 = arith.constant 0 : i32
        %get3A_618 = arith.constant 0 : i32
        %get3A_619 = tpu.memref_slice %arg9[%get3A_616, %get3A_617, %get3A_618] : memref<3x128x64xi32, #tpu.memory_space<vmem>> -> memref<1x128x64xi32, #tpu.memory_space<vmem>>
        %get3A_620 = tpu.memref_squeeze %get3A_619 : memref<1x128x64xi32, #tpu.memory_space<vmem>> -> memref<128x64xi32, #tpu.memory_space<vmem>>
        %get3A_621 = arith.index_cast %scan3A_542 : i32 to index
        %get3A_622 = arith.constant 16 : index
        %get3A_623 = tpu.vector_load %get3A_620[%get3A_621, %get3A_622] {strides = array<i32>} : memref<128x64xi32, #tpu.memory_space<vmem>>, vector<1x16xi32>,
        %get3A_624 = vector.shape_cast %get3A_623 : vector<1x16xi32> to vector<16xi32>
        %shift_left3A_625 = arith.constant 16 : i32
        %shift_left3A_626 = vector.broadcast %shift_left3A_625 : i32 to vector<16xi32>
        %shift_left3A_627 = arith.shli %get3A_615, %shift_left3A_626 : vector<16xi32>
        %bitcast_convert_type3A_628 = tpu.bitcast %shift_left3A_627 : vector<16xi32> -> vector<16xf32>
        %and3A_629 = vector.broadcast %scan3A_71 : i32 to vector<16xi32>
        %and3A_630 = arith.andi %get3A_615, %and3A_629 : vector<16xi32>
        %bitcast_convert_type3A_631 = tpu.bitcast %and3A_630 : vector<16xi32> -> vector<16xf32>
        %shift_left3A_632 = arith.constant 16 : i32
        %shift_left3A_633 = vector.broadcast %shift_left3A_632 : i32 to vector<16xi32>
        %shift_left3A_634 = arith.shli %get3A_624, %shift_left3A_633 : vector<16xi32>
        %bitcast_convert_type3A_635 = tpu.bitcast %shift_left3A_634 : vector<16xi32> -> vector<16xf32>
        %and3A_636 = vector.broadcast %scan3A_71 : i32 to vector<16xi32>
        %and3A_637 = arith.andi %get3A_624, %and3A_636 : vector<16xi32>
        %bitcast_convert_type3A_638 = tpu.bitcast %and3A_637 : vector<16xi32> -> vector<16xf32>
        %add3A_639 = arith.addf %bitcast_convert_type3A_628, %bitcast_convert_type3A_635 : vector<16xf32>
        %max3A_640 = arith.constant 0.000000e+00 : f32
        %max3A_641 = vector.broadcast %max3A_640 : f32 to vector<16xf32>
        %max3A_642 = arith.maximumf %add3A_639, %max3A_641 : vector<16xf32>
        %add3A_643 = arith.constant 32 : i32
        %add3A_644 = arith.addi %mul3A_544, %add3A_643 : i32
        %swap3A_645 = arith.constant 1 : i32
        %swap3A_646 = arith.constant 0 : i32
        %swap3A_647 = tpu.memref_slice %arg10[%swap3A_645, %swap3A_646] : memref<3x16384xf32, #tpu.memory_space<vmem>> -> memref<1x16384xf32, #tpu.memory_space<vmem>>
        %swap3A_648 = tpu.memref_squeeze %swap3A_647 : memref<1x16384xf32, #tpu.memory_space<vmem>> -> memref<16384xf32, #tpu.memory_space<vmem>>
        %swap3A_649 = arith.index_cast %add3A_644 : i32 to index
        %swap3A_650 = tpu.vector_load %swap3A_648[%swap3A_649] {strides = array<i32>} : memref<16384xf32, #tpu.memory_space<vmem>>, vector<16xf32>,
        %swap3A_651 = vector.shape_cast %swap3A_650 : vector<16xf32> to vector<16xf32>
        %swap3A_652 = vector.shape_cast %max3A_642 : vector<16xf32> to vector<16xf32>
        tpu.vector_store %swap3A_648[%swap3A_649], %swap3A_652 {strides = array<i32>} : memref<16384xf32, #tpu.memory_space<vmem>>, vector<16xf32>,
        %add3A_653 = arith.addf %bitcast_convert_type3A_631, %bitcast_convert_type3A_638 : vector<16xf32>
        %max3A_654 = arith.constant 0.000000e+00 : f32
        %max3A_655 = vector.broadcast %max3A_654 : f32 to vector<16xf32>
        %max3A_656 = arith.maximumf %add3A_653, %max3A_655 : vector<16xf32>
        %add3A_657 = arith.constant 32 : i32
        %add3A_658 = arith.addi %mul3A_544, %add3A_657 : i32
        %add3A_659 = arith.constant 16 : i32
        %add3A_660 = arith.addi %add3A_658, %add3A_659 : i32
        %swap3A_661 = arith.constant 1 : i32
        %swap3A_662 = arith.constant 0 : i32
        %swap3A_663 = tpu.memref_slice %arg10[%swap3A_661, %swap3A_662] : memref<3x16384xf32, #tpu.memory_space<vmem>> -> memref<1x16384xf32, #tpu.memory_space<vmem>>
        %swap3A_664 = tpu.memref_squeeze %swap3A_663 : memref<1x16384xf32, #tpu.memory_space<vmem>> -> memref<16384xf32, #tpu.memory_space<vmem>>
        %swap3A_665 = arith.index_cast %add3A_660 : i32 to index
        %swap3A_666 = tpu.vector_load %swap3A_664[%swap3A_665] {strides = array<i32>} : memref<16384xf32, #tpu.memory_space<vmem>>, vector<16xf32>,
        %swap3A_667 = vector.shape_cast %swap3A_666 : vector<16xf32> to vector<16xf32>
        %swap3A_668 = vector.shape_cast %max3A_656 : vector<16xf32> to vector<16xf32>
        tpu.vector_store %swap3A_664[%swap3A_665], %swap3A_668 {strides = array<i32>} : memref<16384xf32, #tpu.memory_space<vmem>>, vector<16xf32>,
        %get3A_669 = arith.constant 1 : i32
        %get3A_670 = arith.constant 0 : i32
        %get3A_671 = arith.constant 0 : i32
        %get3A_672 = tpu.memref_slice %arg8[%get3A_669, %get3A_670, %get3A_671] : memref<3x128x64xi32, #tpu.memory_space<vmem>> -> memref<1x128x64xi32, #tpu.memory_space<vmem>>
        %get3A_673 = tpu.memref_squeeze %get3A_672 : memref<1x128x64xi32, #tpu.memory_space<vmem>> -> memref<128x64xi32, #tpu.memory_space<vmem>>
        %get3A_674 = arith.index_cast %scan3A_542 : i32 to index
        %get3A_675 = arith.constant 32 : index
        %get3A_676 = tpu.vector_load %get3A_673[%get3A_674, %get3A_675] {strides = array<i32>} : memref<128x64xi32, #tpu.memory_space<vmem>>, vector<1x16xi32>,
        %get3A_677 = vector.shape_cast %get3A_676 : vector<1x16xi32> to vector<16xi32>
        %get3A_678 = arith.constant 1 : i32
        %get3A_679 = arith.constant 0 : i32
        %get3A_680 = arith.constant 0 : i32
        %get3A_681 = tpu.memref_slice %arg9[%get3A_678, %get3A_679, %get3A_680] : memref<3x128x64xi32, #tpu.memory_space<vmem>> -> memref<1x128x64xi32, #tpu.memory_space<vmem>>
        %get3A_682 = tpu.memref_squeeze %get3A_681 : memref<1x128x64xi32, #tpu.memory_space<vmem>> -> memref<128x64xi32, #tpu.memory_space<vmem>>
        %get3A_683 = arith.index_cast %scan3A_542 : i32 to index
        %get3A_684 = arith.constant 32 : index
        %get3A_685 = tpu.vector_load %get3A_682[%get3A_683, %get3A_684] {strides = array<i32>} : memref<128x64xi32, #tpu.memory_space<vmem>>, vector<1x16xi32>,
        %get3A_686 = vector.shape_cast %get3A_685 : vector<1x16xi32> to vector<16xi32>
        %shift_left3A_687 = arith.constant 16 : i32
        %shift_left3A_688 = vector.broadcast %shift_left3A_687 : i32 to vector<16xi32>
        %shift_left3A_689 = arith.shli %get3A_677, %shift_left3A_688 : vector<16xi32>
        %bitcast_convert_type3A_690 = tpu.bitcast %shift_left3A_689 : vector<16xi32> -> vector<16xf32>
        %and3A_691 = vector.broadcast %scan3A_71 : i32 to vector<16xi32>
        %and3A_692 = arith.andi %get3A_677, %and3A_691 : vector<16xi32>
        %bitcast_convert_type3A_693 = tpu.bitcast %and3A_692 : vector<16xi32> -> vector<16xf32>
        %shift_left3A_694 = arith.constant 16 : i32
        %shift_left3A_695 = vector.broadcast %shift_left3A_694 : i32 to vector<16xi32>
        %shift_left3A_696 = arith.shli %get3A_686, %shift_left3A_695 : vector<16xi32>
        %bitcast_convert_type3A_697 = tpu.bitcast %shift_left3A_696 : vector<16xi32> -> vector<16xf32>
        %and3A_698 = vector.broadcast %scan3A_71 : i32 to vector<16xi32>
        %and3A_699 = arith.andi %get3A_686, %and3A_698 : vector<16xi32>
        %bitcast_convert_type3A_700 = tpu.bitcast %and3A_699 : vector<16xi32> -> vector<16xf32>
        %add3A_701 = arith.addf %bitcast_convert_type3A_690, %bitcast_convert_type3A_697 : vector<16xf32>
        %max3A_702 = arith.constant 0.000000e+00 : f32
        %max3A_703 = vector.broadcast %max3A_702 : f32 to vector<16xf32>
        %max3A_704 = arith.maximumf %add3A_701, %max3A_703 : vector<16xf32>
        %add3A_705 = arith.constant 64 : i32
        %add3A_706 = arith.addi %mul3A_544, %add3A_705 : i32
        %swap3A_707 = arith.constant 1 : i32
        %swap3A_708 = arith.constant 0 : i32
        %swap3A_709 = tpu.memref_slice %arg10[%swap3A_707, %swap3A_708] : memref<3x16384xf32, #tpu.memory_space<vmem>> -> memref<1x16384xf32, #tpu.memory_space<vmem>>
        %swap3A_710 = tpu.memref_squeeze %swap3A_709 : memref<1x16384xf32, #tpu.memory_space<vmem>> -> memref<16384xf32, #tpu.memory_space<vmem>>
        %swap3A_711 = arith.index_cast %add3A_706 : i32 to index
        %swap3A_712 = tpu.vector_load %swap3A_710[%swap3A_711] {strides = array<i32>} : memref<16384xf32, #tpu.memory_space<vmem>>, vector<16xf32>,
        %swap3A_713 = vector.shape_cast %swap3A_712 : vector<16xf32> to vector<16xf32>
        %swap3A_714 = vector.shape_cast %max3A_704 : vector<16xf32> to vector<16xf32>
        tpu.vector_store %swap3A_710[%swap3A_711], %swap3A_714 {strides = array<i32>} : memref<16384xf32, #tpu.memory_space<vmem>>, vector<16xf32>,
        %add3A_715 = arith.addf %bitcast_convert_type3A_693, %bitcast_convert_type3A_700 : vector<16xf32>
        %max3A_716 = arith.constant 0.000000e+00 : f32
        %max3A_717 = vector.broadcast %max3A_716 : f32 to vector<16xf32>
        %max3A_718 = arith.maximumf %add3A_715, %max3A_717 : vector<16xf32>
        %add3A_719 = arith.constant 64 : i32
        %add3A_720 = arith.addi %mul3A_544, %add3A_719 : i32
        %add3A_721 = arith.constant 16 : i32
        %add3A_722 = arith.addi %add3A_720, %add3A_721 : i32
        %swap3A_723 = arith.constant 1 : i32
        %swap3A_724 = arith.constant 0 : i32
        %swap3A_725 = tpu.memref_slice %arg10[%swap3A_723, %swap3A_724] : memref<3x16384xf32, #tpu.memory_space<vmem>> -> memref<1x16384xf32, #tpu.memory_space<vmem>>
        %swap3A_726 = tpu.memref_squeeze %swap3A_725 : memref<1x16384xf32, #tpu.memory_space<vmem>> -> memref<16384xf32, #tpu.memory_space<vmem>>
        %swap3A_727 = arith.index_cast %add3A_722 : i32 to index
        %swap3A_728 = tpu.vector_load %swap3A_726[%swap3A_727] {strides = array<i32>} : memref<16384xf32, #tpu.memory_space<vmem>>, vector<16xf32>,
        %swap3A_729 = vector.shape_cast %swap3A_728 : vector<16xf32> to vector<16xf32>
        %swap3A_730 = vector.shape_cast %max3A_718 : vector<16xf32> to vector<16xf32>
        tpu.vector_store %swap3A_726[%swap3A_727], %swap3A_730 {strides = array<i32>} : memref<16384xf32, #tpu.memory_space<vmem>>, vector<16xf32>,
        %get3A_731 = arith.constant 1 : i32
        %get3A_732 = arith.constant 0 : i32
        %get3A_733 = arith.constant 0 : i32
        %get3A_734 = tpu.memref_slice %arg8[%get3A_731, %get3A_732, %get3A_733] : memref<3x128x64xi32, #tpu.memory_space<vmem>> -> memref<1x128x64xi32, #tpu.memory_space<vmem>>
        %get3A_735 = tpu.memref_squeeze %get3A_734 : memref<1x128x64xi32, #tpu.memory_space<vmem>> -> memref<128x64xi32, #tpu.memory_space<vmem>>
        %get3A_736 = arith.index_cast %scan3A_542 : i32 to index
        %get3A_737 = arith.constant 48 : index
        %get3A_738 = tpu.vector_load %get3A_735[%get3A_736, %get3A_737] {strides = array<i32>} : memref<128x64xi32, #tpu.memory_space<vmem>>, vector<1x16xi32>,
        %get3A_739 = vector.shape_cast %get3A_738 : vector<1x16xi32> to vector<16xi32>
        %get3A_740 = arith.constant 1 : i32
        %get3A_741 = arith.constant 0 : i32
        %get3A_742 = arith.constant 0 : i32
        %get3A_743 = tpu.memref_slice %arg9[%get3A_740, %get3A_741, %get3A_742] : memref<3x128x64xi32, #tpu.memory_space<vmem>> -> memref<1x128x64xi32, #tpu.memory_space<vmem>>
        %get3A_744 = tpu.memref_squeeze %get3A_743 : memref<1x128x64xi32, #tpu.memory_space<vmem>> -> memref<128x64xi32, #tpu.memory_space<vmem>>
        %get3A_745 = arith.index_cast %scan3A_542 : i32 to index
        %get3A_746 = arith.constant 48 : index
        %get3A_747 = tpu.vector_load %get3A_744[%get3A_745, %get3A_746] {strides = array<i32>} : memref<128x64xi32, #tpu.memory_space<vmem>>, vector<1x16xi32>,
        %get3A_748 = vector.shape_cast %get3A_747 : vector<1x16xi32> to vector<16xi32>
        %shift_left3A_749 = arith.constant 16 : i32
        %shift_left3A_750 = vector.broadcast %shift_left3A_749 : i32 to vector<16xi32>
        %shift_left3A_751 = arith.shli %get3A_739, %shift_left3A_750 : vector<16xi32>
        %bitcast_convert_type3A_752 = tpu.bitcast %shift_left3A_751 : vector<16xi32> -> vector<16xf32>
        %and3A_753 = vector.broadcast %scan3A_71 : i32 to vector<16xi32>
        %and3A_754 = arith.andi %get3A_739, %and3A_753 : vector<16xi32>
        %bitcast_convert_type3A_755 = tpu.bitcast %and3A_754 : vector<16xi32> -> vector<16xf32>
        %shift_left3A_756 = arith.constant 16 : i32
        %shift_left3A_757 = vector.broadcast %shift_left3A_756 : i32 to vector<16xi32>
        %shift_left3A_758 = arith.shli %get3A_748, %shift_left3A_757 : vector<16xi32>
        %bitcast_convert_type3A_759 = tpu.bitcast %shift_left3A_758 : vector<16xi32> -> vector<16xf32>
        %and3A_760 = vector.broadcast %scan3A_71 : i32 to vector<16xi32>
        %and3A_761 = arith.andi %get3A_748, %and3A_760 : vector<16xi32>
        %bitcast_convert_type3A_762 = tpu.bitcast %and3A_761 : vector<16xi32> -> vector<16xf32>
        %add3A_763 = arith.addf %bitcast_convert_type3A_752, %bitcast_convert_type3A_759 : vector<16xf32>
        %max3A_764 = arith.constant 0.000000e+00 : f32
        %max3A_765 = vector.broadcast %max3A_764 : f32 to vector<16xf32>
        %max3A_766 = arith.maximumf %add3A_763, %max3A_765 : vector<16xf32>
        %add3A_767 = arith.constant 96 : i32
        %add3A_768 = arith.addi %mul3A_544, %add3A_767 : i32
        %swap3A_769 = arith.constant 1 : i32
        %swap3A_770 = arith.constant 0 : i32
        %swap3A_771 = tpu.memref_slice %arg10[%swap3A_769, %swap3A_770] : memref<3x16384xf32, #tpu.memory_space<vmem>> -> memref<1x16384xf32, #tpu.memory_space<vmem>>
        %swap3A_772 = tpu.memref_squeeze %swap3A_771 : memref<1x16384xf32, #tpu.memory_space<vmem>> -> memref<16384xf32, #tpu.memory_space<vmem>>
        %swap3A_773 = arith.index_cast %add3A_768 : i32 to index
        %swap3A_774 = tpu.vector_load %swap3A_772[%swap3A_773] {strides = array<i32>} : memref<16384xf32, #tpu.memory_space<vmem>>, vector<16xf32>,
        %swap3A_775 = vector.shape_cast %swap3A_774 : vector<16xf32> to vector<16xf32>
        %swap3A_776 = vector.shape_cast %max3A_766 : vector<16xf32> to vector<16xf32>
        tpu.vector_store %swap3A_772[%swap3A_773], %swap3A_776 {strides = array<i32>} : memref<16384xf32, #tpu.memory_space<vmem>>, vector<16xf32>,
        %add3A_777 = arith.addf %bitcast_convert_type3A_755, %bitcast_convert_type3A_762 : vector<16xf32>
        %max3A_778 = arith.constant 0.000000e+00 : f32
        %max3A_779 = vector.broadcast %max3A_778 : f32 to vector<16xf32>
        %max3A_780 = arith.maximumf %add3A_777, %max3A_779 : vector<16xf32>
        %add3A_781 = arith.constant 96 : i32
        %add3A_782 = arith.addi %mul3A_544, %add3A_781 : i32
        %add3A_783 = arith.constant 16 : i32
        %add3A_784 = arith.addi %add3A_782, %add3A_783 : i32
        %swap3A_785 = arith.constant 1 : i32
        %swap3A_786 = arith.constant 0 : i32
        %swap3A_787 = tpu.memref_slice %arg10[%swap3A_785, %swap3A_786] : memref<3x16384xf32, #tpu.memory_space<vmem>> -> memref<1x16384xf32, #tpu.memory_space<vmem>>
        %swap3A_788 = tpu.memref_squeeze %swap3A_787 : memref<1x16384xf32, #tpu.memory_space<vmem>> -> memref<16384xf32, #tpu.memory_space<vmem>>
        %swap3A_789 = arith.index_cast %add3A_784 : i32 to index
        %swap3A_790 = tpu.vector_load %swap3A_788[%swap3A_789] {strides = array<i32>} : memref<16384xf32, #tpu.memory_space<vmem>>, vector<16xf32>,
        %swap3A_791 = vector.shape_cast %swap3A_790 : vector<16xf32> to vector<16xf32>
        %swap3A_792 = vector.shape_cast %max3A_780 : vector<16xf32> to vector<16xf32>
        tpu.vector_store %swap3A_788[%swap3A_789], %swap3A_792 {strides = array<i32>} : memref<16384xf32, #tpu.memory_space<vmem>>, vector<16xf32>,
      }
      %scan3A_225 = arith.constant 128 : i32
      %mul3A_226 = arith.constant 128 : i32
      %mul3A_227 = arith.muli %add3A_187, %mul3A_226 : i32
      %add3A_228 = arith.addi %mul3A_2, %mul3A_227 : i32
      %mul3A_229 = arith.constant 128 : i32
      %mul3A_230 = arith.muli %add3A_228, %mul3A_229 : i32
      %dma_start3A_231 = arith.constant 1 : i32
      %dma_start3A_232 = arith.constant 0 : i32
      %dma_start3A_233 = tpu.memref_slice %arg10[%dma_start3A_231, %dma_start3A_232] : memref<3x16384xf32, #tpu.memory_space<vmem>> -> memref<1x16384xf32, #tpu.memory_space<vmem>>
      %dma_start3A_234 = tpu.memref_squeeze %dma_start3A_233 : memref<1x16384xf32, #tpu.memory_space<vmem>> -> memref<16384xf32, #tpu.memory_space<vmem>>
      %dma_start3A_235 = tpu.memref_slice %arg5[%mul3A_230] : memref<40960000xf32, #tpu.memory_space<hbm>> -> memref<16384xf32, #tpu.memory_space<hbm>>
      %dma_start3A_236 = tpu.memref_slice %arg5[%mul3A_230] : memref<40960000xf32, #tpu.memory_space<hbm>> -> memref<16384xf32, #tpu.memory_space<hbm>>
      %dma_start3A_237 = arith.constant 0 : i32
      %dma_start3A_238 = tpu.memref_slice %arg10[%dma_start3A_231, %dma_start3A_237] : memref<3x16384xf32, #tpu.memory_space<vmem>> -> memref<1x16384xf32, #tpu.memory_space<vmem>>
      %dma_start3A_239 = tpu.memref_squeeze %dma_start3A_238 : memref<1x16384xf32, #tpu.memory_space<vmem>> -> memref<16384xf32, #tpu.memory_space<vmem>>
      tpu.enqueue_dma source(%dma_start3A_239 : memref<16384xf32, #tpu.memory_space<vmem>>) target(%dma_start3A_236 : memref<16384xf32, #tpu.memory_space<hbm>>) target_semaphore(%arg21 : memref<!tpu.dma_semaphore, #tpu.memory_space<semaphore_mem>>)
      %mul3A_240 = arith.constant 3 : i32
      %mul3A_241 = arith.muli %scan3A_131, %mul3A_240 : i32
      %add3A_242 = arith.constant 2 : i32
      %add3A_243 = arith.addi %mul3A_241, %add3A_242 : i32
      %dma_wait3A_244 = arith.constant 2 : i32
      %dma_wait3A_245 = arith.constant 0 : i32
      %dma_wait3A_246 = arith.constant 0 : i32
      %dma_wait3A_247 = tpu.memref_slice %arg8[%dma_wait3A_244, %dma_wait3A_245, %dma_wait3A_246] : memref<3x128x64xi32, #tpu.memory_space<vmem>> -> memref<1x128x64xi32, #tpu.memory_space<vmem>>
      %dma_wait3A_248 = tpu.memref_squeeze %dma_wait3A_247 : memref<1x128x64xi32, #tpu.memory_space<vmem>> -> memref<128x64xi32, #tpu.memory_space<vmem>>
      %dma_wait3A_249 = arith.constant 0 : i32
      %dma_wait3A_250 = tpu.memref_slice %arg6[%dma_wait3A_249] : memref<10000xi32, #tpu.memory_space<vmem>> -> memref<128xi32, #tpu.memory_space<vmem>>
      %dma_wait3A_251 = arith.constant 0 : i32
      %dma_wait3A_252 = arith.constant 0 : i32
      %dma_wait3A_253 = tpu.memref_slice %arg2[%dma_wait3A_251, %dma_wait3A_252] : memref<10000x64xi32, #tpu.memory_space<hbm>> -> memref<10000x64xi32, #tpu.memory_space<hbm>>
      tpu.wait_indirect_dma semaphore(%arg16 : memref<!tpu.dma_semaphore, #tpu.memory_space<semaphore_mem>>) src(%dma_wait3A_253 : memref<10000x64xi32, #tpu.memory_space<hbm>>) dst(%dma_wait3A_248 : memref<128x64xi32, #tpu.memory_space<vmem>>)
      %dma_wait3A_254 = arith.constant 2 : i32
      %dma_wait3A_255 = arith.constant 0 : i32
      %dma_wait3A_256 = arith.constant 0 : i32
      %dma_wait3A_257 = tpu.memref_slice %arg9[%dma_wait3A_254, %dma_wait3A_255, %dma_wait3A_256] : memref<3x128x64xi32, #tpu.memory_space<vmem>> -> memref<1x128x64xi32, #tpu.memory_space<vmem>>
      %dma_wait3A_258 = tpu.memref_squeeze %dma_wait3A_257 : memref<1x128x64xi32, #tpu.memory_space<vmem>> -> memref<128x64xi32, #tpu.memory_space<vmem>>
      %dma_wait3A_259 = arith.constant 0 : i32
      %dma_wait3A_260 = tpu.memref_slice %arg7[%dma_wait3A_259] : memref<10000xi32, #tpu.memory_space<vmem>> -> memref<128xi32, #tpu.memory_space<vmem>>
      %dma_wait3A_261 = arith.constant 0 : i32
      %dma_wait3A_262 = arith.constant 0 : i32
      %dma_wait3A_263 = tpu.memref_slice %arg3[%dma_wait3A_261, %dma_wait3A_262] : memref<10000x64xi32, #tpu.memory_space<hbm>> -> memref<10000x64xi32, #tpu.memory_space<hbm>>
      tpu.wait_indirect_dma semaphore(%arg19 : memref<!tpu.dma_semaphore, #tpu.memory_space<semaphore_mem>>) src(%dma_wait3A_263 : memref<10000x64xi32, #tpu.memory_space<hbm>>) dst(%dma_wait3A_258 : memref<128x64xi32, #tpu.memory_space<vmem>>)
      %add3A_264 = arith.constant 2 : i32
      %add3A_265 = arith.addi %add3A_243, %add3A_264 : i32
      %lt3A_266 = arith.constant 78 : i32
      %lt3A_267 = arith.cmpi slt, %add3A_265, %lt3A_266 : i32
      %convert_element_type3A_268 = arith.extui %lt3A_267 : i1 to i32
      %cond3A_269 = arith.constant 0 : i32
      %cond3A_270 = arith.cmpi ne, %convert_element_type3A_268, %cond3A_269 : i32
      scf.if %cond3A_270 {
        %add3A_296 = arith.constant 2 : i32
        %add3A_297 = arith.addi %add3A_243, %add3A_296 : i32
        %mul3A_298 = arith.constant 128 : i32
        %mul3A_299 = arith.muli %add3A_297, %mul3A_298 : i32
        %dma_start3A_300 = arith.constant 1 : i32
        %dma_start3A_301 = arith.constant 0 : i32
        %dma_start3A_302 = arith.constant 0 : i32
        %dma_start3A_303 = tpu.memref_slice %arg8[%dma_start3A_300, %dma_start3A_301, %dma_start3A_302] : memref<3x128x64xi32, #tpu.memory_space<vmem>> -> memref<1x128x64xi32, #tpu.memory_space<vmem>>
        %dma_start3A_304 = tpu.memref_squeeze %dma_start3A_303 : memref<1x128x64xi32, #tpu.memory_space<vmem>> -> memref<128x64xi32, #tpu.memory_space<vmem>>
        %dma_start3A_305 = tpu.memref_slice %arg6[%mul3A_299] : memref<10000xi32, #tpu.memory_space<vmem>> -> memref<128xi32, #tpu.memory_space<vmem>>
        %dma_start3A_306 = arith.constant 0 : i32
        %dma_start3A_307 = arith.constant 0 : i32
        %dma_start3A_308 = tpu.memref_slice %arg2[%dma_start3A_306, %dma_start3A_307] : memref<10000x64xi32, #tpu.memory_space<hbm>> -> memref<10000x64xi32, #tpu.memory_space<hbm>>
        tpu.enqueue_indirect_dma source(%dma_start3A_308 : memref<10000x64xi32, #tpu.memory_space<hbm>>) target(%dma_start3A_304 : memref<128x64xi32, #tpu.memory_space<vmem>>) offsets(%dma_start3A_305 : memref<128xi32, #tpu.memory_space<vmem>>) semaphore(%arg15 : memref<!tpu.dma_semaphore, #tpu.memory_space<semaphore_mem>>)
        %mul3A_309 = arith.constant 128 : i32
        %mul3A_310 = arith.muli %add3A_297, %mul3A_309 : i32
        %dma_start3A_311 = arith.constant 1 : i32
        %dma_start3A_312 = arith.constant 0 : i32
        %dma_start3A_313 = arith.constant 0 : i32
        %dma_start3A_314 = tpu.memref_slice %arg9[%dma_start3A_311, %dma_start3A_312, %dma_start3A_313] : memref<3x128x64xi32, #tpu.memory_space<vmem>> -> memref<1x128x64xi32, #tpu.memory_space<vmem>>
        %dma_start3A_315 = tpu.memref_squeeze %dma_start3A_314 : memref<1x128x64xi32, #tpu.memory_space<vmem>> -> memref<128x64xi32, #tpu.memory_space<vmem>>
        %dma_start3A_316 = tpu.memref_slice %arg7[%mul3A_310] : memref<10000xi32, #tpu.memory_space<vmem>> -> memref<128xi32, #tpu.memory_space<vmem>>
        %dma_start3A_317 = arith.constant 0 : i32
        %dma_start3A_318 = arith.constant 0 : i32
        %dma_start3A_319 = tpu.memref_slice %arg3[%dma_start3A_317, %dma_start3A_318] : memref<10000x64xi32, #tpu.memory_space<hbm>> -> memref<10000x64xi32, #tpu.memory_space<hbm>>
        tpu.enqueue_indirect_dma source(%dma_start3A_319 : memref<10000x64xi32, #tpu.memory_space<hbm>>) target(%dma_start3A_315 : memref<128x64xi32, #tpu.memory_space<vmem>>) offsets(%dma_start3A_316 : memref<128xi32, #tpu.memory_space<vmem>>) semaphore(%arg18 : memref<!tpu.dma_semaphore, #tpu.memory_space<semaphore_mem>>)
      } else {
      }
      %ge3A_271 = arith.constant 3 : i32
      %ge3A_272 = arith.cmpi sge, %add3A_243, %ge3A_271 : i32
      %convert_element_type3A_273 = arith.extui %ge3A_272 : i1 to i32
      %cond3A_274 = arith.constant 0 : i32
      %cond3A_275 = arith.cmpi ne, %convert_element_type3A_273, %cond3A_274 : i32
      scf.if %cond3A_275 {
        %dma_wait3A_296 = arith.constant 2 : i32
        %dma_wait3A_297 = arith.constant 0 : i32
        %dma_wait3A_298 = tpu.memref_slice %arg10[%dma_wait3A_296, %dma_wait3A_297] : memref<3x16384xf32, #tpu.memory_space<vmem>> -> memref<1x16384xf32, #tpu.memory_space<vmem>>
        %dma_wait3A_299 = tpu.memref_squeeze %dma_wait3A_298 : memref<1x16384xf32, #tpu.memory_space<vmem>> -> memref<16384xf32, #tpu.memory_space<vmem>>
        %dma_wait3A_300 = arith.constant 0 : i32
        %dma_wait3A_301 = tpu.memref_slice %arg5[%dma_wait3A_300] : memref<40960000xf32, #tpu.memory_space<hbm>> -> memref<16384xf32, #tpu.memory_space<hbm>>
        %dma_wait3A_302 = arith.constant 0 : i32
        %dma_wait3A_303 = tpu.memref_slice %arg5[%dma_wait3A_302] : memref<40960000xf32, #tpu.memory_space<hbm>> -> memref<16384xf32, #tpu.memory_space<hbm>>
        %dma_wait3A_304 = arith.constant 0 : i32
        %dma_wait3A_305 = tpu.memref_slice %arg10[%dma_wait3A_296, %dma_wait3A_304] : memref<3x16384xf32, #tpu.memory_space<vmem>> -> memref<1x16384xf32, #tpu.memory_space<vmem>>
        %dma_wait3A_306 = tpu.memref_squeeze %dma_wait3A_305 : memref<1x16384xf32, #tpu.memory_space<vmem>> -> memref<16384xf32, #tpu.memory_space<vmem>>
        tpu.wait_dma2 semaphore(%arg22 : memref<!tpu.dma_semaphore, #tpu.memory_space<semaphore_mem>>) src(%dma_wait3A_306 : memref<16384xf32, #tpu.memory_space<vmem>>) dst(%dma_wait3A_303 : memref<16384xf32, #tpu.memory_space<hbm>>)
      } else {
      }
      %scan3A_276 = arith.constant 0 : i32
      %scan3A_277 = arith.constant 0 : i32
      %scan3A_278 = arith.constant 128 : i32
      %scan3A_279 = arith.addi %scan3A_277, %scan3A_278 : i32
      %scan3A_280 = arith.constant 2 : i32
      scf.for %scan3A_296 = %scan3A_277 to %scan3A_279 step %scan3A_280  : i32 {
        %mul3A_297 = arith.constant 128 : i32
        %mul3A_298 = arith.muli %scan3A_296, %mul3A_297 : i32
        %get3A = arith.constant 2 : i32
        %get3A_299 = arith.constant 0 : i32
        %get3A_300 = arith.constant 0 : i32
        %get3A_301 = tpu.memref_slice %arg8[%get3A, %get3A_299, %get3A_300] : memref<3x128x64xi32, #tpu.memory_space<vmem>> -> memref<1x128x64xi32, #tpu.memory_space<vmem>>
        %get3A_302 = tpu.memref_squeeze %get3A_301 : memref<1x128x64xi32, #tpu.memory_space<vmem>> -> memref<128x64xi32, #tpu.memory_space<vmem>>
        %get3A_303 = arith.index_cast %scan3A_296 : i32 to index
        %get3A_304 = arith.constant 0 : index
        %get3A_305 = tpu.vector_load %get3A_302[%get3A_303, %get3A_304] {strides = array<i32>} : memref<128x64xi32, #tpu.memory_space<vmem>>, vector<1x16xi32>,
        %get3A_306 = vector.shape_cast %get3A_305 : vector<1x16xi32> to vector<16xi32>
        %get3A_307 = arith.constant 2 : i32
        %get3A_308 = arith.constant 0 : i32
        %get3A_309 = arith.constant 0 : i32
        %get3A_310 = tpu.memref_slice %arg9[%get3A_307, %get3A_308, %get3A_309] : memref<3x128x64xi32, #tpu.memory_space<vmem>> -> memref<1x128x64xi32, #tpu.memory_space<vmem>>
        %get3A_311 = tpu.memref_squeeze %get3A_310 : memref<1x128x64xi32, #tpu.memory_space<vmem>> -> memref<128x64xi32, #tpu.memory_space<vmem>>
        %get3A_312 = arith.index_cast %scan3A_296 : i32 to index
        %get3A_313 = arith.constant 0 : index
        %get3A_314 = tpu.vector_load %get3A_311[%get3A_312, %get3A_313] {strides = array<i32>} : memref<128x64xi32, #tpu.memory_space<vmem>>, vector<1x16xi32>,
        %get3A_315 = vector.shape_cast %get3A_314 : vector<1x16xi32> to vector<16xi32>
        %shift_left3A = arith.constant 16 : i32
        %shift_left3A_316 = vector.broadcast %shift_left3A : i32 to vector<16xi32>
        %shift_left3A_317 = arith.shli %get3A_306, %shift_left3A_316 : vector<16xi32>
        %bitcast_convert_type3A = tpu.bitcast %shift_left3A_317 : vector<16xi32> -> vector<16xf32>
        %and3A = vector.broadcast %scan3A_71 : i32 to vector<16xi32>
        %and3A_318 = arith.andi %get3A_306, %and3A : vector<16xi32>
        %bitcast_convert_type3A_319 = tpu.bitcast %and3A_318 : vector<16xi32> -> vector<16xf32>
        %shift_left3A_320 = arith.constant 16 : i32
        %shift_left3A_321 = vector.broadcast %shift_left3A_320 : i32 to vector<16xi32>
        %shift_left3A_322 = arith.shli %get3A_315, %shift_left3A_321 : vector<16xi32>
        %bitcast_convert_type3A_323 = tpu.bitcast %shift_left3A_322 : vector<16xi32> -> vector<16xf32>
        %and3A_324 = vector.broadcast %scan3A_71 : i32 to vector<16xi32>
        %and3A_325 = arith.andi %get3A_315, %and3A_324 : vector<16xi32>
        %bitcast_convert_type3A_326 = tpu.bitcast %and3A_325 : vector<16xi32> -> vector<16xf32>
        %add3A_327 = arith.addf %bitcast_convert_type3A, %bitcast_convert_type3A_323 : vector<16xf32>
        %max3A = arith.constant 0.000000e+00 : f32
        %max3A_328 = vector.broadcast %max3A : f32 to vector<16xf32>
        %max3A_329 = arith.maximumf %add3A_327, %max3A_328 : vector<16xf32>
        %add3A_330 = arith.constant 0 : i32
        %add3A_331 = arith.addi %mul3A_298, %add3A_330 : i32
        %swap3A = arith.constant 2 : i32
        %swap3A_332 = arith.constant 0 : i32
        %swap3A_333 = tpu.memref_slice %arg10[%swap3A, %swap3A_332] : memref<3x16384xf32, #tpu.memory_space<vmem>> -> memref<1x16384xf32, #tpu.memory_space<vmem>>
        %swap3A_334 = tpu.memref_squeeze %swap3A_333 : memref<1x16384xf32, #tpu.memory_space<vmem>> -> memref<16384xf32, #tpu.memory_space<vmem>>
        %swap3A_335 = arith.index_cast %add3A_331 : i32 to index
        %swap3A_336 = tpu.vector_load %swap3A_334[%swap3A_335] {strides = array<i32>} : memref<16384xf32, #tpu.memory_space<vmem>>, vector<16xf32>,
        %swap3A_337 = vector.shape_cast %swap3A_336 : vector<16xf32> to vector<16xf32>
        %swap3A_338 = vector.shape_cast %max3A_329 : vector<16xf32> to vector<16xf32>
        tpu.vector_store %swap3A_334[%swap3A_335], %swap3A_338 {strides = array<i32>} : memref<16384xf32, #tpu.memory_space<vmem>>, vector<16xf32>,
        %add3A_339 = arith.addf %bitcast_convert_type3A_319, %bitcast_convert_type3A_326 : vector<16xf32>
        %max3A_340 = arith.constant 0.000000e+00 : f32
        %max3A_341 = vector.broadcast %max3A_340 : f32 to vector<16xf32>
        %max3A_342 = arith.maximumf %add3A_339, %max3A_341 : vector<16xf32>
        %add3A_343 = arith.constant 0 : i32
        %add3A_344 = arith.addi %mul3A_298, %add3A_343 : i32
        %add3A_345 = arith.constant 16 : i32
        %add3A_346 = arith.addi %add3A_344, %add3A_345 : i32
        %swap3A_347 = arith.constant 2 : i32
        %swap3A_348 = arith.constant 0 : i32
        %swap3A_349 = tpu.memref_slice %arg10[%swap3A_347, %swap3A_348] : memref<3x16384xf32, #tpu.memory_space<vmem>> -> memref<1x16384xf32, #tpu.memory_space<vmem>>
        %swap3A_350 = tpu.memref_squeeze %swap3A_349 : memref<1x16384xf32, #tpu.memory_space<vmem>> -> memref<16384xf32, #tpu.memory_space<vmem>>
        %swap3A_351 = arith.index_cast %add3A_346 : i32 to index
        %swap3A_352 = tpu.vector_load %swap3A_350[%swap3A_351] {strides = array<i32>} : memref<16384xf32, #tpu.memory_space<vmem>>, vector<16xf32>,
        %swap3A_353 = vector.shape_cast %swap3A_352 : vector<16xf32> to vector<16xf32>
        %swap3A_354 = vector.shape_cast %max3A_342 : vector<16xf32> to vector<16xf32>
        tpu.vector_store %swap3A_350[%swap3A_351], %swap3A_354 {strides = array<i32>} : memref<16384xf32, #tpu.memory_space<vmem>>, vector<16xf32>,
        %get3A_355 = arith.constant 2 : i32
        %get3A_356 = arith.constant 0 : i32
        %get3A_357 = arith.constant 0 : i32
        %get3A_358 = tpu.memref_slice %arg8[%get3A_355, %get3A_356, %get3A_357] : memref<3x128x64xi32, #tpu.memory_space<vmem>> -> memref<1x128x64xi32, #tpu.memory_space<vmem>>
        %get3A_359 = tpu.memref_squeeze %get3A_358 : memref<1x128x64xi32, #tpu.memory_space<vmem>> -> memref<128x64xi32, #tpu.memory_space<vmem>>
        %get3A_360 = arith.index_cast %scan3A_296 : i32 to index
        %get3A_361 = arith.constant 16 : index
        %get3A_362 = tpu.vector_load %get3A_359[%get3A_360, %get3A_361] {strides = array<i32>} : memref<128x64xi32, #tpu.memory_space<vmem>>, vector<1x16xi32>,
        %get3A_363 = vector.shape_cast %get3A_362 : vector<1x16xi32> to vector<16xi32>
        %get3A_364 = arith.constant 2 : i32
        %get3A_365 = arith.constant 0 : i32
        %get3A_366 = arith.constant 0 : i32
        %get3A_367 = tpu.memref_slice %arg9[%get3A_364, %get3A_365, %get3A_366] : memref<3x128x64xi32, #tpu.memory_space<vmem>> -> memref<1x128x64xi32, #tpu.memory_space<vmem>>
        %get3A_368 = tpu.memref_squeeze %get3A_367 : memref<1x128x64xi32, #tpu.memory_space<vmem>> -> memref<128x64xi32, #tpu.memory_space<vmem>>
        %get3A_369 = arith.index_cast %scan3A_296 : i32 to index
        %get3A_370 = arith.constant 16 : index
        %get3A_371 = tpu.vector_load %get3A_368[%get3A_369, %get3A_370] {strides = array<i32>} : memref<128x64xi32, #tpu.memory_space<vmem>>, vector<1x16xi32>,
        %get3A_372 = vector.shape_cast %get3A_371 : vector<1x16xi32> to vector<16xi32>
        %shift_left3A_373 = arith.constant 16 : i32
        %shift_left3A_374 = vector.broadcast %shift_left3A_373 : i32 to vector<16xi32>
        %shift_left3A_375 = arith.shli %get3A_363, %shift_left3A_374 : vector<16xi32>
        %bitcast_convert_type3A_376 = tpu.bitcast %shift_left3A_375 : vector<16xi32> -> vector<16xf32>
        %and3A_377 = vector.broadcast %scan3A_71 : i32 to vector<16xi32>
        %and3A_378 = arith.andi %get3A_363, %and3A_377 : vector<16xi32>
        %bitcast_convert_type3A_379 = tpu.bitcast %and3A_378 : vector<16xi32> -> vector<16xf32>
        %shift_left3A_380 = arith.constant 16 : i32
        %shift_left3A_381 = vector.broadcast %shift_left3A_380 : i32 to vector<16xi32>
        %shift_left3A_382 = arith.shli %get3A_372, %shift_left3A_381 : vector<16xi32>
        %bitcast_convert_type3A_383 = tpu.bitcast %shift_left3A_382 : vector<16xi32> -> vector<16xf32>
        %and3A_384 = vector.broadcast %scan3A_71 : i32 to vector<16xi32>
        %and3A_385 = arith.andi %get3A_372, %and3A_384 : vector<16xi32>
        %bitcast_convert_type3A_386 = tpu.bitcast %and3A_385 : vector<16xi32> -> vector<16xf32>
        %add3A_387 = arith.addf %bitcast_convert_type3A_376, %bitcast_convert_type3A_383 : vector<16xf32>
        %max3A_388 = arith.constant 0.000000e+00 : f32
        %max3A_389 = vector.broadcast %max3A_388 : f32 to vector<16xf32>
        %max3A_390 = arith.maximumf %add3A_387, %max3A_389 : vector<16xf32>
        %add3A_391 = arith.constant 32 : i32
        %add3A_392 = arith.addi %mul3A_298, %add3A_391 : i32
        %swap3A_393 = arith.constant 2 : i32
        %swap3A_394 = arith.constant 0 : i32
        %swap3A_395 = tpu.memref_slice %arg10[%swap3A_393, %swap3A_394] : memref<3x16384xf32, #tpu.memory_space<vmem>> -> memref<1x16384xf32, #tpu.memory_space<vmem>>
        %swap3A_396 = tpu.memref_squeeze %swap3A_395 : memref<1x16384xf32, #tpu.memory_space<vmem>> -> memref<16384xf32, #tpu.memory_space<vmem>>
        %swap3A_397 = arith.index_cast %add3A_392 : i32 to index
        %swap3A_398 = tpu.vector_load %swap3A_396[%swap3A_397] {strides = array<i32>} : memref<16384xf32, #tpu.memory_space<vmem>>, vector<16xf32>,
        %swap3A_399 = vector.shape_cast %swap3A_398 : vector<16xf32> to vector<16xf32>
        %swap3A_400 = vector.shape_cast %max3A_390 : vector<16xf32> to vector<16xf32>
        tpu.vector_store %swap3A_396[%swap3A_397], %swap3A_400 {strides = array<i32>} : memref<16384xf32, #tpu.memory_space<vmem>>, vector<16xf32>,
        %add3A_401 = arith.addf %bitcast_convert_type3A_379, %bitcast_convert_type3A_386 : vector<16xf32>
        %max3A_402 = arith.constant 0.000000e+00 : f32
        %max3A_403 = vector.broadcast %max3A_402 : f32 to vector<16xf32>
        %max3A_404 = arith.maximumf %add3A_401, %max3A_403 : vector<16xf32>
        %add3A_405 = arith.constant 32 : i32
        %add3A_406 = arith.addi %mul3A_298, %add3A_405 : i32
        %add3A_407 = arith.constant 16 : i32
        %add3A_408 = arith.addi %add3A_406, %add3A_407 : i32
        %swap3A_409 = arith.constant 2 : i32
        %swap3A_410 = arith.constant 0 : i32
        %swap3A_411 = tpu.memref_slice %arg10[%swap3A_409, %swap3A_410] : memref<3x16384xf32, #tpu.memory_space<vmem>> -> memref<1x16384xf32, #tpu.memory_space<vmem>>
        %swap3A_412 = tpu.memref_squeeze %swap3A_411 : memref<1x16384xf32, #tpu.memory_space<vmem>> -> memref<16384xf32, #tpu.memory_space<vmem>>
        %swap3A_413 = arith.index_cast %add3A_408 : i32 to index
        %swap3A_414 = tpu.vector_load %swap3A_412[%swap3A_413] {strides = array<i32>} : memref<16384xf32, #tpu.memory_space<vmem>>, vector<16xf32>,
        %swap3A_415 = vector.shape_cast %swap3A_414 : vector<16xf32> to vector<16xf32>
        %swap3A_416 = vector.shape_cast %max3A_404 : vector<16xf32> to vector<16xf32>
        tpu.vector_store %swap3A_412[%swap3A_413], %swap3A_416 {strides = array<i32>} : memref<16384xf32, #tpu.memory_space<vmem>>, vector<16xf32>,
        %get3A_417 = arith.constant 2 : i32
        %get3A_418 = arith.constant 0 : i32
        %get3A_419 = arith.constant 0 : i32
        %get3A_420 = tpu.memref_slice %arg8[%get3A_417, %get3A_418, %get3A_419] : memref<3x128x64xi32, #tpu.memory_space<vmem>> -> memref<1x128x64xi32, #tpu.memory_space<vmem>>
        %get3A_421 = tpu.memref_squeeze %get3A_420 : memref<1x128x64xi32, #tpu.memory_space<vmem>> -> memref<128x64xi32, #tpu.memory_space<vmem>>
        %get3A_422 = arith.index_cast %scan3A_296 : i32 to index
        %get3A_423 = arith.constant 32 : index
        %get3A_424 = tpu.vector_load %get3A_421[%get3A_422, %get3A_423] {strides = array<i32>} : memref<128x64xi32, #tpu.memory_space<vmem>>, vector<1x16xi32>,
        %get3A_425 = vector.shape_cast %get3A_424 : vector<1x16xi32> to vector<16xi32>
        %get3A_426 = arith.constant 2 : i32
        %get3A_427 = arith.constant 0 : i32
        %get3A_428 = arith.constant 0 : i32
        %get3A_429 = tpu.memref_slice %arg9[%get3A_426, %get3A_427, %get3A_428] : memref<3x128x64xi32, #tpu.memory_space<vmem>> -> memref<1x128x64xi32, #tpu.memory_space<vmem>>
        %get3A_430 = tpu.memref_squeeze %get3A_429 : memref<1x128x64xi32, #tpu.memory_space<vmem>> -> memref<128x64xi32, #tpu.memory_space<vmem>>
        %get3A_431 = arith.index_cast %scan3A_296 : i32 to index
        %get3A_432 = arith.constant 32 : index
        %get3A_433 = tpu.vector_load %get3A_430[%get3A_431, %get3A_432] {strides = array<i32>} : memref<128x64xi32, #tpu.memory_space<vmem>>, vector<1x16xi32>,
        %get3A_434 = vector.shape_cast %get3A_433 : vector<1x16xi32> to vector<16xi32>
        %shift_left3A_435 = arith.constant 16 : i32
        %shift_left3A_436 = vector.broadcast %shift_left3A_435 : i32 to vector<16xi32>
        %shift_left3A_437 = arith.shli %get3A_425, %shift_left3A_436 : vector<16xi32>
        %bitcast_convert_type3A_438 = tpu.bitcast %shift_left3A_437 : vector<16xi32> -> vector<16xf32>
        %and3A_439 = vector.broadcast %scan3A_71 : i32 to vector<16xi32>
        %and3A_440 = arith.andi %get3A_425, %and3A_439 : vector<16xi32>
        %bitcast_convert_type3A_441 = tpu.bitcast %and3A_440 : vector<16xi32> -> vector<16xf32>
        %shift_left3A_442 = arith.constant 16 : i32
        %shift_left3A_443 = vector.broadcast %shift_left3A_442 : i32 to vector<16xi32>
        %shift_left3A_444 = arith.shli %get3A_434, %shift_left3A_443 : vector<16xi32>
        %bitcast_convert_type3A_445 = tpu.bitcast %shift_left3A_444 : vector<16xi32> -> vector<16xf32>
        %and3A_446 = vector.broadcast %scan3A_71 : i32 to vector<16xi32>
        %and3A_447 = arith.andi %get3A_434, %and3A_446 : vector<16xi32>
        %bitcast_convert_type3A_448 = tpu.bitcast %and3A_447 : vector<16xi32> -> vector<16xf32>
        %add3A_449 = arith.addf %bitcast_convert_type3A_438, %bitcast_convert_type3A_445 : vector<16xf32>
        %max3A_450 = arith.constant 0.000000e+00 : f32
        %max3A_451 = vector.broadcast %max3A_450 : f32 to vector<16xf32>
        %max3A_452 = arith.maximumf %add3A_449, %max3A_451 : vector<16xf32>
        %add3A_453 = arith.constant 64 : i32
        %add3A_454 = arith.addi %mul3A_298, %add3A_453 : i32
        %swap3A_455 = arith.constant 2 : i32
        %swap3A_456 = arith.constant 0 : i32
        %swap3A_457 = tpu.memref_slice %arg10[%swap3A_455, %swap3A_456] : memref<3x16384xf32, #tpu.memory_space<vmem>> -> memref<1x16384xf32, #tpu.memory_space<vmem>>
        %swap3A_458 = tpu.memref_squeeze %swap3A_457 : memref<1x16384xf32, #tpu.memory_space<vmem>> -> memref<16384xf32, #tpu.memory_space<vmem>>
        %swap3A_459 = arith.index_cast %add3A_454 : i32 to index
        %swap3A_460 = tpu.vector_load %swap3A_458[%swap3A_459] {strides = array<i32>} : memref<16384xf32, #tpu.memory_space<vmem>>, vector<16xf32>,
        %swap3A_461 = vector.shape_cast %swap3A_460 : vector<16xf32> to vector<16xf32>
        %swap3A_462 = vector.shape_cast %max3A_452 : vector<16xf32> to vector<16xf32>
        tpu.vector_store %swap3A_458[%swap3A_459], %swap3A_462 {strides = array<i32>} : memref<16384xf32, #tpu.memory_space<vmem>>, vector<16xf32>,
        %add3A_463 = arith.addf %bitcast_convert_type3A_441, %bitcast_convert_type3A_448 : vector<16xf32>
        %max3A_464 = arith.constant 0.000000e+00 : f32
        %max3A_465 = vector.broadcast %max3A_464 : f32 to vector<16xf32>
        %max3A_466 = arith.maximumf %add3A_463, %max3A_465 : vector<16xf32>
        %add3A_467 = arith.constant 64 : i32
        %add3A_468 = arith.addi %mul3A_298, %add3A_467 : i32
        %add3A_469 = arith.constant 16 : i32
        %add3A_470 = arith.addi %add3A_468, %add3A_469 : i32
        %swap3A_471 = arith.constant 2 : i32
        %swap3A_472 = arith.constant 0 : i32
        %swap3A_473 = tpu.memref_slice %arg10[%swap3A_471, %swap3A_472] : memref<3x16384xf32, #tpu.memory_space<vmem>> -> memref<1x16384xf32, #tpu.memory_space<vmem>>
        %swap3A_474 = tpu.memref_squeeze %swap3A_473 : memref<1x16384xf32, #tpu.memory_space<vmem>> -> memref<16384xf32, #tpu.memory_space<vmem>>
        %swap3A_475 = arith.index_cast %add3A_470 : i32 to index
        %swap3A_476 = tpu.vector_load %swap3A_474[%swap3A_475] {strides = array<i32>} : memref<16384xf32, #tpu.memory_space<vmem>>, vector<16xf32>,
        %swap3A_477 = vector.shape_cast %swap3A_476 : vector<16xf32> to vector<16xf32>
        %swap3A_478 = vector.shape_cast %max3A_466 : vector<16xf32> to vector<16xf32>
        tpu.vector_store %swap3A_474[%swap3A_475], %swap3A_478 {strides = array<i32>} : memref<16384xf32, #tpu.memory_space<vmem>>, vector<16xf32>,
        %get3A_479 = arith.constant 2 : i32
        %get3A_480 = arith.constant 0 : i32
        %get3A_481 = arith.constant 0 : i32
        %get3A_482 = tpu.memref_slice %arg8[%get3A_479, %get3A_480, %get3A_481] : memref<3x128x64xi32, #tpu.memory_space<vmem>> -> memref<1x128x64xi32, #tpu.memory_space<vmem>>
        %get3A_483 = tpu.memref_squeeze %get3A_482 : memref<1x128x64xi32, #tpu.memory_space<vmem>> -> memref<128x64xi32, #tpu.memory_space<vmem>>
        %get3A_484 = arith.index_cast %scan3A_296 : i32 to index
        %get3A_485 = arith.constant 48 : index
        %get3A_486 = tpu.vector_load %get3A_483[%get3A_484, %get3A_485] {strides = array<i32>} : memref<128x64xi32, #tpu.memory_space<vmem>>, vector<1x16xi32>,
        %get3A_487 = vector.shape_cast %get3A_486 : vector<1x16xi32> to vector<16xi32>
        %get3A_488 = arith.constant 2 : i32
        %get3A_489 = arith.constant 0 : i32
        %get3A_490 = arith.constant 0 : i32
        %get3A_491 = tpu.memref_slice %arg9[%get3A_488, %get3A_489, %get3A_490] : memref<3x128x64xi32, #tpu.memory_space<vmem>> -> memref<1x128x64xi32, #tpu.memory_space<vmem>>
        %get3A_492 = tpu.memref_squeeze %get3A_491 : memref<1x128x64xi32, #tpu.memory_space<vmem>> -> memref<128x64xi32, #tpu.memory_space<vmem>>
        %get3A_493 = arith.index_cast %scan3A_296 : i32 to index
        %get3A_494 = arith.constant 48 : index
        %get3A_495 = tpu.vector_load %get3A_492[%get3A_493, %get3A_494] {strides = array<i32>} : memref<128x64xi32, #tpu.memory_space<vmem>>, vector<1x16xi32>,
        %get3A_496 = vector.shape_cast %get3A_495 : vector<1x16xi32> to vector<16xi32>
        %shift_left3A_497 = arith.constant 16 : i32
        %shift_left3A_498 = vector.broadcast %shift_left3A_497 : i32 to vector<16xi32>
        %shift_left3A_499 = arith.shli %get3A_487, %shift_left3A_498 : vector<16xi32>
        %bitcast_convert_type3A_500 = tpu.bitcast %shift_left3A_499 : vector<16xi32> -> vector<16xf32>
        %and3A_501 = vector.broadcast %scan3A_71 : i32 to vector<16xi32>
        %and3A_502 = arith.andi %get3A_487, %and3A_501 : vector<16xi32>
        %bitcast_convert_type3A_503 = tpu.bitcast %and3A_502 : vector<16xi32> -> vector<16xf32>
        %shift_left3A_504 = arith.constant 16 : i32
        %shift_left3A_505 = vector.broadcast %shift_left3A_504 : i32 to vector<16xi32>
        %shift_left3A_506 = arith.shli %get3A_496, %shift_left3A_505 : vector<16xi32>
        %bitcast_convert_type3A_507 = tpu.bitcast %shift_left3A_506 : vector<16xi32> -> vector<16xf32>
        %and3A_508 = vector.broadcast %scan3A_71 : i32 to vector<16xi32>
        %and3A_509 = arith.andi %get3A_496, %and3A_508 : vector<16xi32>
        %bitcast_convert_type3A_510 = tpu.bitcast %and3A_509 : vector<16xi32> -> vector<16xf32>
        %add3A_511 = arith.addf %bitcast_convert_type3A_500, %bitcast_convert_type3A_507 : vector<16xf32>
        %max3A_512 = arith.constant 0.000000e+00 : f32
        %max3A_513 = vector.broadcast %max3A_512 : f32 to vector<16xf32>
        %max3A_514 = arith.maximumf %add3A_511, %max3A_513 : vector<16xf32>
        %add3A_515 = arith.constant 96 : i32
        %add3A_516 = arith.addi %mul3A_298, %add3A_515 : i32
        %swap3A_517 = arith.constant 2 : i32
        %swap3A_518 = arith.constant 0 : i32
        %swap3A_519 = tpu.memref_slice %arg10[%swap3A_517, %swap3A_518] : memref<3x16384xf32, #tpu.memory_space<vmem>> -> memref<1x16384xf32, #tpu.memory_space<vmem>>
        %swap3A_520 = tpu.memref_squeeze %swap3A_519 : memref<1x16384xf32, #tpu.memory_space<vmem>> -> memref<16384xf32, #tpu.memory_space<vmem>>
        %swap3A_521 = arith.index_cast %add3A_516 : i32 to index
        %swap3A_522 = tpu.vector_load %swap3A_520[%swap3A_521] {strides = array<i32>} : memref<16384xf32, #tpu.memory_space<vmem>>, vector<16xf32>,
        %swap3A_523 = vector.shape_cast %swap3A_522 : vector<16xf32> to vector<16xf32>
        %swap3A_524 = vector.shape_cast %max3A_514 : vector<16xf32> to vector<16xf32>
        tpu.vector_store %swap3A_520[%swap3A_521], %swap3A_524 {strides = array<i32>} : memref<16384xf32, #tpu.memory_space<vmem>>, vector<16xf32>,
        %add3A_525 = arith.addf %bitcast_convert_type3A_503, %bitcast_convert_type3A_510 : vector<16xf32>
        %max3A_526 = arith.constant 0.000000e+00 : f32
        %max3A_527 = vector.broadcast %max3A_526 : f32 to vector<16xf32>
        %max3A_528 = arith.maximumf %add3A_525, %max3A_527 : vector<16xf32>
        %add3A_529 = arith.constant 96 : i32
        %add3A_530 = arith.addi %mul3A_298, %add3A_529 : i32
        %add3A_531 = arith.constant 16 : i32
        %add3A_532 = arith.addi %add3A_530, %add3A_531 : i32
        %swap3A_533 = arith.constant 2 : i32
        %swap3A_534 = arith.constant 0 : i32
        %swap3A_535 = tpu.memref_slice %arg10[%swap3A_533, %swap3A_534] : memref<3x16384xf32, #tpu.memory_space<vmem>> -> memref<1x16384xf32, #tpu.memory_space<vmem>>
        %swap3A_536 = tpu.memref_squeeze %swap3A_535 : memref<1x16384xf32, #tpu.memory_space<vmem>> -> memref<16384xf32, #tpu.memory_space<vmem>>
        %swap3A_537 = arith.index_cast %add3A_532 : i32 to index
        %swap3A_538 = tpu.vector_load %swap3A_536[%swap3A_537] {strides = array<i32>} : memref<16384xf32, #tpu.memory_space<vmem>>, vector<16xf32>,
        %swap3A_539 = vector.shape_cast %swap3A_538 : vector<16xf32> to vector<16xf32>
        %swap3A_540 = vector.shape_cast %max3A_528 : vector<16xf32> to vector<16xf32>
        tpu.vector_store %swap3A_536[%swap3A_537], %swap3A_540 {strides = array<i32>} : memref<16384xf32, #tpu.memory_space<vmem>>, vector<16xf32>,
        %scan3A_541 = arith.constant 1 : i32
        %scan3A_542 = arith.addi %scan3A_296, %scan3A_541 : i32
        %mul3A_543 = arith.constant 128 : i32
        %mul3A_544 = arith.muli %scan3A_542, %mul3A_543 : i32
        %get3A_545 = arith.constant 2 : i32
        %get3A_546 = arith.constant 0 : i32
        %get3A_547 = arith.constant 0 : i32
        %get3A_548 = tpu.memref_slice %arg8[%get3A_545, %get3A_546, %get3A_547] : memref<3x128x64xi32, #tpu.memory_space<vmem>> -> memref<1x128x64xi32, #tpu.memory_space<vmem>>
        %get3A_549 = tpu.memref_squeeze %get3A_548 : memref<1x128x64xi32, #tpu.memory_space<vmem>> -> memref<128x64xi32, #tpu.memory_space<vmem>>
        %get3A_550 = arith.index_cast %scan3A_542 : i32 to index
        %get3A_551 = arith.constant 0 : index
        %get3A_552 = tpu.vector_load %get3A_549[%get3A_550, %get3A_551] {strides = array<i32>} : memref<128x64xi32, #tpu.memory_space<vmem>>, vector<1x16xi32>,
        %get3A_553 = vector.shape_cast %get3A_552 : vector<1x16xi32> to vector<16xi32>
        %get3A_554 = arith.constant 2 : i32
        %get3A_555 = arith.constant 0 : i32
        %get3A_556 = arith.constant 0 : i32
        %get3A_557 = tpu.memref_slice %arg9[%get3A_554, %get3A_555, %get3A_556] : memref<3x128x64xi32, #tpu.memory_space<vmem>> -> memref<1x128x64xi32, #tpu.memory_space<vmem>>
        %get3A_558 = tpu.memref_squeeze %get3A_557 : memref<1x128x64xi32, #tpu.memory_space<vmem>> -> memref<128x64xi32, #tpu.memory_space<vmem>>
        %get3A_559 = arith.index_cast %scan3A_542 : i32 to index
        %get3A_560 = arith.constant 0 : index
        %get3A_561 = tpu.vector_load %get3A_558[%get3A_559, %get3A_560] {strides = array<i32>} : memref<128x64xi32, #tpu.memory_space<vmem>>, vector<1x16xi32>,
        %get3A_562 = vector.shape_cast %get3A_561 : vector<1x16xi32> to vector<16xi32>
        %shift_left3A_563 = arith.constant 16 : i32
        %shift_left3A_564 = vector.broadcast %shift_left3A_563 : i32 to vector<16xi32>
        %shift_left3A_565 = arith.shli %get3A_553, %shift_left3A_564 : vector<16xi32>
        %bitcast_convert_type3A_566 = tpu.bitcast %shift_left3A_565 : vector<16xi32> -> vector<16xf32>
        %and3A_567 = vector.broadcast %scan3A_71 : i32 to vector<16xi32>
        %and3A_568 = arith.andi %get3A_553, %and3A_567 : vector<16xi32>
        %bitcast_convert_type3A_569 = tpu.bitcast %and3A_568 : vector<16xi32> -> vector<16xf32>
        %shift_left3A_570 = arith.constant 16 : i32
        %shift_left3A_571 = vector.broadcast %shift_left3A_570 : i32 to vector<16xi32>
        %shift_left3A_572 = arith.shli %get3A_562, %shift_left3A_571 : vector<16xi32>
        %bitcast_convert_type3A_573 = tpu.bitcast %shift_left3A_572 : vector<16xi32> -> vector<16xf32>
        %and3A_574 = vector.broadcast %scan3A_71 : i32 to vector<16xi32>
        %and3A_575 = arith.andi %get3A_562, %and3A_574 : vector<16xi32>
        %bitcast_convert_type3A_576 = tpu.bitcast %and3A_575 : vector<16xi32> -> vector<16xf32>
        %add3A_577 = arith.addf %bitcast_convert_type3A_566, %bitcast_convert_type3A_573 : vector<16xf32>
        %max3A_578 = arith.constant 0.000000e+00 : f32
        %max3A_579 = vector.broadcast %max3A_578 : f32 to vector<16xf32>
        %max3A_580 = arith.maximumf %add3A_577, %max3A_579 : vector<16xf32>
        %add3A_581 = arith.constant 0 : i32
        %add3A_582 = arith.addi %mul3A_544, %add3A_581 : i32
        %swap3A_583 = arith.constant 2 : i32
        %swap3A_584 = arith.constant 0 : i32
        %swap3A_585 = tpu.memref_slice %arg10[%swap3A_583, %swap3A_584] : memref<3x16384xf32, #tpu.memory_space<vmem>> -> memref<1x16384xf32, #tpu.memory_space<vmem>>
        %swap3A_586 = tpu.memref_squeeze %swap3A_585 : memref<1x16384xf32, #tpu.memory_space<vmem>> -> memref<16384xf32, #tpu.memory_space<vmem>>
        %swap3A_587 = arith.index_cast %add3A_582 : i32 to index
        %swap3A_588 = tpu.vector_load %swap3A_586[%swap3A_587] {strides = array<i32>} : memref<16384xf32, #tpu.memory_space<vmem>>, vector<16xf32>,
        %swap3A_589 = vector.shape_cast %swap3A_588 : vector<16xf32> to vector<16xf32>
        %swap3A_590 = vector.shape_cast %max3A_580 : vector<16xf32> to vector<16xf32>
        tpu.vector_store %swap3A_586[%swap3A_587], %swap3A_590 {strides = array<i32>} : memref<16384xf32, #tpu.memory_space<vmem>>, vector<16xf32>,
        %add3A_591 = arith.addf %bitcast_convert_type3A_569, %bitcast_convert_type3A_576 : vector<16xf32>
        %max3A_592 = arith.constant 0.000000e+00 : f32
        %max3A_593 = vector.broadcast %max3A_592 : f32 to vector<16xf32>
        %max3A_594 = arith.maximumf %add3A_591, %max3A_593 : vector<16xf32>
        %add3A_595 = arith.constant 0 : i32
        %add3A_596 = arith.addi %mul3A_544, %add3A_595 : i32
        %add3A_597 = arith.constant 16 : i32
        %add3A_598 = arith.addi %add3A_596, %add3A_597 : i32
        %swap3A_599 = arith.constant 2 : i32
        %swap3A_600 = arith.constant 0 : i32
        %swap3A_601 = tpu.memref_slice %arg10[%swap3A_599, %swap3A_600] : memref<3x16384xf32, #tpu.memory_space<vmem>> -> memref<1x16384xf32, #tpu.memory_space<vmem>>
        %swap3A_602 = tpu.memref_squeeze %swap3A_601 : memref<1x16384xf32, #tpu.memory_space<vmem>> -> memref<16384xf32, #tpu.memory_space<vmem>>
        %swap3A_603 = arith.index_cast %add3A_598 : i32 to index
        %swap3A_604 = tpu.vector_load %swap3A_602[%swap3A_603] {strides = array<i32>} : memref<16384xf32, #tpu.memory_space<vmem>>, vector<16xf32>,
        %swap3A_605 = vector.shape_cast %swap3A_604 : vector<16xf32> to vector<16xf32>
        %swap3A_606 = vector.shape_cast %max3A_594 : vector<16xf32> to vector<16xf32>
        tpu.vector_store %swap3A_602[%swap3A_603], %swap3A_606 {strides = array<i32>} : memref<16384xf32, #tpu.memory_space<vmem>>, vector<16xf32>,
        %get3A_607 = arith.constant 2 : i32
        %get3A_608 = arith.constant 0 : i32
        %get3A_609 = arith.constant 0 : i32
        %get3A_610 = tpu.memref_slice %arg8[%get3A_607, %get3A_608, %get3A_609] : memref<3x128x64xi32, #tpu.memory_space<vmem>> -> memref<1x128x64xi32, #tpu.memory_space<vmem>>
        %get3A_611 = tpu.memref_squeeze %get3A_610 : memref<1x128x64xi32, #tpu.memory_space<vmem>> -> memref<128x64xi32, #tpu.memory_space<vmem>>
        %get3A_612 = arith.index_cast %scan3A_542 : i32 to index
        %get3A_613 = arith.constant 16 : index
        %get3A_614 = tpu.vector_load %get3A_611[%get3A_612, %get3A_613] {strides = array<i32>} : memref<128x64xi32, #tpu.memory_space<vmem>>, vector<1x16xi32>,
        %get3A_615 = vector.shape_cast %get3A_614 : vector<1x16xi32> to vector<16xi32>
        %get3A_616 = arith.constant 2 : i32
        %get3A_617 = arith.constant 0 : i32
        %get3A_618 = arith.constant 0 : i32
        %get3A_619 = tpu.memref_slice %arg9[%get3A_616, %get3A_617, %get3A_618] : memref<3x128x64xi32, #tpu.memory_space<vmem>> -> memref<1x128x64xi32, #tpu.memory_space<vmem>>
        %get3A_620 = tpu.memref_squeeze %get3A_619 : memref<1x128x64xi32, #tpu.memory_space<vmem>> -> memref<128x64xi32, #tpu.memory_space<vmem>>
        %get3A_621 = arith.index_cast %scan3A_542 : i32 to index
        %get3A_622 = arith.constant 16 : index
        %get3A_623 = tpu.vector_load %get3A_620[%get3A_621, %get3A_622] {strides = array<i32>} : memref<128x64xi32, #tpu.memory_space<vmem>>, vector<1x16xi32>,
        %get3A_624 = vector.shape_cast %get3A_623 : vector<1x16xi32> to vector<16xi32>
        %shift_left3A_625 = arith.constant 16 : i32
        %shift_left3A_626 = vector.broadcast %shift_left3A_625 : i32 to vector<16xi32>
        %shift_left3A_627 = arith.shli %get3A_615, %shift_left3A_626 : vector<16xi32>
        %bitcast_convert_type3A_628 = tpu.bitcast %shift_left3A_627 : vector<16xi32> -> vector<16xf32>
        %and3A_629 = vector.broadcast %scan3A_71 : i32 to vector<16xi32>
        %and3A_630 = arith.andi %get3A_615, %and3A_629 : vector<16xi32>
        %bitcast_convert_type3A_631 = tpu.bitcast %and3A_630 : vector<16xi32> -> vector<16xf32>
        %shift_left3A_632 = arith.constant 16 : i32
        %shift_left3A_633 = vector.broadcast %shift_left3A_632 : i32 to vector<16xi32>
        %shift_left3A_634 = arith.shli %get3A_624, %shift_left3A_633 : vector<16xi32>
        %bitcast_convert_type3A_635 = tpu.bitcast %shift_left3A_634 : vector<16xi32> -> vector<16xf32>
        %and3A_636 = vector.broadcast %scan3A_71 : i32 to vector<16xi32>
        %and3A_637 = arith.andi %get3A_624, %and3A_636 : vector<16xi32>
        %bitcast_convert_type3A_638 = tpu.bitcast %and3A_637 : vector<16xi32> -> vector<16xf32>
        %add3A_639 = arith.addf %bitcast_convert_type3A_628, %bitcast_convert_type3A_635 : vector<16xf32>
        %max3A_640 = arith.constant 0.000000e+00 : f32
        %max3A_641 = vector.broadcast %max3A_640 : f32 to vector<16xf32>
        %max3A_642 = arith.maximumf %add3A_639, %max3A_641 : vector<16xf32>
        %add3A_643 = arith.constant 32 : i32
        %add3A_644 = arith.addi %mul3A_544, %add3A_643 : i32
        %swap3A_645 = arith.constant 2 : i32
        %swap3A_646 = arith.constant 0 : i32
        %swap3A_647 = tpu.memref_slice %arg10[%swap3A_645, %swap3A_646] : memref<3x16384xf32, #tpu.memory_space<vmem>> -> memref<1x16384xf32, #tpu.memory_space<vmem>>
        %swap3A_648 = tpu.memref_squeeze %swap3A_647 : memref<1x16384xf32, #tpu.memory_space<vmem>> -> memref<16384xf32, #tpu.memory_space<vmem>>
        %swap3A_649 = arith.index_cast %add3A_644 : i32 to index
        %swap3A_650 = tpu.vector_load %swap3A_648[%swap3A_649] {strides = array<i32>} : memref<16384xf32, #tpu.memory_space<vmem>>, vector<16xf32>,
        %swap3A_651 = vector.shape_cast %swap3A_650 : vector<16xf32> to vector<16xf32>
        %swap3A_652 = vector.shape_cast %max3A_642 : vector<16xf32> to vector<16xf32>
        tpu.vector_store %swap3A_648[%swap3A_649], %swap3A_652 {strides = array<i32>} : memref<16384xf32, #tpu.memory_space<vmem>>, vector<16xf32>,
        %add3A_653 = arith.addf %bitcast_convert_type3A_631, %bitcast_convert_type3A_638 : vector<16xf32>
        %max3A_654 = arith.constant 0.000000e+00 : f32
        %max3A_655 = vector.broadcast %max3A_654 : f32 to vector<16xf32>
        %max3A_656 = arith.maximumf %add3A_653, %max3A_655 : vector<16xf32>
        %add3A_657 = arith.constant 32 : i32
        %add3A_658 = arith.addi %mul3A_544, %add3A_657 : i32
        %add3A_659 = arith.constant 16 : i32
        %add3A_660 = arith.addi %add3A_658, %add3A_659 : i32
        %swap3A_661 = arith.constant 2 : i32
        %swap3A_662 = arith.constant 0 : i32
        %swap3A_663 = tpu.memref_slice %arg10[%swap3A_661, %swap3A_662] : memref<3x16384xf32, #tpu.memory_space<vmem>> -> memref<1x16384xf32, #tpu.memory_space<vmem>>
        %swap3A_664 = tpu.memref_squeeze %swap3A_663 : memref<1x16384xf32, #tpu.memory_space<vmem>> -> memref<16384xf32, #tpu.memory_space<vmem>>
        %swap3A_665 = arith.index_cast %add3A_660 : i32 to index
        %swap3A_666 = tpu.vector_load %swap3A_664[%swap3A_665] {strides = array<i32>} : memref<16384xf32, #tpu.memory_space<vmem>>, vector<16xf32>,
        %swap3A_667 = vector.shape_cast %swap3A_666 : vector<16xf32> to vector<16xf32>
        %swap3A_668 = vector.shape_cast %max3A_656 : vector<16xf32> to vector<16xf32>
        tpu.vector_store %swap3A_664[%swap3A_665], %swap3A_668 {strides = array<i32>} : memref<16384xf32, #tpu.memory_space<vmem>>, vector<16xf32>,
        %get3A_669 = arith.constant 2 : i32
        %get3A_670 = arith.constant 0 : i32
        %get3A_671 = arith.constant 0 : i32
        %get3A_672 = tpu.memref_slice %arg8[%get3A_669, %get3A_670, %get3A_671] : memref<3x128x64xi32, #tpu.memory_space<vmem>> -> memref<1x128x64xi32, #tpu.memory_space<vmem>>
        %get3A_673 = tpu.memref_squeeze %get3A_672 : memref<1x128x64xi32, #tpu.memory_space<vmem>> -> memref<128x64xi32, #tpu.memory_space<vmem>>
        %get3A_674 = arith.index_cast %scan3A_542 : i32 to index
        %get3A_675 = arith.constant 32 : index
        %get3A_676 = tpu.vector_load %get3A_673[%get3A_674, %get3A_675] {strides = array<i32>} : memref<128x64xi32, #tpu.memory_space<vmem>>, vector<1x16xi32>,
        %get3A_677 = vector.shape_cast %get3A_676 : vector<1x16xi32> to vector<16xi32>
        %get3A_678 = arith.constant 2 : i32
        %get3A_679 = arith.constant 0 : i32
        %get3A_680 = arith.constant 0 : i32
        %get3A_681 = tpu.memref_slice %arg9[%get3A_678, %get3A_679, %get3A_680] : memref<3x128x64xi32, #tpu.memory_space<vmem>> -> memref<1x128x64xi32, #tpu.memory_space<vmem>>
        %get3A_682 = tpu.memref_squeeze %get3A_681 : memref<1x128x64xi32, #tpu.memory_space<vmem>> -> memref<128x64xi32, #tpu.memory_space<vmem>>
        %get3A_683 = arith.index_cast %scan3A_542 : i32 to index
        %get3A_684 = arith.constant 32 : index
        %get3A_685 = tpu.vector_load %get3A_682[%get3A_683, %get3A_684] {strides = array<i32>} : memref<128x64xi32, #tpu.memory_space<vmem>>, vector<1x16xi32>,
        %get3A_686 = vector.shape_cast %get3A_685 : vector<1x16xi32> to vector<16xi32>
        %shift_left3A_687 = arith.constant 16 : i32
        %shift_left3A_688 = vector.broadcast %shift_left3A_687 : i32 to vector<16xi32>
        %shift_left3A_689 = arith.shli %get3A_677, %shift_left3A_688 : vector<16xi32>
        %bitcast_convert_type3A_690 = tpu.bitcast %shift_left3A_689 : vector<16xi32> -> vector<16xf32>
        %and3A_691 = vector.broadcast %scan3A_71 : i32 to vector<16xi32>
        %and3A_692 = arith.andi %get3A_677, %and3A_691 : vector<16xi32>
        %bitcast_convert_type3A_693 = tpu.bitcast %and3A_692 : vector<16xi32> -> vector<16xf32>
        %shift_left3A_694 = arith.constant 16 : i32
        %shift_left3A_695 = vector.broadcast %shift_left3A_694 : i32 to vector<16xi32>
        %shift_left3A_696 = arith.shli %get3A_686, %shift_left3A_695 : vector<16xi32>
        %bitcast_convert_type3A_697 = tpu.bitcast %shift_left3A_696 : vector<16xi32> -> vector<16xf32>
        %and3A_698 = vector.broadcast %scan3A_71 : i32 to vector<16xi32>
        %and3A_699 = arith.andi %get3A_686, %and3A_698 : vector<16xi32>
        %bitcast_convert_type3A_700 = tpu.bitcast %and3A_699 : vector<16xi32> -> vector<16xf32>
        %add3A_701 = arith.addf %bitcast_convert_type3A_690, %bitcast_convert_type3A_697 : vector<16xf32>
        %max3A_702 = arith.constant 0.000000e+00 : f32
        %max3A_703 = vector.broadcast %max3A_702 : f32 to vector<16xf32>
        %max3A_704 = arith.maximumf %add3A_701, %max3A_703 : vector<16xf32>
        %add3A_705 = arith.constant 64 : i32
        %add3A_706 = arith.addi %mul3A_544, %add3A_705 : i32
        %swap3A_707 = arith.constant 2 : i32
        %swap3A_708 = arith.constant 0 : i32
        %swap3A_709 = tpu.memref_slice %arg10[%swap3A_707, %swap3A_708] : memref<3x16384xf32, #tpu.memory_space<vmem>> -> memref<1x16384xf32, #tpu.memory_space<vmem>>
        %swap3A_710 = tpu.memref_squeeze %swap3A_709 : memref<1x16384xf32, #tpu.memory_space<vmem>> -> memref<16384xf32, #tpu.memory_space<vmem>>
        %swap3A_711 = arith.index_cast %add3A_706 : i32 to index
        %swap3A_712 = tpu.vector_load %swap3A_710[%swap3A_711] {strides = array<i32>} : memref<16384xf32, #tpu.memory_space<vmem>>, vector<16xf32>,
        %swap3A_713 = vector.shape_cast %swap3A_712 : vector<16xf32> to vector<16xf32>
        %swap3A_714 = vector.shape_cast %max3A_704 : vector<16xf32> to vector<16xf32>
        tpu.vector_store %swap3A_710[%swap3A_711], %swap3A_714 {strides = array<i32>} : memref<16384xf32, #tpu.memory_space<vmem>>, vector<16xf32>,
        %add3A_715 = arith.addf %bitcast_convert_type3A_693, %bitcast_convert_type3A_700 : vector<16xf32>
        %max3A_716 = arith.constant 0.000000e+00 : f32
        %max3A_717 = vector.broadcast %max3A_716 : f32 to vector<16xf32>
        %max3A_718 = arith.maximumf %add3A_715, %max3A_717 : vector<16xf32>
        %add3A_719 = arith.constant 64 : i32
        %add3A_720 = arith.addi %mul3A_544, %add3A_719 : i32
        %add3A_721 = arith.constant 16 : i32
        %add3A_722 = arith.addi %add3A_720, %add3A_721 : i32
        %swap3A_723 = arith.constant 2 : i32
        %swap3A_724 = arith.constant 0 : i32
        %swap3A_725 = tpu.memref_slice %arg10[%swap3A_723, %swap3A_724] : memref<3x16384xf32, #tpu.memory_space<vmem>> -> memref<1x16384xf32, #tpu.memory_space<vmem>>
        %swap3A_726 = tpu.memref_squeeze %swap3A_725 : memref<1x16384xf32, #tpu.memory_space<vmem>> -> memref<16384xf32, #tpu.memory_space<vmem>>
        %swap3A_727 = arith.index_cast %add3A_722 : i32 to index
        %swap3A_728 = tpu.vector_load %swap3A_726[%swap3A_727] {strides = array<i32>} : memref<16384xf32, #tpu.memory_space<vmem>>, vector<16xf32>,
        %swap3A_729 = vector.shape_cast %swap3A_728 : vector<16xf32> to vector<16xf32>
        %swap3A_730 = vector.shape_cast %max3A_718 : vector<16xf32> to vector<16xf32>
        tpu.vector_store %swap3A_726[%swap3A_727], %swap3A_730 {strides = array<i32>} : memref<16384xf32, #tpu.memory_space<vmem>>, vector<16xf32>,
        %get3A_731 = arith.constant 2 : i32
        %get3A_732 = arith.constant 0 : i32
        %get3A_733 = arith.constant 0 : i32
        %get3A_734 = tpu.memref_slice %arg8[%get3A_731, %get3A_732, %get3A_733] : memref<3x128x64xi32, #tpu.memory_space<vmem>> -> memref<1x128x64xi32, #tpu.memory_space<vmem>>
        %get3A_735 = tpu.memref_squeeze %get3A_734 : memref<1x128x64xi32, #tpu.memory_space<vmem>> -> memref<128x64xi32, #tpu.memory_space<vmem>>
        %get3A_736 = arith.index_cast %scan3A_542 : i32 to index
        %get3A_737 = arith.constant 48 : index
        %get3A_738 = tpu.vector_load %get3A_735[%get3A_736, %get3A_737] {strides = array<i32>} : memref<128x64xi32, #tpu.memory_space<vmem>>, vector<1x16xi32>,
        %get3A_739 = vector.shape_cast %get3A_738 : vector<1x16xi32> to vector<16xi32>
        %get3A_740 = arith.constant 2 : i32
        %get3A_741 = arith.constant 0 : i32
        %get3A_742 = arith.constant 0 : i32
        %get3A_743 = tpu.memref_slice %arg9[%get3A_740, %get3A_741, %get3A_742] : memref<3x128x64xi32, #tpu.memory_space<vmem>> -> memref<1x128x64xi32, #tpu.memory_space<vmem>>
        %get3A_744 = tpu.memref_squeeze %get3A_743 : memref<1x128x64xi32, #tpu.memory_space<vmem>> -> memref<128x64xi32, #tpu.memory_space<vmem>>
        %get3A_745 = arith.index_cast %scan3A_542 : i32 to index
        %get3A_746 = arith.constant 48 : index
        %get3A_747 = tpu.vector_load %get3A_744[%get3A_745, %get3A_746] {strides = array<i32>} : memref<128x64xi32, #tpu.memory_space<vmem>>, vector<1x16xi32>,
        %get3A_748 = vector.shape_cast %get3A_747 : vector<1x16xi32> to vector<16xi32>
        %shift_left3A_749 = arith.constant 16 : i32
        %shift_left3A_750 = vector.broadcast %shift_left3A_749 : i32 to vector<16xi32>
        %shift_left3A_751 = arith.shli %get3A_739, %shift_left3A_750 : vector<16xi32>
        %bitcast_convert_type3A_752 = tpu.bitcast %shift_left3A_751 : vector<16xi32> -> vector<16xf32>
        %and3A_753 = vector.broadcast %scan3A_71 : i32 to vector<16xi32>
        %and3A_754 = arith.andi %get3A_739, %and3A_753 : vector<16xi32>
        %bitcast_convert_type3A_755 = tpu.bitcast %and3A_754 : vector<16xi32> -> vector<16xf32>
        %shift_left3A_756 = arith.constant 16 : i32
        %shift_left3A_757 = vector.broadcast %shift_left3A_756 : i32 to vector<16xi32>
        %shift_left3A_758 = arith.shli %get3A_748, %shift_left3A_757 : vector<16xi32>
        %bitcast_convert_type3A_759 = tpu.bitcast %shift_left3A_758 : vector<16xi32> -> vector<16xf32>
        %and3A_760 = vector.broadcast %scan3A_71 : i32 to vector<16xi32>
        %and3A_761 = arith.andi %get3A_748, %and3A_760 : vector<16xi32>
        %bitcast_convert_type3A_762 = tpu.bitcast %and3A_761 : vector<16xi32> -> vector<16xf32>
        %add3A_763 = arith.addf %bitcast_convert_type3A_752, %bitcast_convert_type3A_759 : vector<16xf32>
        %max3A_764 = arith.constant 0.000000e+00 : f32
        %max3A_765 = vector.broadcast %max3A_764 : f32 to vector<16xf32>
        %max3A_766 = arith.maximumf %add3A_763, %max3A_765 : vector<16xf32>
        %add3A_767 = arith.constant 96 : i32
        %add3A_768 = arith.addi %mul3A_544, %add3A_767 : i32
        %swap3A_769 = arith.constant 2 : i32
        %swap3A_770 = arith.constant 0 : i32
        %swap3A_771 = tpu.memref_slice %arg10[%swap3A_769, %swap3A_770] : memref<3x16384xf32, #tpu.memory_space<vmem>> -> memref<1x16384xf32, #tpu.memory_space<vmem>>
        %swap3A_772 = tpu.memref_squeeze %swap3A_771 : memref<1x16384xf32, #tpu.memory_space<vmem>> -> memref<16384xf32, #tpu.memory_space<vmem>>
        %swap3A_773 = arith.index_cast %add3A_768 : i32 to index
        %swap3A_774 = tpu.vector_load %swap3A_772[%swap3A_773] {strides = array<i32>} : memref<16384xf32, #tpu.memory_space<vmem>>, vector<16xf32>,
        %swap3A_775 = vector.shape_cast %swap3A_774 : vector<16xf32> to vector<16xf32>
        %swap3A_776 = vector.shape_cast %max3A_766 : vector<16xf32> to vector<16xf32>
        tpu.vector_store %swap3A_772[%swap3A_773], %swap3A_776 {strides = array<i32>} : memref<16384xf32, #tpu.memory_space<vmem>>, vector<16xf32>,
        %add3A_777 = arith.addf %bitcast_convert_type3A_755, %bitcast_convert_type3A_762 : vector<16xf32>
        %max3A_778 = arith.constant 0.000000e+00 : f32
        %max3A_779 = vector.broadcast %max3A_778 : f32 to vector<16xf32>
        %max3A_780 = arith.maximumf %add3A_777, %max3A_779 : vector<16xf32>
        %add3A_781 = arith.constant 96 : i32
        %add3A_782 = arith.addi %mul3A_544, %add3A_781 : i32
        %add3A_783 = arith.constant 16 : i32
        %add3A_784 = arith.addi %add3A_782, %add3A_783 : i32
        %swap3A_785 = arith.constant 2 : i32
        %swap3A_786 = arith.constant 0 : i32
        %swap3A_787 = tpu.memref_slice %arg10[%swap3A_785, %swap3A_786] : memref<3x16384xf32, #tpu.memory_space<vmem>> -> memref<1x16384xf32, #tpu.memory_space<vmem>>
        %swap3A_788 = tpu.memref_squeeze %swap3A_787 : memref<1x16384xf32, #tpu.memory_space<vmem>> -> memref<16384xf32, #tpu.memory_space<vmem>>
        %swap3A_789 = arith.index_cast %add3A_784 : i32 to index
        %swap3A_790 = tpu.vector_load %swap3A_788[%swap3A_789] {strides = array<i32>} : memref<16384xf32, #tpu.memory_space<vmem>>, vector<16xf32>,
        %swap3A_791 = vector.shape_cast %swap3A_790 : vector<16xf32> to vector<16xf32>
        %swap3A_792 = vector.shape_cast %max3A_780 : vector<16xf32> to vector<16xf32>
        tpu.vector_store %swap3A_788[%swap3A_789], %swap3A_792 {strides = array<i32>} : memref<16384xf32, #tpu.memory_space<vmem>>, vector<16xf32>,
      }
      %scan3A_281 = arith.constant 128 : i32
      %mul3A_282 = arith.constant 128 : i32
      %mul3A_283 = arith.muli %add3A_243, %mul3A_282 : i32
      %add3A_284 = arith.addi %mul3A_2, %mul3A_283 : i32
      %mul3A_285 = arith.constant 128 : i32
      %mul3A_286 = arith.muli %add3A_284, %mul3A_285 : i32
      %dma_start3A_287 = arith.constant 2 : i32
      %dma_start3A_288 = arith.constant 0 : i32
      %dma_start3A_289 = tpu.memref_slice %arg10[%dma_start3A_287, %dma_start3A_288] : memref<3x16384xf32, #tpu.memory_space<vmem>> -> memref<1x16384xf32, #tpu.memory_space<vmem>>
      %dma_start3A_290 = tpu.memref_squeeze %dma_start3A_289 : memref<1x16384xf32, #tpu.memory_space<vmem>> -> memref<16384xf32, #tpu.memory_space<vmem>>
      %dma_start3A_291 = tpu.memref_slice %arg5[%mul3A_286] : memref<40960000xf32, #tpu.memory_space<hbm>> -> memref<16384xf32, #tpu.memory_space<hbm>>
      %dma_start3A_292 = tpu.memref_slice %arg5[%mul3A_286] : memref<40960000xf32, #tpu.memory_space<hbm>> -> memref<16384xf32, #tpu.memory_space<hbm>>
      %dma_start3A_293 = arith.constant 0 : i32
      %dma_start3A_294 = tpu.memref_slice %arg10[%dma_start3A_287, %dma_start3A_293] : memref<3x16384xf32, #tpu.memory_space<vmem>> -> memref<1x16384xf32, #tpu.memory_space<vmem>>
      %dma_start3A_295 = tpu.memref_squeeze %dma_start3A_294 : memref<1x16384xf32, #tpu.memory_space<vmem>> -> memref<16384xf32, #tpu.memory_space<vmem>>
      tpu.enqueue_dma source(%dma_start3A_295 : memref<16384xf32, #tpu.memory_space<vmem>>) target(%dma_start3A_292 : memref<16384xf32, #tpu.memory_space<hbm>>) target_semaphore(%arg22 : memref<!tpu.dma_semaphore, #tpu.memory_space<semaphore_mem>>)
    }
    %scan3A_76 = arith.constant 26 : i32
    %dma_wait3A_77 = arith.constant 0 : i32
    %dma_wait3A_78 = tpu.memref_slice %arg6[%dma_wait3A_77] : memref<10000xi32, #tpu.memory_space<vmem>> -> memref<16xi32, #tpu.memory_space<vmem>>
    %dma_wait3A_79 = arith.constant 0 : i32
    %dma_wait3A_80 = arith.constant 0 : i32
    %dma_wait3A_81 = tpu.memref_slice %arg2[%dma_wait3A_79, %dma_wait3A_80] : memref<10000x64xi32, #tpu.memory_space<hbm>> -> memref<10000x64xi32, #tpu.memory_space<hbm>>
    tpu.wait_indirect_dma semaphore(%arg24 : memref<!tpu.dma_semaphore, #tpu.memory_space<semaphore_mem>>) src(%dma_wait3A_81 : memref<10000x64xi32, #tpu.memory_space<hbm>>) dst(%arg11 : memref<16x64xi32, #tpu.memory_space<vmem>>)
    %dma_wait3A_82 = arith.constant 0 : i32
    %dma_wait3A_83 = tpu.memref_slice %arg7[%dma_wait3A_82] : memref<10000xi32, #tpu.memory_space<vmem>> -> memref<16xi32, #tpu.memory_space<vmem>>
    %dma_wait3A_84 = arith.constant 0 : i32
    %dma_wait3A_85 = arith.constant 0 : i32
    %dma_wait3A_86 = tpu.memref_slice %arg3[%dma_wait3A_84, %dma_wait3A_85] : memref<10000x64xi32, #tpu.memory_space<hbm>> -> memref<10000x64xi32, #tpu.memory_space<hbm>>
    tpu.wait_indirect_dma semaphore(%arg25 : memref<!tpu.dma_semaphore, #tpu.memory_space<semaphore_mem>>) src(%dma_wait3A_86 : memref<10000x64xi32, #tpu.memory_space<hbm>>) dst(%arg12 : memref<16x64xi32, #tpu.memory_space<vmem>>)
    %scan3A_87 = arith.constant 0 : i32
    %scan3A_88 = arith.constant -65536 : i32
    %scan3A_89 = arith.constant 0 : i32
    %scan3A_90 = arith.constant 16 : i32
    %scan3A_91 = arith.addi %scan3A_89, %scan3A_90 : i32
    %scan3A_92 = arith.constant 1 : i32
    scf.for %scan3A_131 = %scan3A_89 to %scan3A_91 step %scan3A_92  : i32 {
      %mul3A_132 = arith.constant 128 : i32
      %mul3A_133 = arith.muli %scan3A_131, %mul3A_132 : i32
      %get3A = arith.index_cast %scan3A_131 : i32 to index
      %get3A_134 = arith.constant 0 : index
      %get3A_135 = tpu.vector_load %arg11[%get3A, %get3A_134] {strides = array<i32>} : memref<16x64xi32, #tpu.memory_space<vmem>>, vector<1x16xi32>,
      %get3A_136 = vector.shape_cast %get3A_135 : vector<1x16xi32> to vector<16xi32>
      %get3A_137 = arith.index_cast %scan3A_131 : i32 to index
      %get3A_138 = arith.constant 0 : index
      %get3A_139 = tpu.vector_load %arg12[%get3A_137, %get3A_138] {strides = array<i32>} : memref<16x64xi32, #tpu.memory_space<vmem>>, vector<1x16xi32>,
      %get3A_140 = vector.shape_cast %get3A_139 : vector<1x16xi32> to vector<16xi32>
      %shift_left3A = arith.constant 16 : i32
      %shift_left3A_141 = vector.broadcast %shift_left3A : i32 to vector<16xi32>
      %shift_left3A_142 = arith.shli %get3A_136, %shift_left3A_141 : vector<16xi32>
      %bitcast_convert_type3A = tpu.bitcast %shift_left3A_142 : vector<16xi32> -> vector<16xf32>
      %and3A = vector.broadcast %scan3A_88 : i32 to vector<16xi32>
      %and3A_143 = arith.andi %get3A_136, %and3A : vector<16xi32>
      %bitcast_convert_type3A_144 = tpu.bitcast %and3A_143 : vector<16xi32> -> vector<16xf32>
      %shift_left3A_145 = arith.constant 16 : i32
      %shift_left3A_146 = vector.broadcast %shift_left3A_145 : i32 to vector<16xi32>
      %shift_left3A_147 = arith.shli %get3A_140, %shift_left3A_146 : vector<16xi32>
      %bitcast_convert_type3A_148 = tpu.bitcast %shift_left3A_147 : vector<16xi32> -> vector<16xf32>
      %and3A_149 = vector.broadcast %scan3A_88 : i32 to vector<16xi32>
      %and3A_150 = arith.andi %get3A_140, %and3A_149 : vector<16xi32>
      %bitcast_convert_type3A_151 = tpu.bitcast %and3A_150 : vector<16xi32> -> vector<16xf32>
      %add3A_152 = arith.addf %bitcast_convert_type3A, %bitcast_convert_type3A_148 : vector<16xf32>
      %max3A = arith.constant 0.000000e+00 : f32
      %max3A_153 = vector.broadcast %max3A : f32 to vector<16xf32>
      %max3A_154 = arith.maximumf %add3A_152, %max3A_153 : vector<16xf32>
      %add3A_155 = arith.constant 0 : i32
      %add3A_156 = arith.addi %mul3A_133, %add3A_155 : i32
      %swap3A = arith.index_cast %add3A_156 : i32 to index
      %swap3A_157 = tpu.vector_load %arg13[%swap3A] {strides = array<i32>} : memref<2048xf32, #tpu.memory_space<vmem>>, vector<16xf32>,
      %swap3A_158 = vector.shape_cast %swap3A_157 : vector<16xf32> to vector<16xf32>
      %swap3A_159 = vector.shape_cast %max3A_154 : vector<16xf32> to vector<16xf32>
      tpu.vector_store %arg13[%swap3A], %swap3A_159 {strides = array<i32>} : memref<2048xf32, #tpu.memory_space<vmem>>, vector<16xf32>,
      %add3A_160 = arith.addf %bitcast_convert_type3A_144, %bitcast_convert_type3A_151 : vector<16xf32>
      %max3A_161 = arith.constant 0.000000e+00 : f32
      %max3A_162 = vector.broadcast %max3A_161 : f32 to vector<16xf32>
      %max3A_163 = arith.maximumf %add3A_160, %max3A_162 : vector<16xf32>
      %add3A_164 = arith.constant 0 : i32
      %add3A_165 = arith.addi %mul3A_133, %add3A_164 : i32
      %add3A_166 = arith.constant 16 : i32
      %add3A_167 = arith.addi %add3A_165, %add3A_166 : i32
      %swap3A_168 = arith.index_cast %add3A_167 : i32 to index
      %swap3A_169 = tpu.vector_load %arg13[%swap3A_168] {strides = array<i32>} : memref<2048xf32, #tpu.memory_space<vmem>>, vector<16xf32>,
      %swap3A_170 = vector.shape_cast %swap3A_169 : vector<16xf32> to vector<16xf32>
      %swap3A_171 = vector.shape_cast %max3A_163 : vector<16xf32> to vector<16xf32>
      tpu.vector_store %arg13[%swap3A_168], %swap3A_171 {strides = array<i32>} : memref<2048xf32, #tpu.memory_space<vmem>>, vector<16xf32>,
      %get3A_172 = arith.index_cast %scan3A_131 : i32 to index
      %get3A_173 = arith.constant 16 : index
      %get3A_174 = tpu.vector_load %arg11[%get3A_172, %get3A_173] {strides = array<i32>} : memref<16x64xi32, #tpu.memory_space<vmem>>, vector<1x16xi32>,
      %get3A_175 = vector.shape_cast %get3A_174 : vector<1x16xi32> to vector<16xi32>
      %get3A_176 = arith.index_cast %scan3A_131 : i32 to index
      %get3A_177 = arith.constant 16 : index
      %get3A_178 = tpu.vector_load %arg12[%get3A_176, %get3A_177] {strides = array<i32>} : memref<16x64xi32, #tpu.memory_space<vmem>>, vector<1x16xi32>,
      %get3A_179 = vector.shape_cast %get3A_178 : vector<1x16xi32> to vector<16xi32>
      %shift_left3A_180 = arith.constant 16 : i32
      %shift_left3A_181 = vector.broadcast %shift_left3A_180 : i32 to vector<16xi32>
      %shift_left3A_182 = arith.shli %get3A_175, %shift_left3A_181 : vector<16xi32>
      %bitcast_convert_type3A_183 = tpu.bitcast %shift_left3A_182 : vector<16xi32> -> vector<16xf32>
      %and3A_184 = vector.broadcast %scan3A_88 : i32 to vector<16xi32>
      %and3A_185 = arith.andi %get3A_175, %and3A_184 : vector<16xi32>
      %bitcast_convert_type3A_186 = tpu.bitcast %and3A_185 : vector<16xi32> -> vector<16xf32>
      %shift_left3A_187 = arith.constant 16 : i32
      %shift_left3A_188 = vector.broadcast %shift_left3A_187 : i32 to vector<16xi32>
      %shift_left3A_189 = arith.shli %get3A_179, %shift_left3A_188 : vector<16xi32>
      %bitcast_convert_type3A_190 = tpu.bitcast %shift_left3A_189 : vector<16xi32> -> vector<16xf32>
      %and3A_191 = vector.broadcast %scan3A_88 : i32 to vector<16xi32>
      %and3A_192 = arith.andi %get3A_179, %and3A_191 : vector<16xi32>
      %bitcast_convert_type3A_193 = tpu.bitcast %and3A_192 : vector<16xi32> -> vector<16xf32>
      %add3A_194 = arith.addf %bitcast_convert_type3A_183, %bitcast_convert_type3A_190 : vector<16xf32>
      %max3A_195 = arith.constant 0.000000e+00 : f32
      %max3A_196 = vector.broadcast %max3A_195 : f32 to vector<16xf32>
      %max3A_197 = arith.maximumf %add3A_194, %max3A_196 : vector<16xf32>
      %add3A_198 = arith.constant 32 : i32
      %add3A_199 = arith.addi %mul3A_133, %add3A_198 : i32
      %swap3A_200 = arith.index_cast %add3A_199 : i32 to index
      %swap3A_201 = tpu.vector_load %arg13[%swap3A_200] {strides = array<i32>} : memref<2048xf32, #tpu.memory_space<vmem>>, vector<16xf32>,
      %swap3A_202 = vector.shape_cast %swap3A_201 : vector<16xf32> to vector<16xf32>
      %swap3A_203 = vector.shape_cast %max3A_197 : vector<16xf32> to vector<16xf32>
      tpu.vector_store %arg13[%swap3A_200], %swap3A_203 {strides = array<i32>} : memref<2048xf32, #tpu.memory_space<vmem>>, vector<16xf32>,
      %add3A_204 = arith.addf %bitcast_convert_type3A_186, %bitcast_convert_type3A_193 : vector<16xf32>
      %max3A_205 = arith.constant 0.000000e+00 : f32
      %max3A_206 = vector.broadcast %max3A_205 : f32 to vector<16xf32>
      %max3A_207 = arith.maximumf %add3A_204, %max3A_206 : vector<16xf32>
      %add3A_208 = arith.constant 32 : i32
      %add3A_209 = arith.addi %mul3A_133, %add3A_208 : i32
      %add3A_210 = arith.constant 16 : i32
      %add3A_211 = arith.addi %add3A_209, %add3A_210 : i32
      %swap3A_212 = arith.index_cast %add3A_211 : i32 to index
      %swap3A_213 = tpu.vector_load %arg13[%swap3A_212] {strides = array<i32>} : memref<2048xf32, #tpu.memory_space<vmem>>, vector<16xf32>,
      %swap3A_214 = vector.shape_cast %swap3A_213 : vector<16xf32> to vector<16xf32>
      %swap3A_215 = vector.shape_cast %max3A_207 : vector<16xf32> to vector<16xf32>
      tpu.vector_store %arg13[%swap3A_212], %swap3A_215 {strides = array<i32>} : memref<2048xf32, #tpu.memory_space<vmem>>, vector<16xf32>,
      %get3A_216 = arith.index_cast %scan3A_131 : i32 to index
      %get3A_217 = arith.constant 32 : index
      %get3A_218 = tpu.vector_load %arg11[%get3A_216, %get3A_217] {strides = array<i32>} : memref<16x64xi32, #tpu.memory_space<vmem>>, vector<1x16xi32>,
      %get3A_219 = vector.shape_cast %get3A_218 : vector<1x16xi32> to vector<16xi32>
      %get3A_220 = arith.index_cast %scan3A_131 : i32 to index
      %get3A_221 = arith.constant 32 : index
      %get3A_222 = tpu.vector_load %arg12[%get3A_220, %get3A_221] {strides = array<i32>} : memref<16x64xi32, #tpu.memory_space<vmem>>, vector<1x16xi32>,
      %get3A_223 = vector.shape_cast %get3A_222 : vector<1x16xi32> to vector<16xi32>
      %shift_left3A_224 = arith.constant 16 : i32
      %shift_left3A_225 = vector.broadcast %shift_left3A_224 : i32 to vector<16xi32>
      %shift_left3A_226 = arith.shli %get3A_219, %shift_left3A_225 : vector<16xi32>
      %bitcast_convert_type3A_227 = tpu.bitcast %shift_left3A_226 : vector<16xi32> -> vector<16xf32>
      %and3A_228 = vector.broadcast %scan3A_88 : i32 to vector<16xi32>
      %and3A_229 = arith.andi %get3A_219, %and3A_228 : vector<16xi32>
      %bitcast_convert_type3A_230 = tpu.bitcast %and3A_229 : vector<16xi32> -> vector<16xf32>
      %shift_left3A_231 = arith.constant 16 : i32
      %shift_left3A_232 = vector.broadcast %shift_left3A_231 : i32 to vector<16xi32>
      %shift_left3A_233 = arith.shli %get3A_223, %shift_left3A_232 : vector<16xi32>
      %bitcast_convert_type3A_234 = tpu.bitcast %shift_left3A_233 : vector<16xi32> -> vector<16xf32>
      %and3A_235 = vector.broadcast %scan3A_88 : i32 to vector<16xi32>
      %and3A_236 = arith.andi %get3A_223, %and3A_235 : vector<16xi32>
      %bitcast_convert_type3A_237 = tpu.bitcast %and3A_236 : vector<16xi32> -> vector<16xf32>
      %add3A_238 = arith.addf %bitcast_convert_type3A_227, %bitcast_convert_type3A_234 : vector<16xf32>
      %max3A_239 = arith.constant 0.000000e+00 : f32
      %max3A_240 = vector.broadcast %max3A_239 : f32 to vector<16xf32>
      %max3A_241 = arith.maximumf %add3A_238, %max3A_240 : vector<16xf32>
      %add3A_242 = arith.constant 64 : i32
      %add3A_243 = arith.addi %mul3A_133, %add3A_242 : i32
      %swap3A_244 = arith.index_cast %add3A_243 : i32 to index
      %swap3A_245 = tpu.vector_load %arg13[%swap3A_244] {strides = array<i32>} : memref<2048xf32, #tpu.memory_space<vmem>>, vector<16xf32>,
      %swap3A_246 = vector.shape_cast %swap3A_245 : vector<16xf32> to vector<16xf32>
      %swap3A_247 = vector.shape_cast %max3A_241 : vector<16xf32> to vector<16xf32>
      tpu.vector_store %arg13[%swap3A_244], %swap3A_247 {strides = array<i32>} : memref<2048xf32, #tpu.memory_space<vmem>>, vector<16xf32>,
      %add3A_248 = arith.addf %bitcast_convert_type3A_230, %bitcast_convert_type3A_237 : vector<16xf32>
      %max3A_249 = arith.constant 0.000000e+00 : f32
      %max3A_250 = vector.broadcast %max3A_249 : f32 to vector<16xf32>
      %max3A_251 = arith.maximumf %add3A_248, %max3A_250 : vector<16xf32>
      %add3A_252 = arith.constant 64 : i32
      %add3A_253 = arith.addi %mul3A_133, %add3A_252 : i32
      %add3A_254 = arith.constant 16 : i32
      %add3A_255 = arith.addi %add3A_253, %add3A_254 : i32
      %swap3A_256 = arith.index_cast %add3A_255 : i32 to index
      %swap3A_257 = tpu.vector_load %arg13[%swap3A_256] {strides = array<i32>} : memref<2048xf32, #tpu.memory_space<vmem>>, vector<16xf32>,
      %swap3A_258 = vector.shape_cast %swap3A_257 : vector<16xf32> to vector<16xf32>
      %swap3A_259 = vector.shape_cast %max3A_251 : vector<16xf32> to vector<16xf32>
      tpu.vector_store %arg13[%swap3A_256], %swap3A_259 {strides = array<i32>} : memref<2048xf32, #tpu.memory_space<vmem>>, vector<16xf32>,
      %get3A_260 = arith.index_cast %scan3A_131 : i32 to index
      %get3A_261 = arith.constant 48 : index
      %get3A_262 = tpu.vector_load %arg11[%get3A_260, %get3A_261] {strides = array<i32>} : memref<16x64xi32, #tpu.memory_space<vmem>>, vector<1x16xi32>,
      %get3A_263 = vector.shape_cast %get3A_262 : vector<1x16xi32> to vector<16xi32>
      %get3A_264 = arith.index_cast %scan3A_131 : i32 to index
      %get3A_265 = arith.constant 48 : index
      %get3A_266 = tpu.vector_load %arg12[%get3A_264, %get3A_265] {strides = array<i32>} : memref<16x64xi32, #tpu.memory_space<vmem>>, vector<1x16xi32>,
      %get3A_267 = vector.shape_cast %get3A_266 : vector<1x16xi32> to vector<16xi32>
      %shift_left3A_268 = arith.constant 16 : i32
      %shift_left3A_269 = vector.broadcast %shift_left3A_268 : i32 to vector<16xi32>
      %shift_left3A_270 = arith.shli %get3A_263, %shift_left3A_269 : vector<16xi32>
      %bitcast_convert_type3A_271 = tpu.bitcast %shift_left3A_270 : vector<16xi32> -> vector<16xf32>
      %and3A_272 = vector.broadcast %scan3A_88 : i32 to vector<16xi32>
      %and3A_273 = arith.andi %get3A_263, %and3A_272 : vector<16xi32>
      %bitcast_convert_type3A_274 = tpu.bitcast %and3A_273 : vector<16xi32> -> vector<16xf32>
      %shift_left3A_275 = arith.constant 16 : i32
      %shift_left3A_276 = vector.broadcast %shift_left3A_275 : i32 to vector<16xi32>
      %shift_left3A_277 = arith.shli %get3A_267, %shift_left3A_276 : vector<16xi32>
      %bitcast_convert_type3A_278 = tpu.bitcast %shift_left3A_277 : vector<16xi32> -> vector<16xf32>
      %and3A_279 = vector.broadcast %scan3A_88 : i32 to vector<16xi32>
      %and3A_280 = arith.andi %get3A_267, %and3A_279 : vector<16xi32>
      %bitcast_convert_type3A_281 = tpu.bitcast %and3A_280 : vector<16xi32> -> vector<16xf32>
      %add3A_282 = arith.addf %bitcast_convert_type3A_271, %bitcast_convert_type3A_278 : vector<16xf32>
      %max3A_283 = arith.constant 0.000000e+00 : f32
      %max3A_284 = vector.broadcast %max3A_283 : f32 to vector<16xf32>
      %max3A_285 = arith.maximumf %add3A_282, %max3A_284 : vector<16xf32>
      %add3A_286 = arith.constant 96 : i32
      %add3A_287 = arith.addi %mul3A_133, %add3A_286 : i32
      %swap3A_288 = arith.index_cast %add3A_287 : i32 to index
      %swap3A_289 = tpu.vector_load %arg13[%swap3A_288] {strides = array<i32>} : memref<2048xf32, #tpu.memory_space<vmem>>, vector<16xf32>,
      %swap3A_290 = vector.shape_cast %swap3A_289 : vector<16xf32> to vector<16xf32>
      %swap3A_291 = vector.shape_cast %max3A_285 : vector<16xf32> to vector<16xf32>
      tpu.vector_store %arg13[%swap3A_288], %swap3A_291 {strides = array<i32>} : memref<2048xf32, #tpu.memory_space<vmem>>, vector<16xf32>,
      %add3A_292 = arith.addf %bitcast_convert_type3A_274, %bitcast_convert_type3A_281 : vector<16xf32>
      %max3A_293 = arith.constant 0.000000e+00 : f32
      %max3A_294 = vector.broadcast %max3A_293 : f32 to vector<16xf32>
      %max3A_295 = arith.maximumf %add3A_292, %max3A_294 : vector<16xf32>
      %add3A_296 = arith.constant 96 : i32
      %add3A_297 = arith.addi %mul3A_133, %add3A_296 : i32
      %add3A_298 = arith.constant 16 : i32
      %add3A_299 = arith.addi %add3A_297, %add3A_298 : i32
      %swap3A_300 = arith.index_cast %add3A_299 : i32 to index
      %swap3A_301 = tpu.vector_load %arg13[%swap3A_300] {strides = array<i32>} : memref<2048xf32, #tpu.memory_space<vmem>>, vector<16xf32>,
      %swap3A_302 = vector.shape_cast %swap3A_301 : vector<16xf32> to vector<16xf32>
      %swap3A_303 = vector.shape_cast %max3A_295 : vector<16xf32> to vector<16xf32>
      tpu.vector_store %arg13[%swap3A_300], %swap3A_303 {strides = array<i32>} : memref<2048xf32, #tpu.memory_space<vmem>>, vector<16xf32>,
    }
    %scan3A_93 = arith.constant 16 : i32
    %add3A_94 = arith.constant 9984 : i32
    %add3A_95 = arith.addi %mul3A_2, %add3A_94 : i32
    %mul3A_96 = arith.constant 128 : i32
    %mul3A_97 = arith.muli %add3A_95, %mul3A_96 : i32
    "tpu.region"() ({
      %run_scoped3A = tpu.sem_alloc : memref<!tpu.dma_semaphore, #tpu.memory_space<semaphore_mem>>
      %dma_start3A_131 = tpu.memref_slice %arg5[%mul3A_97] : memref<40960000xf32, #tpu.memory_space<hbm>> -> memref<2048xf32, #tpu.memory_space<hbm>>
      %dma_start3A_132 = tpu.memref_slice %arg5[%mul3A_97] : memref<40960000xf32, #tpu.memory_space<hbm>> -> memref<2048xf32, #tpu.memory_space<hbm>>
      tpu.enqueue_dma source(%arg13 : memref<2048xf32, #tpu.memory_space<vmem>>) target(%dma_start3A_132 : memref<2048xf32, #tpu.memory_space<hbm>>) target_semaphore(%run_scoped3A : memref<!tpu.dma_semaphore, #tpu.memory_space<semaphore_mem>>)
      %dma_wait3A_133 = tpu.memref_slice %arg5[%mul3A_97] : memref<40960000xf32, #tpu.memory_space<hbm>> -> memref<2048xf32, #tpu.memory_space<hbm>>
      %dma_wait3A_134 = tpu.memref_slice %arg5[%mul3A_97] : memref<40960000xf32, #tpu.memory_space<hbm>> -> memref<2048xf32, #tpu.memory_space<hbm>>
      tpu.wait_dma2 semaphore(%run_scoped3A : memref<!tpu.dma_semaphore, #tpu.memory_space<semaphore_mem>>) src(%arg13 : memref<2048xf32, #tpu.memory_space<vmem>>) dst(%dma_wait3A_134 : memref<2048xf32, #tpu.memory_space<hbm>>)
      tpu.yield
    }) : () -> ()
    %dma_wait3A_98 = arith.constant 0 : i32
    %dma_wait3A_99 = arith.constant 0 : i32
    %dma_wait3A_100 = tpu.memref_slice %arg10[%dma_wait3A_98, %dma_wait3A_99] : memref<3x16384xf32, #tpu.memory_space<vmem>> -> memref<1x16384xf32, #tpu.memory_space<vmem>>
    %dma_wait3A_101 = tpu.memref_squeeze %dma_wait3A_100 : memref<1x16384xf32, #tpu.memory_space<vmem>> -> memref<16384xf32, #tpu.memory_space<vmem>>
    %dma_wait3A_102 = arith.constant 0 : i32
    %dma_wait3A_103 = tpu.memref_slice %arg5[%dma_wait3A_102] : memref<40960000xf32, #tpu.memory_space<hbm>> -> memref<16384xf32, #tpu.memory_space<hbm>>
    %dma_wait3A_104 = arith.constant 0 : i32
    %dma_wait3A_105 = tpu.memref_slice %arg5[%dma_wait3A_104] : memref<40960000xf32, #tpu.memory_space<hbm>> -> memref<16384xf32, #tpu.memory_space<hbm>>
    %dma_wait3A_106 = arith.constant 0 : i32
    %dma_wait3A_107 = tpu.memref_slice %arg10[%dma_wait3A_98, %dma_wait3A_106] : memref<3x16384xf32, #tpu.memory_space<vmem>> -> memref<1x16384xf32, #tpu.memory_space<vmem>>
    %dma_wait3A_108 = tpu.memref_squeeze %dma_wait3A_107 : memref<1x16384xf32, #tpu.memory_space<vmem>> -> memref<16384xf32, #tpu.memory_space<vmem>>
    tpu.wait_dma2 semaphore(%arg20 : memref<!tpu.dma_semaphore, #tpu.memory_space<semaphore_mem>>) src(%dma_wait3A_108 : memref<16384xf32, #tpu.memory_space<vmem>>) dst(%dma_wait3A_105 : memref<16384xf32, #tpu.memory_space<hbm>>)
    %dma_wait3A_109 = arith.constant 1 : i32
    %dma_wait3A_110 = arith.constant 0 : i32
    %dma_wait3A_111 = tpu.memref_slice %arg10[%dma_wait3A_109, %dma_wait3A_110] : memref<3x16384xf32, #tpu.memory_space<vmem>> -> memref<1x16384xf32, #tpu.memory_space<vmem>>
    %dma_wait3A_112 = tpu.memref_squeeze %dma_wait3A_111 : memref<1x16384xf32, #tpu.memory_space<vmem>> -> memref<16384xf32, #tpu.memory_space<vmem>>
    %dma_wait3A_113 = arith.constant 0 : i32
    %dma_wait3A_114 = tpu.memref_slice %arg5[%dma_wait3A_113] : memref<40960000xf32, #tpu.memory_space<hbm>> -> memref<16384xf32, #tpu.memory_space<hbm>>
    %dma_wait3A_115 = arith.constant 0 : i32
    %dma_wait3A_116 = tpu.memref_slice %arg5[%dma_wait3A_115] : memref<40960000xf32, #tpu.memory_space<hbm>> -> memref<16384xf32, #tpu.memory_space<hbm>>
    %dma_wait3A_117 = arith.constant 0 : i32
    %dma_wait3A_118 = tpu.memref_slice %arg10[%dma_wait3A_109, %dma_wait3A_117] : memref<3x16384xf32, #tpu.memory_space<vmem>> -> memref<1x16384xf32, #tpu.memory_space<vmem>>
    %dma_wait3A_119 = tpu.memref_squeeze %dma_wait3A_118 : memref<1x16384xf32, #tpu.memory_space<vmem>> -> memref<16384xf32, #tpu.memory_space<vmem>>
    tpu.wait_dma2 semaphore(%arg21 : memref<!tpu.dma_semaphore, #tpu.memory_space<semaphore_mem>>) src(%dma_wait3A_119 : memref<16384xf32, #tpu.memory_space<vmem>>) dst(%dma_wait3A_116 : memref<16384xf32, #tpu.memory_space<hbm>>)
    %dma_wait3A_120 = arith.constant 2 : i32
    %dma_wait3A_121 = arith.constant 0 : i32
    %dma_wait3A_122 = tpu.memref_slice %arg10[%dma_wait3A_120, %dma_wait3A_121] : memref<3x16384xf32, #tpu.memory_space<vmem>> -> memref<1x16384xf32, #tpu.memory_space<vmem>>
    %dma_wait3A_123 = tpu.memref_squeeze %dma_wait3A_122 : memref<1x16384xf32, #tpu.memory_space<vmem>> -> memref<16384xf32, #tpu.memory_space<vmem>>
    %dma_wait3A_124 = arith.constant 0 : i32
    %dma_wait3A_125 = tpu.memref_slice %arg5[%dma_wait3A_124] : memref<40960000xf32, #tpu.memory_space<hbm>> -> memref<16384xf32, #tpu.memory_space<hbm>>
    %dma_wait3A_126 = arith.constant 0 : i32
    %dma_wait3A_127 = tpu.memref_slice %arg5[%dma_wait3A_126] : memref<40960000xf32, #tpu.memory_space<hbm>> -> memref<16384xf32, #tpu.memory_space<hbm>>
    %dma_wait3A_128 = arith.constant 0 : i32
    %dma_wait3A_129 = tpu.memref_slice %arg10[%dma_wait3A_120, %dma_wait3A_128] : memref<3x16384xf32, #tpu.memory_space<vmem>> -> memref<1x16384xf32, #tpu.memory_space<vmem>>
    %dma_wait3A_130 = tpu.memref_squeeze %dma_wait3A_129 : memref<1x16384xf32, #tpu.memory_space<vmem>> -> memref<16384xf32, #tpu.memory_space<vmem>>
    tpu.wait_dma2 semaphore(%arg22 : memref<!tpu.dma_semaphore, #tpu.memory_space<semaphore_mem>>) src(%dma_wait3A_130 : memref<16384xf32, #tpu.memory_space<vmem>>) dst(%dma_wait3A_127 : memref<16384xf32, #tpu.memory_space<hbm>>)
    return
  }
}

module attributes {stable_mosaic.version = 14 : i64} {
  func.func @_mm_kernel(%arg0: i32, %arg1: memref<1000x128xf32, #tpu.memory_space<vmem>>, %arg2: memref<128x128xf32, #tpu.memory_space<vmem>>, %arg3: memref<128x128xf32, #tpu.memory_space<vmem>>, %arg4: memref<1000x64xi32, #tpu.memory_space<vmem>>, %arg5: memref<1000x64xi32, #tpu.memory_space<vmem>>) attributes {dimension_semantics = [#tpu.dimension_semantics<arbitrary>], iteration_bounds = array<i64: 10>, scalar_prefetch = 0 : i64, scratch_operands = 0 : i64, tpu.core_type = #tpu.core_type<tc>, window_params = [{transform_indices = @transform_0, window_bounds = array<i64: 1000, 128>}, {pipeline_mode = #tpu.pipeline_mode<synchronous>, transform_indices = @transform_1, window_bounds = array<i64: 128, 128>}, {pipeline_mode = #tpu.pipeline_mode<synchronous>, transform_indices = @transform_2, window_bounds = array<i64: 128, 128>}, {transform_indices = @transform_3, window_bounds = array<i64: 1000, 64>}, {transform_indices = @transform_4, window_bounds = array<i64: 1000, 64>}]} {
    %get3A = arith.constant 0 : index
    %get3A_0 = arith.constant 0 : index
    %get3A_1 = vector.load %arg1[%get3A, %get3A_0] : memref<1000x128xf32, #tpu.memory_space<vmem>>, vector<1000x128xf32>
    %get3A_2 = arith.constant 0 : index
    %get3A_3 = arith.constant 0 : index
    %get3A_4 = vector.load %arg2[%get3A_2, %get3A_3] : memref<128x128xf32, #tpu.memory_space<vmem>>, vector<128x128xf32>
    %dot_general3A = arith.constant dense<0.000000e+00> : vector<1000x128xf32>
    %dot_general3A_5 = tpu.matmul %get3A_1, %get3A_4, %dot_general3A {dimension_numbers = #tpu.dot_dimension_numbers<[1], [0], [0], [1], [0, 0, 1, 1], [], []>, transpose_lhs_hint = false} : vector<1000x128xf32>, vector<128x128xf32>, vector<1000x128xf32> -> vector<1000x128xf32>
    %mul3A = arith.constant 5.000000e-01 : f32
    %mul3A_6 = vector.broadcast %mul3A : f32 to vector<1000x128xf32>
    %mul3A_7 = arith.mulf %mul3A_6, %dot_general3A_5 : vector<1000x128xf32>
    %slice3A = vector.extract_strided_slice %mul3A_7 {offsets = [0, 0], sizes = [1000, 64], strides = [1, 1]} : vector<1000x128xf32> to vector<1000x64xf32>
    %convert_element_type3A = arith.truncf %slice3A : vector<1000x64xf32> to vector<1000x64xbf16>
    %bitcast_convert_type3A = tpu.bitcast %convert_element_type3A : vector<1000x64xbf16> -> vector<1000x64xi16>
    %convert_element_type3A_8 = arith.extsi %bitcast_convert_type3A : vector<1000x64xi16> to vector<1000x64xi32>
    %slice3A_9 = vector.extract_strided_slice %mul3A_7 {offsets = [0, 64], sizes = [1000, 64], strides = [1, 1]} : vector<1000x128xf32> to vector<1000x64xf32>
    %convert_element_type3A_10 = arith.truncf %slice3A_9 : vector<1000x64xf32> to vector<1000x64xbf16>
    %bitcast_convert_type3A_11 = tpu.bitcast %convert_element_type3A_10 : vector<1000x64xbf16> -> vector<1000x64xi16>
    %convert_element_type3A_12 = arith.extsi %bitcast_convert_type3A_11 : vector<1000x64xi16> to vector<1000x64xi32>
    %and3A = arith.constant 65535 : i32
    %and3A_13 = vector.broadcast %and3A : i32 to vector<1000x64xi32>
    %and3A_14 = arith.andi %convert_element_type3A_8, %and3A_13 : vector<1000x64xi32>
    %shift_left3A = arith.constant 16 : i32
    %shift_left3A_15 = vector.broadcast %shift_left3A : i32 to vector<1000x64xi32>
    %shift_left3A_16 = arith.shli %convert_element_type3A_12, %shift_left3A_15 : vector<1000x64xi32>
    %or3A = arith.ori %and3A_14, %shift_left3A_16 : vector<1000x64xi32>
    %swap3A = arith.constant 0 : index
    %swap3A_17 = arith.constant 0 : index
    %swap3A_18 = vector.load %arg4[%swap3A, %swap3A_17] : memref<1000x64xi32, #tpu.memory_space<vmem>>, vector<1000x64xi32>
    tpu.vector_store %arg4[%swap3A, %swap3A_17], %or3A {strides = array<i32>} : memref<1000x64xi32, #tpu.memory_space<vmem>>, vector<1000x64xi32>,
    %get3A_19 = arith.constant 0 : index
    %get3A_20 = arith.constant 0 : index
    %get3A_21 = vector.load %arg3[%get3A_19, %get3A_20] : memref<128x128xf32, #tpu.memory_space<vmem>>, vector<128x128xf32>
    %dot_general3A_22 = arith.constant dense<0.000000e+00> : vector<1000x128xf32>
    %dot_general3A_23 = tpu.matmul %get3A_1, %get3A_21, %dot_general3A_22 {dimension_numbers = #tpu.dot_dimension_numbers<[1], [0], [0], [1], [0, 0, 1, 1], [], []>, transpose_lhs_hint = false} : vector<1000x128xf32>, vector<128x128xf32>, vector<1000x128xf32> -> vector<1000x128xf32>
    %mul3A_24 = arith.constant 5.000000e-01 : f32
    %mul3A_25 = vector.broadcast %mul3A_24 : f32 to vector<1000x128xf32>
    %mul3A_26 = arith.mulf %mul3A_25, %dot_general3A_23 : vector<1000x128xf32>
    %slice3A_27 = vector.extract_strided_slice %mul3A_26 {offsets = [0, 0], sizes = [1000, 64], strides = [1, 1]} : vector<1000x128xf32> to vector<1000x64xf32>
    %convert_element_type3A_28 = arith.truncf %slice3A_27 : vector<1000x64xf32> to vector<1000x64xbf16>
    %bitcast_convert_type3A_29 = tpu.bitcast %convert_element_type3A_28 : vector<1000x64xbf16> -> vector<1000x64xi16>
    %convert_element_type3A_30 = arith.extsi %bitcast_convert_type3A_29 : vector<1000x64xi16> to vector<1000x64xi32>
    %slice3A_31 = vector.extract_strided_slice %mul3A_26 {offsets = [0, 64], sizes = [1000, 64], strides = [1, 1]} : vector<1000x128xf32> to vector<1000x64xf32>
    %convert_element_type3A_32 = arith.truncf %slice3A_31 : vector<1000x64xf32> to vector<1000x64xbf16>
    %bitcast_convert_type3A_33 = tpu.bitcast %convert_element_type3A_32 : vector<1000x64xbf16> -> vector<1000x64xi16>
    %convert_element_type3A_34 = arith.extsi %bitcast_convert_type3A_33 : vector<1000x64xi16> to vector<1000x64xi32>
    %and3A_35 = arith.constant 65535 : i32
    %and3A_36 = vector.broadcast %and3A_35 : i32 to vector<1000x64xi32>
    %and3A_37 = arith.andi %convert_element_type3A_30, %and3A_36 : vector<1000x64xi32>
    %shift_left3A_38 = arith.constant 16 : i32
    %shift_left3A_39 = vector.broadcast %shift_left3A_38 : i32 to vector<1000x64xi32>
    %shift_left3A_40 = arith.shli %convert_element_type3A_34, %shift_left3A_39 : vector<1000x64xi32>
    %or3A_41 = arith.ori %and3A_37, %shift_left3A_40 : vector<1000x64xi32>
    %swap3A_42 = arith.constant 0 : index
    %swap3A_43 = arith.constant 0 : index
    %swap3A_44 = vector.load %arg5[%swap3A_42, %swap3A_43] : memref<1000x64xi32, #tpu.memory_space<vmem>>, vector<1000x64xi32>
    tpu.vector_store %arg5[%swap3A_42, %swap3A_43], %or3A_41 {strides = array<i32>} : memref<1000x64xi32, #tpu.memory_space<vmem>>, vector<1000x64xi32>,
    return
  }
  func.func @transform_0(%arg0: i32) -> (i32, i32) {
    %c0_i32 = arith.constant 0 : i32
    %c0_i32_0 = arith.constant 0 : i32
    return %arg0, %c0_i32 : i32, i32
  }
  func.func @transform_1(%arg0: i32) -> (i32, i32) {
    %c0_i32 = arith.constant 0 : i32
    %c0_i32_0 = arith.constant 0 : i32
    %c0_i32_1 = arith.constant 0 : i32
    return %c0_i32, %c0_i32_0 : i32, i32
  }
  func.func @transform_2(%arg0: i32) -> (i32, i32) {
    %c0_i32 = arith.constant 0 : i32
    %c0_i32_0 = arith.constant 0 : i32
    %c0_i32_1 = arith.constant 0 : i32
    return %c0_i32, %c0_i32_0 : i32, i32
  }
  func.func @transform_3(%arg0: i32) -> (i32, i32) {
    %c0_i32 = arith.constant 0 : i32
    %c0_i32_0 = arith.constant 0 : i32
    return %arg0, %c0_i32 : i32, i32
  }
  func.func @transform_4(%arg0: i32) -> (i32, i32) {
    %c0_i32 = arith.constant 0 : i32
    %c0_i32_0 = arith.constant 0 : i32
    return %arg0, %c0_i32 : i32, i32
  }
}

</mosaic_0001>

<sc_bundles>
// kernel: kernel.4.cloned.1.call-start
scs
__scs_entry_jumppad:
0x0: {  	(pc) =	sbr.rel $0x88, $3  }
0x1: {  	(tag) =	ssettag $0x0;
	lr =	simm.s32 $0x1  }
0x2: {  	[smem:$0x3F9D] =	sst lr;
	_ =	strace $0xD0000000  }
0x3: {  	_ = 	snop  }
0x4: {  	_ = 	snop  }
0x5: {  	_ = 	snop  }
0x6: {  	_ = 	snop  }
0x7: {  	_ = 	snop  }
__scs_overlays_trampoline_lowered:
0x8: {  	[smem:$0x3FAC] =	sst s0  }
0x9: {  	[smem:$0x3FAD] =	sst s1  }
0xa: {  	[smem:$0x3FAE] =	sst s2  }
0xb: {  	[smem:$0x3FAF] =	sst s3  }
0xc: {  	[smem:$0x3FB0] =	sst s4  }
0xd: {  	[smem:$0x3FB1] =	sst s5  }
0xe: {  	[smem:$0x3FB2] =	sst s6  }
0xf: {  	[smem:$0x3FB3] =	sst s7  }
0x10: {  	[smem:$0x3FB4] =	sst s8  }
0x11: {  	[smem:$0x3FB5] =	sst s9;
	s0 =	simm.s32 @!p0 $0x0  }
0x12: {  	s1 =	sld [smem:$0x3F9B];
	s0 =	simm.s32 @p0 $0x1  }
0x13: {  	[smem:$0x3FB6] =	sst s0;
	s0 =	simm.s32 @!p1 $0x0  }
0x14: {  	s2 =	sld [smem:$0x3F9A];
	s0 =	simm.s32 @p1 $0x1  }
0x15: {  	[smem:$0x3FB7] =	sst s0;
	s0 =	simm.s32 @!p2 $0x0  }
0x16: {  	s3 =	sld [smem:$0x3FDB];
	s0 =	simm.s32 @p2 $0x1  }
0x17: {  	s4 =	simm.s32 $0x1BF5;
	[smem:$0x3FB9] =	sst s0  }
0x18: {  	s0 =	sld [smem:$0x3F9C];
	_ =	swait.ge [sflag:s4], $0x0  }
0x19: {  	s7 =	sld [smem:$0x3F9D]  }
0x1a: {  	s8 =	sadd.s32 $0xFFFFE003, lr  }
0x1b: {  	s9 =	sadd.s32 $0xFFFFFEF7, lr;
	s5 =	simm.s32 $0xFFFFFFFF;
	p2 =	slt.u32 s8, $0xFFFFF086  }
0x1c: {  	p1 =	slt.u32 s9, $0xF7A;
	s5 =	simm.s32 @!p2 $0x0  }
0x1d: {  	s5 =	simm.s32 @p1 $0x1;
	p0 =	seq.s32 s7, s2  }
0x1e: {  	s7 =	smul.u32 @!p0 $0xF7A, s2;
	p2 =	seq.s32 @!p0 s5, $0x0  }
0x1f: {  	s9 =	smul.u32 $0xF7A, s1;
	s8 =	simm.s32 @!p0 $0x1BF5;
	p2 =	por !p2, p0  }
0x20: {  	[sflag:s8] =	ssyncset.s32 @!p0 $0xFFFFF086;
	s6 =	sadd.s32 @!p0 s3, s7;
	s7 =	simm.s32 @!p0 $0x108  }
0x21: {  	s3 =	sadd.s32 s3, s9;
	s6 =	sadd.s32 @!p0 $0x88, s6;
	s7 =	simm.s32 @p2 $0x1082  }
0x22: {  	[simem:s7], [sflag:s8] =	dma.local @!p0 [hbm:s6], $0xF7A  }
0x23: {  	s9 =	sor.u32 $0xD0000000, s2;
	s6 =	simm.s32 $0x108;
	_ =	swait.ge @!p0 [sflag:s8], $0x0  }
0x24: {  	s3 =	sadd.s32 $0x88, s3;
	s6 =	simm.s32 @!p1 $0x1082;
	[sflag:s4] =	ssyncset.s32 $0xFFFFF086  }
0x25: {  	[simem:s6], [sflag:s4] =	dma.local [hbm:s3], $0xF7A  }
0x26: {  	[smem:$0x3F9D] =	sst s1;
	(tag) =	ssettag s2;
	_ =	strace s9  }
0x27: {  	s1 =	sld [smem:$0x3FAD]  }
0x28: {  	s2 =	sld [smem:$0x3FAE]  }
0x29: {  	s4 =	sld [smem:$0x3FB0]  }
0x2a: {  	p0 =	seq.s32 s5, $0x0;
	s5 =	sld [smem:$0x3FB1]  }
0x2b: {  	s6 =	sld [smem:$0x3FB2]  }
0x2c: {  	s7 =	sld [smem:$0x3FB3]  }
0x2d: {  	s3 =	simm.s32 $0x108;
	s8 =	sld [smem:$0x3FB4]  }
0x2e: {  	s3 =	simm.s32 @!p0 $0x1082;
	s9 =	sld [smem:$0x3FB5]  }
0x2f: {  	lr =	sadd.s32 s0, s3;
	s0 =	sld [smem:$0x3FAC]  }
0x30: {  	s3 =	sld [smem:$0x3FAF]  }
0x31: {  	[smem:$0x3FB8] =	sst s10  }
0x32: {  	s10 =	sld [smem:$0x3FB6];
	_ =	sdelay $0x3  }
0x33: {  	p0 =	seq.s32 s10, $0x1;
	s10 =	sld [smem:$0x3FB8];
	_ =	sdelay $0x3  }
0x34: {  	[smem:$0x3FB8] =	sst s10  }
0x35: {  	s10 =	sld [smem:$0x3FB7];
	_ =	sdelay $0x3  }
0x36: {  	p1 =	seq.s32 s10, $0x1;
	s10 =	sld [smem:$0x3FB8];
	_ =	sdelay $0x3  }
0x37: {  	[smem:$0x3FB8] =	sst s10  }
0x38: {  	s10 =	sld [smem:$0x3FB9]  }
0x39: {  	_ = 	snop;
	(pc) =	sbr.ind lr, $3  }
0x3a: {  	_ = 	snop  }
0x3b: {  	_ = 	snop  }
0x3c: {  	p2 =	seq.s32 s10, $0x1;
	s10 =	sld [smem:$0x3FB8]  }
0x3d: {  	_ =	shalt  }
0x3e: {  	_ =	shalt  }
0x3f: {  	_ =	shalt  }
0x40: {  	_ =	shalt  }
0x41: {  	_ =	shalt  }
0x42: {  	_ =	shalt  }
0x43: {  	_ =	shalt  }
0x44: {  	_ =	shalt  }
0x45: {  	_ =	shalt  }
0x46: {  	_ =	shalt  }
0x47: {  	_ =	shalt  }
0x48: {  	_ =	shalt  }
0x49: {  	_ =	shalt  }
0x4a: {  	_ =	shalt  }
0x4b: {  	_ =	shalt  }
0x4c: {  	_ =	shalt  }
0x4d: {  	_ =	shalt  }
0x4e: {  	_ =	shalt  }
0x4f: {  	_ =	shalt  }
0x50: {  	_ =	shalt  }
0x51: {  	_ =	shalt  }
0x52: {  	_ =	shalt  }
0x53: {  	_ =	shalt  }
0x54: {  	_ =	shalt  }
0x55: {  	_ =	shalt  }
0x56: {  	_ =	shalt  }
0x57: {  	_ =	shalt  }
0x58: {  	_ =	shalt  }
0x59: {  	_ =	shalt  }
0x5a: {  	_ =	shalt  }
0x5b: {  	_ =	shalt  }
0x5c: {  	_ =	shalt  }
0x5d: {  	_ =	shalt  }
0x5e: {  	_ =	shalt  }
0x5f: {  	_ =	shalt  }
0x60: {  	_ =	shalt  }
0x61: {  	_ =	shalt  }
0x62: {  	_ =	shalt  }
0x63: {  	_ =	shalt  }
0x64: {  	_ =	shalt  }
0x65: {  	_ =	shalt  }
0x66: {  	_ =	shalt  }
0x67: {  	_ =	shalt  }
0x68: {  	_ =	shalt  }
0x69: {  	_ =	shalt  }
0x6a: {  	_ =	shalt  }
0x6b: {  	_ =	shalt  }
0x6c: {  	_ =	shalt  }
0x6d: {  	_ =	shalt  }
0x6e: {  	_ =	shalt  }
0x6f: {  	_ =	shalt  }
0x70: {  	_ =	shalt  }
0x71: {  	_ =	shalt  }
0x72: {  	_ =	shalt  }
0x73: {  	_ =	shalt  }
0x74: {  	_ =	shalt  }
0x75: {  	_ =	shalt  }
0x76: {  	_ =	shalt  }
0x77: {  	_ =	shalt  }
0x78: {  	_ =	shalt  }
0x79: {  	_ =	shalt  }
0x7a: {  	_ =	shalt  }
0x7b: {  	_ =	shalt  }
0x7c: {  	_ =	shalt  }
0x7d: {  	_ =	shalt  }
0x7e: {  	_ =	shalt  }
0x7f: {  	_ =	shalt  }
0x80: {  	_ =	shalt  }
0x81: {  	_ =	shalt  }
0x82: {  	_ =	shalt  }
0x83: {  	_ =	shalt  }
0x84: {  	_ =	shalt  }
0x85: {  	_ =	shalt  }
0x86: {  	_ =	shalt  }
0x87: {  	_ =	shalt  }
.Lfunc_end0:
.L_simem_size_0:
called_computation_lowered:
.L_overlay_start_0:
0x88: {  	s2 =	sld [smem:$0x3FD9]  }
0x89: {  	s3 =	sld [smem:$0x3FFE];
	_ =	sdelay $0x1  }
0x8a: {  	s1 =	srdreg.scid  }
0x8b: {  	s0 =	sand.u32 $0x1, s1  }
0x8c: {  	s17 =	sshll.u32 s0, $0xA;
	s2 =	sadd.s32 s3, s2  }
0x8d: {  	s2 =	sadd.s32 s2, s17  }
0x8e: {  	[smem:$0x3FC4] =	sst s2  }
0x8f: {  	_ = 	snop  }
0x90: {  	s2 =	sld [smem:$0x3FD0];
	(tm) =	ssettm $0x1  }
0x91: {  	s18 =	sld [smem:$0x3FFB];
	_ =	sdelay $0x3  }
0x92: {  	_ =	strace s18  }
0x93: {  	s3 =	sld [smem:$0x3FFC];
	_ =	sdelay $0x3  }
0x94: {  	_ =	strace s3  }
0x95: {  	s3 =	sld [smem:$0x3FFD];
	_ =	sdelay $0x3  }
0x96: {  	_ =	strace s3  }
0x97: {  	_ =	strace $0x8FFFFFFF  }
0x98: {  	s19 =	sld [smem:$0x3FDB];
	_ =	sdelay $0x1  }
0x99: {  	s4 =	simm.s32 $_scs_section_size  }
0x9a: {  	s5 =	simm.s32 $_size__tile_overlayer_lowered;
	s6 =	simm.s32 $_tile_overlayer_lowered  }
0x9b: {  	s22 =	simm.s32 $0x1BFF;
	s21 =	sshll.u32 s6, $0x1;
	s3 =	sadd.s32 s4, s19  }
0x9c: {  	s7 =	simm.s32 $0x0;
	s20 =	sshll.u32 s5, $0x1;
	s5 =	sadd.s32 s21, s3  }
0x9d: {  	[timem:s7], [sflag:s22] =	dma.local [hbm:s5], s20  }
0x9e: {  	_ =	swait.ge [sflag:s22], s20  }
0x9f: {  	s4 =	ssub.s32 $0x0, s20;
	[sflag:s22] =	ssyncset.done $0x0  }
0xa0: {  	[sflag:s22] =	ssyncadd.s32 s4;
	_ =	sdelay $0x1  }
0xa1: {  	s23 =	simm.s32 $0x1B8B  }
0xa2: {  	_ =	swait.ge [sflag:s23], $0x1  }
0xa3: {  	[sflag:s23] =	ssyncset.done $0x0  }
0xa4: {  	s25 =	simm.s32 $0x1B8E;
	s24 =	sld [smem:$0x3FFE];
	[sflag:s23] =	ssyncadd.s32 $0xFFFFFFFF  }
0xa5: {  	s26 =	simm.s32 $execute0_lowered;
	[smem:$0x3FD2] =	sst s25  }
0xa6: {  	s5 =	sshll.u32 s26, $0x1;
	_ =	strace $0x80000046;
	[dreg:$0x1] =	wrdreg $0xFFFFFFFF  }
0xa7: {  	s28 =	simm.s32 $_size_execute0_lowered;
	s3 =	sadd.s32 s3, s5;
	[dreg:$0x0] =	wrdreg $0x0  }
0xa8: {  	s5 =	sshll.u32 s28, $0x1;
	[dreg:$0x2] =	wrdreg s3  }
0xa9: {  	[dreg:$0x3] =	wrdreg s5  }
0xaa: {  	[dreg:$0x4] =	wrdreg $0xC0  }
0xab: {  	_ =	task [dreg:s7], $0x5FFFF  }
0xac: {  	[dreg:$0x1] =	wrdreg $0xFFFFFFFF  }
0xad: {  	[dreg:$0x0] =	wrdreg $0x60  }
0xae: {  	[dreg:$0x2] =	wrdreg s24  }
0xaf: {  	[dreg:$0x3] =	wrdreg s2  }
0xb0: {  	[dreg:$0x4] =	wrdreg $0x9  }
0xb1: {  	_ =	task.clear_ibuf [dreg:s7], $0x5FFFF;
	_ =	strace $0x90000046  }
0xb2: {  	s29 =	simm.s32 $0x9;
	_ =	strace $0x80000048  }
0xb3: {  	_ =	swait.ge [sflag:s29], $0x1  }
0xb4: {  	[sflag:s29] =	ssyncadd.s32 $0xFFFFFFFF  }
0xb5: {  	_ =	strace $0x90000048  }
0xb6: {  	_ =	sfence  }
0xb7: {  	s30 =	sld [smem:$0x0];
	_ =	sdelay $0x2  }
0xb8: {  	s31 =	sshll.u32 s1, $0xD;
	s1 =	sshrl.u32 s1, $0x2  }
0xb9: {  	s3 =	sand.u32 $0x4000, s31;
	s1 =	sadd.s32 s1, s30  }
0xba: {  	s0 =	sor.u32 s3, s0;
	s1 =	sshll.u32 s1, $0x11  }
0xbb: {  	s0 =	sor.u32 s1, s0  }
0xbc: {  	s0 =	sadd.s32 $0x8F2B, s0  }
0xbd: {  	[sflag:s0] =	ssyncadd.remote.s32 $0x1  }
0xbe: {  	_ =	sfence.sel $0xFFFF  }
0xbf: {  	[dreg:$0x0] =	wrdreg $0xFFFFFFFF;
	(pc) =	sbr.abs _section_cstart, $3  }
0xc0: {  	[dreg:$0x1] =	wrdreg $0xFFFFFFFF  }
0xc1: {  	_ =	task.clear_ibuf [dreg:s7], $0x2FFFF;
	_ =	strace $0x9FFFFFFF  }
0xc2: {  	(tm) =	ssettm $0x7FFFFFFF  }
0xc3: {  	_ =	shalt  }
tec
execute0_lowered:
.L_overlay_start_1:
0x0: {  	(tag) =	ssettag $0x1  }
0x1: {  	s0 =	rddreg [dreg:$0x0]  }
0x2: {  	s2 =	rddreg [dreg:$0x1];
	s1 =	srdreg.scid  }
0x3: {  	s4 =	stileid.u32;
	s3 =	simm.s32 $0x0;
	s20 =	simm.s32 $0x80  }
0x4: {  	s28 =	simm.s32 $0x4;
	s29 =	simm.s32 $0x8E20;
	s30 =	simm.s32 $0xEE20  }
0x5: {  	s31 =	simm.s32 $0x10E20;
	s16 =	simm.s32 $0x14E20;
	s17 =	simm.s32 $0x3  }
0x6: {  	s18 =	simm.s32 $0x6;
	s1 =	sand.u32 $0x1, s1;
	s4 =	sshll.u32 s4, $0x1  }
0x7: {  	s19 =	simm.s32 $0x18E20;
	s13 =	simm.s32 $0x9;
	s6 =	sor.u32 s1, s4  }
0x8: {  	[smem:$0x7FF] =	sst s3;
	s1 =	ssub.s32 $0x2, s1;
	s4 =	smul.u32 $0x2710, s6  }
0x9: {  	s5 =	sadd.s32 $0x14200, s0;
	s6 =	smul.u32 $0x138800, s6;
	s22 =	sshrl.u32 s1, $0x1  }
0xa: {  	s7 =	sadd.s32 $0x27C00, s0;
	_ =	strace $0x80000047;
	s1 =	ssub.s32 s1, s22  }
0xb: {  	s8 =	sshrl.u32 s4, $0x3;
	s9 =	sshrl.u32 s6, $0x3;
	s10 =	sadd.s32 $0x4000, s6  }
0xc: {  	s26 =	smax.u32 s1, $0x1;
	s1 =	simm.s32 $0x5;
	s0 =	sadd.s32 s8, s0  }
0xd: {  	s24 =	sadd.s32 s2, s9;
	[dreg:$0x6] =	wrdreg s26;
	s23 =	sadd.s32 $0x800, s0  }
0xe: {  	s26 =	simm.s32 $0x1;
	s0 =	sadd.s32 $0xA440, s0;
	[dreg:$0x3] =	wrdreg s23  }
0xf: {  	s9 =	simm.s32 $0x0;
	s25 =	sadd.s32 $0x27000, s24;
	[dreg:$0x4] =	wrdreg s0  }
0x10: {  	[dreg:$0x5] =	wrdreg s25;
	s0 =	simm.s32 $0x2;
	s23 =	simm.s32 $0x8  }
.LBB2_1:
0x11: {  	[dreg:$0x7] =	wrdreg s9  }
0x12: {  	s8 =	rddreg [dreg:$0x3]  }
0x13: {  	[tilespmem:s3], [sflag:$0xA] =	stream.linear.gather [hbm4b:s8+s3], $0x2710, $0x38;
	[tilespmem:$0x1DE20] =	vst v63  }
0x14: {  	s21 =	rddreg [dreg:$0x4];
	s22 =	simm.s32 $0x2710;
	s24 =	simm.s32 $0xA  }
0x15: {  	[tilespmem:s22], [sflag:$0xA] =	stream.linear.gather [hbm4b:s21+s3], $0x2710, $0x38;
	[tilespmem:$0x1DE20] =	vst v63  }
0x16: {  	_ =	swait.ge [sflag:s24], $0x2710  }
0x17: {  	[sflag:s24] =	ssyncset.done $0x0  }
0x18: {  	[sflag:s24] =	ssyncadd.s32 $0xFFFFD8F0  }
0x19: {  	_ =	swait.ge [sflag:s24], $0x2710  }
0x1a: {  	s25 =	simm.s32 $0x10;
	[sflag:s24] =	ssyncset.done $0x0  }
0x1b: {  	s11 =	simm.s32 $0x2700;
	s12 =	simm.s32 $0x1CE20;
	[sflag:s24] =	ssyncadd.s32 $0xFFFFD8F0  }
0x1c: {  	[tilespmem:s12], [sflag:$0xB] =	stream.indirect.gather [hbm4b:s5+s25], $0x40, s11, s25, $0xb8;
	[tilespmem:$0x1DE20] =	vst v63  }
0x1d: {  	s14 =	simm.s32 $0x1D220;
	s12 =	simm.s32 $0x4E10  }
0x1e: {  	[tilespmem:s14], [sflag:$0xC] =	stream.indirect.gather [hbm4b:s7+s25], $0x40, s12, s25, $0xb8;
	[tilespmem:$0x1DE20] =	vst v63  }
0x1f: {  	s15 =	simm.s32 $0x4E20  }
0x20: {  	[tilespmem:s15], [sflag:$0x1] =	stream.indirect.gather [hbm4b:s5+s20], $0x40, s3, s20, $0xb8;
	[tilespmem:$0x1DE20] =	vst v63  }
0x21: {  	s21 =	simm.s32 $0xAE20  }
0x22: {  	[tilespmem:s21], [sflag:$0x4] =	stream.indirect.gather [hbm4b:s7+s20], $0x40, s22, s20, $0xb8;
	[tilespmem:$0x1DE20] =	vst v63  }
0x23: {  	s22 =	simm.s32 $0x6E20  }
0x24: {  	[tilespmem:s22], [sflag:$0x2] =	stream.indirect.gather [hbm4b:s5+s20], $0x40, s20, s20, $0xb8;
	[tilespmem:$0x1DE20] =	vst v63  }
0x25: {  	s8 =	simm.s32 $0x0;
	s24 =	simm.s32 $0x2790;
	s25 =	simm.s32 $0xCE20  }
0x26: {  	[tilespmem:s25], [sflag:$0x5] =	stream.indirect.gather [hbm4b:s7+s20], $0x40, s24, s20, $0xb8;
	[tilespmem:$0x1DE20] =	vst v63  }
.LBB2_2:
0x27: {  	_ =	swait.ge [sflag:s26], $0x2000  }
0x28: {  	[sflag:s26] =	ssyncset.done $0x0  }
0x29: {  	s9 =	smul.u32 $0x3, s8;
	[sflag:s26] =	ssyncadd.s32 $0xFFFFE000  }
0x2a: {  	_ =	swait.ge [sflag:s28], $0x2000  }
0x2b: {  	s9 =	sadd.s32 $0x2, s9;
	[sflag:s28] =	ssyncset.done $0x0  }
0x2c: {  	s11 =	sshll.u32 s9, $0x7;
	[sflag:s28] =	ssyncadd.s32 $0xFFFFE000  }
0x2d: {  	[tilespmem:s29], [sflag:$0x3] =	stream.indirect.gather [hbm4b:s5+s20], $0x40, s11, s20, $0xb8;
	[tilespmem:$0x1DE20] =	vst v63  }
0x2e: {  	p0 =	seq.s32 s8, $0x0;
	s11 =	sadd.s32 $0x2710, s11  }
0x2f: {  	[tilespmem:s30], [sflag:$0x6] =	stream.indirect.gather [hbm4b:s7+s20], $0x40, s11, s20, $0xb8;
	[tilespmem:$0x1DE20] =	vst v63  }
0x30: {  	s11 =	simm.s32 @!p0 $0x7  }
0x31: {  	_ =	swait.ge @!p0 [sflag:s11], $0x4000  }
0x32: {  	[sflag:s11] =	ssyncset.done @!p0 $0x0  }
0x33: {  	[sflag:s11] =	ssyncadd.s32 @!p0 $0xFFFFC000;
	s11 =	simm.s32 $0x4E60  }
0x34: {  	s21 =	simm.s32 $0xAE60;
	v0 =	vld [tilespmem:s11+$0xFFFFFFC0]  }
0x35: {  	v1 =	vld [tilespmem:s21+$0xFFFFFFC0];
	_ =	sdelay $0x4  }
0x36: {  	v2 =	vshll.u32 v0, $0x10;
	v3 =	vshll.u32 v1, $0x10  }
0x37: {  	v0 =	vand.u32 $0xFFFF0000, v0;
	v1 =	vand.u32 $0xFFFF0000, v1;
	v2 =	vadd.f32 v3, v2  }
0x38: {  	v0 =	vadd.f32 v1, v0  }
0x39: {  	s12 =	simm.s32 $0x10EA0;
	v1 =	vmax.f32 v2, $0.0e+00  }
0x3a: {  	v0 =	vmax.f32 v0, $0.0e+00;
	[tilespmem:s12+$0xFFFFFF80] =	vst v1  }
0x3b: {  	[tilespmem:s12+$0xFFFFFF90] =	vst v0  }
0x3c: {  	v0 =	vld [tilespmem:s11+$0xFFFFFFD0]  }
0x3d: {  	v1 =	vld [tilespmem:s21+$0xFFFFFFD0];
	_ =	sdelay $0x4  }
0x3e: {  	v2 =	vshll.u32 v0, $0x10;
	v3 =	vshll.u32 v1, $0x10  }
0x3f: {  	v0 =	vand.u32 $0xFFFF0000, v0;
	v1 =	vand.u32 $0xFFFF0000, v1;
	v2 =	vadd.f32 v3, v2  }
0x40: {  	v0 =	vadd.f32 v1, v0  }
0x41: {  	v1 =	vmax.f32 v2, $0.0e+00  }
0x42: {  	v0 =	vmax.f32 v0, $0.0e+00;
	[tilespmem:s12+$0xFFFFFFA0] =	vst v1  }
0x43: {  	[tilespmem:s12+$0xFFFFFFB0] =	vst v0  }
0x44: {  	v0 =	vld [tilespmem:s11+$0xFFFFFFE0]  }
0x45: {  	v1 =	vld [tilespmem:s21+$0xFFFFFFE0];
	_ =	sdelay $0x4  }
0x46: {  	v2 =	vshll.u32 v0, $0x10;
	v3 =	vshll.u32 v1, $0x10  }
0x47: {  	v0 =	vand.u32 $0xFFFF0000, v0;
	v1 =	vand.u32 $0xFFFF0000, v1;
	v2 =	vadd.f32 v3, v2  }
0x48: {  	v0 =	vadd.f32 v1, v0  }
0x49: {  	v1 =	vmax.f32 v2, $0.0e+00  }
0x4a: {  	v0 =	vmax.f32 v0, $0.0e+00;
	[tilespmem:s12+$0xFFFFFFC0] =	vst v1  }
0x4b: {  	[tilespmem:s12+$0xFFFFFFD0] =	vst v0  }
0x4c: {  	v0 =	vld [tilespmem:s11+$0xFFFFFFF0]  }
0x4d: {  	v1 =	vld [tilespmem:s21+$0xFFFFFFF0];
	_ =	sdelay $0x4  }
0x4e: {  	v2 =	vshll.u32 v0, $0x10;
	v3 =	vshll.u32 v1, $0x10  }
0x4f: {  	v0 =	vand.u32 $0xFFFF0000, v0;
	v1 =	vand.u32 $0xFFFF0000, v1;
	v2 =	vadd.f32 v3, v2  }
0x50: {  	v0 =	vadd.f32 v1, v0  }
0x51: {  	v1 =	vmax.f32 v2, $0.0e+00  }
0x52: {  	v0 =	vmax.f32 v0, $0.0e+00;
	[tilespmem:s12+$0xFFFFFFE0] =	vst v1  }
0x53: {  	[tilespmem:s12+$0xFFFFFFF0] =	vst v0  }
0x54: {  	v0 =	vld [tilespmem:s11+$0x0]  }
0x55: {  	v1 =	vld [tilespmem:s21+$0x0];
	_ =	sdelay $0x4  }
0x56: {  	v2 =	vshll.u32 v0, $0x10;
	v3 =	vshll.u32 v1, $0x10  }
0x57: {  	v0 =	vand.u32 $0xFFFF0000, v0;
	v1 =	vand.u32 $0xFFFF0000, v1;
	v2 =	vadd.f32 v3, v2  }
0x58: {  	v0 =	vadd.f32 v1, v0  }
0x59: {  	v1 =	vmax.f32 v2, $0.0e+00  }
0x5a: {  	v0 =	vmax.f32 v0, $0.0e+00;
	[tilespmem:s12+$0x0] =	vst v1  }
0x5b: {  	[tilespmem:s12+$0x10] =	vst v0  }
0x5c: {  	v0 =	vld [tilespmem:s11+$0x10]  }
0x5d: {  	v1 =	vld [tilespmem:s21+$0x10];
	_ =	sdelay $0x4  }
0x5e: {  	v2 =	vshll.u32 v0, $0x10;
	v3 =	vshll.u32 v1, $0x10  }
0x5f: {  	v0 =	vand.u32 $0xFFFF0000, v0;
	v1 =	vand.u32 $0xFFFF0000, v1;
	v2 =	vadd.f32 v3, v2  }
0x60: {  	v0 =	vadd.f32 v1, v0  }
0x61: {  	v1 =	vmax.f32 v2, $0.0e+00  }
0x62: {  	v0 =	vmax.f32 v0, $0.0e+00;
	[tilespmem:s12+$0x20] =	vst v1  }
0x63: {  	[tilespmem:s12+$0x30] =	vst v0  }
0x64: {  	v0 =	vld [tilespmem:s11+$0x20]  }
0x65: {  	v1 =	vld [tilespmem:s21+$0x20];
	_ =	sdelay $0x3  }
0x66: {  	v2 =	vshll.u32 v0, $0x10  }
0x67: {  	s22 =	simm.s32 $0x0;
	v3 =	vand.u32 $0xFFFF0000, v0;
	v0 =	vshll.u32 v1, $0x10;
	v1 =	vand.u32 $0xFFFF0000, v1  }
0x68: {  	s14 =	simm.s32 $0x10FA0;
	s24 =	simm.s32 $0x4E60;
	s25 =	simm.s32 $0xAE60;
	v0 =	vadd.f32 v0, v2;
	v1 =	vadd.f32 v1, v3  }
.LBB2_3:
0x69: {  	s22 =	sadd.s32 $0x2, s22;
	s21 =	sadd.s32 $0x80, s21;
	s11 =	sadd.s32 $0x80, s11  }
0x6a: {  	p0 =	slt.u32 s22, $0x7E;
	v0 =	vmax.f32 v0, $0.0e+00;
	v1 =	vmax.f32 v1, $0.0e+00  }
0x6b: {  	[tilespmem:s12+$0x40] =	vst v0  }
0x6c: {  	[tilespmem:s12+$0x50] =	vst v1  }
0x6d: {  	v0 =	vld [tilespmem:s24+$0x30];
	s24 =	smov.u32 s11  }
0x6e: {  	v1 =	vld [tilespmem:s25+$0x30];
	s25 =	smov.u32 s21;
	_ =	sdelay $0x3  }
0x6f: {  	v2 =	vshll.u32 v0, $0x10;
	v0 =	vand.u32 $0xFFFF0000, v0  }
0x70: {  	v3 =	vshll.u32 v1, $0x10;
	v1 =	vand.u32 $0xFFFF0000, v1  }
0x71: {  	v2 =	vadd.f32 v3, v2;
	v0 =	vadd.f32 v1, v0;
	_ =	sdelay $0x1  }
0x72: {  	v1 =	vmax.f32 v2, $0.0e+00;
	v0 =	vmax.f32 v0, $0.0e+00  }
0x73: {  	[tilespmem:s12+$0x60] =	vst v1  }
0x74: {  	[tilespmem:s12+$0x70] =	vst v0;
	s12 =	smov.u32 s14  }
0x75: {  	v0 =	vld [tilespmem:s11+$0xFFFFFFC0]  }
0x76: {  	v1 =	vld [tilespmem:s21+$0xFFFFFFC0];
	_ =	sdelay $0x3  }
0x77: {  	v2 =	vand.u32 $0xFFFF0000, v0  }
0x78: {  	v0 =	vshll.u32 v0, $0x10;
	v3 =	vshll.u32 v1, $0x10;
	v1 =	vand.u32 $0xFFFF0000, v1  }
0x79: {  	v0 =	vadd.f32 v3, v0;
	v1 =	vadd.f32 v1, v2;
	_ =	sdelay $0x1  }
0x7a: {  	v0 =	vmax.f32 v0, $0.0e+00;
	v1 =	vmax.f32 v1, $0.0e+00  }
0x7b: {  	[tilespmem:s14+$0xFFFFFF80] =	vst v0  }
0x7c: {  	[tilespmem:s14+$0xFFFFFF90] =	vst v1  }
0x7d: {  	v0 =	vld [tilespmem:s11+$0xFFFFFFD0]  }
0x7e: {  	v1 =	vld [tilespmem:s21+$0xFFFFFFD0];
	_ =	sdelay $0x3  }
0x7f: {  	v2 =	vshll.u32 v0, $0x10;
	v0 =	vand.u32 $0xFFFF0000, v0  }
0x80: {  	v3 =	vshll.u32 v1, $0x10;
	v1 =	vand.u32 $0xFFFF0000, v1  }
0x81: {  	v2 =	vadd.f32 v3, v2;
	v0 =	vadd.f32 v1, v0;
	_ =	sdelay $0x1  }
0x82: {  	v1 =	vmax.f32 v2, $0.0e+00;
	v0 =	vmax.f32 v0, $0.0e+00  }
0x83: {  	[tilespmem:s14+$0xFFFFFFA0] =	vst v1  }
0x84: {  	[tilespmem:s14+$0xFFFFFFB0] =	vst v0  }
0x85: {  	v0 =	vld [tilespmem:s11+$0xFFFFFFE0]  }
0x86: {  	v1 =	vld [tilespmem:s21+$0xFFFFFFE0];
	_ =	sdelay $0x3  }
0x87: {  	v2 =	vshll.u32 v0, $0x10;
	v0 =	vand.u32 $0xFFFF0000, v0  }
0x88: {  	v3 =	vshll.u32 v1, $0x10;
	v1 =	vand.u32 $0xFFFF0000, v1  }
0x89: {  	v2 =	vadd.f32 v3, v2;
	v0 =	vadd.f32 v1, v0;
	_ =	sdelay $0x1  }
0x8a: {  	v1 =	vmax.f32 v2, $0.0e+00;
	v0 =	vmax.f32 v0, $0.0e+00  }
0x8b: {  	[tilespmem:s14+$0xFFFFFFC0] =	vst v1  }
0x8c: {  	[tilespmem:s14+$0xFFFFFFD0] =	vst v0  }
0x8d: {  	v0 =	vld [tilespmem:s11+$0xFFFFFFF0]  }
0x8e: {  	v1 =	vld [tilespmem:s21+$0xFFFFFFF0];
	_ =	sdelay $0x3  }
0x8f: {  	v2 =	vshll.u32 v0, $0x10;
	v0 =	vand.u32 $0xFFFF0000, v0  }
0x90: {  	v3 =	vshll.u32 v1, $0x10;
	v1 =	vand.u32 $0xFFFF0000, v1  }
0x91: {  	v2 =	vadd.f32 v3, v2;
	v0 =	vadd.f32 v1, v0;
	_ =	sdelay $0x1  }
0x92: {  	v1 =	vmax.f32 v2, $0.0e+00;
	v0 =	vmax.f32 v0, $0.0e+00  }
0x93: {  	[tilespmem:s14+$0xFFFFFFE0] =	vst v1  }
0x94: {  	[tilespmem:s14+$0xFFFFFFF0] =	vst v0  }
0x95: {  	v0 =	vld [tilespmem:s11+$0x0]  }
0x96: {  	v1 =	vld [tilespmem:s21+$0x0];
	_ =	sdelay $0x3  }
0x97: {  	v2 =	vshll.u32 v0, $0x10;
	v0 =	vand.u32 $0xFFFF0000, v0  }
0x98: {  	v3 =	vshll.u32 v1, $0x10;
	v1 =	vand.u32 $0xFFFF0000, v1  }
0x99: {  	v2 =	vadd.f32 v3, v2;
	v0 =	vadd.f32 v1, v0;
	_ =	sdelay $0x1  }
0x9a: {  	v1 =	vmax.f32 v2, $0.0e+00;
	v0 =	vmax.f32 v0, $0.0e+00  }
0x9b: {  	[tilespmem:s14+$0x0] =	vst v1  }
0x9c: {  	[tilespmem:s14+$0x10] =	vst v0  }
0x9d: {  	v0 =	vld [tilespmem:s11+$0x10]  }
0x9e: {  	v1 =	vld [tilespmem:s21+$0x10];
	_ =	sdelay $0x3  }
0x9f: {  	v2 =	vshll.u32 v0, $0x10;
	v0 =	vand.u32 $0xFFFF0000, v0  }
0xa0: {  	v3 =	vshll.u32 v1, $0x10;
	v1 =	vand.u32 $0xFFFF0000, v1  }
0xa1: {  	v2 =	vadd.f32 v3, v2;
	v0 =	vadd.f32 v1, v0;
	_ =	sdelay $0x1  }
0xa2: {  	v1 =	vmax.f32 v2, $0.0e+00;
	v0 =	vmax.f32 v0, $0.0e+00  }
0xa3: {  	[tilespmem:s14+$0x20] =	vst v1  }
0xa4: {  	[tilespmem:s14+$0x30] =	vst v0  }
0xa5: {  	v0 =	vld [tilespmem:s11+$0x20]  }
0xa6: {  	v1 =	vld [tilespmem:s21+$0x20];
	_ =	sdelay $0x1  }
.Ltmp0:
0xa7: {  	(pc) =	sbr.rel @p0 .LBB2_3-.Ltmp0, $4  }
0xa8: {  	_ = 	snop  }
0xa9: {  	v2 =	vshll.u32 v0, $0x10;
	v3 =	vand.u32 $0xFFFF0000, v0  }
0xaa: {  	v0 =	vshll.u32 v1, $0x10;
	v1 =	vand.u32 $0xFFFF0000, v1  }
0xab: {  	s14 =	sadd.s32 $0x100, s14;
	v0 =	vadd.f32 v0, v2;
	v1 =	vadd.f32 v1, v3  }
0xac: {  	_ = 	snop  }
0xad: {  	v0 =	vmax.f32 v0, $0.0e+00  }
0xae: {  	v1 =	vmax.f32 v1, $0.0e+00;
	[tilespmem:s12+$0x40] =	vst v0  }
0xaf: {  	[tilespmem:s12+$0x50] =	vst v1  }
0xb0: {  	v0 =	vld [tilespmem:s24+$0x30]  }
0xb1: {  	v1 =	vld [tilespmem:s25+$0x30];
	_ =	sdelay $0x4  }
0xb2: {  	v2 =	vshll.u32 v0, $0x10;
	v3 =	vshll.u32 v1, $0x10  }
0xb3: {  	s11 =	smul.u32 $0x180, s8;
	v0 =	vand.u32 $0xFFFF0000, v0;
	v1 =	vand.u32 $0xFFFF0000, v1;
	v2 =	vadd.f32 v3, v2  }
0xb4: {  	v0 =	vadd.f32 v1, v0  }
0xb5: {  	s14 =	sadd.s32 s4, s11;
	v1 =	vmax.f32 v2, $0.0e+00  }
0xb6: {  	s14 =	sshll.u32 s14, $0x4;
	v0 =	vmax.f32 v0, $0.0e+00;
	[tilespmem:s12+$0x60] =	vst v1  }
0xb7: {  	s25 =	sadd.s32 s2, s14;
	[tilespmem:s12+$0x70] =	vst v0  }
0xb8: {  	[hbm4b:s25+s3] =	stream.linear.scatter [tilespmem:s31], [sflag:$0x7], $0x4000, $0x38;
	[tilespmem:$0x1DE20] =	vst v63  }
0xb9: {  	_ =	swait.ge [sflag:s0], $0x2000  }
0xba: {  	[sflag:s0] =	ssyncset.done $0x0  }
0xbb: {  	[sflag:s0] =	ssyncadd.s32 $0xFFFFE000  }
0xbc: {  	p0 =	seq.s32 s8, $0x19;
	_ =	swait.ge [sflag:s1], $0x2000  }
0xbd: {  	s15 =	simm.s32 @!p0 $0x4E20;
	p1 =	seq.s32 @!p0 s8, $0x0;
	[sflag:s1] =	ssyncset.done $0x0  }
0xbe: {  	s14 =	simm.s32 @!p0 $0x80;
	s12 =	sadd.s32 @!p0 $0x180, s11;
	[sflag:s1] =	ssyncadd.s32 $0xFFFFE000  }
0xbf: {  	[tilespmem:s15], [sflag:$0x1] =	stream.indirect.gather @!p0 [hbm4b:s5+s14], $0x40, s12, s14, $0xb8;
	[tilespmem:$0x1DE20] =	vst v63  }
0xc0: {  	p1 =	por p0, !p1;
	s12 =	sadd.s32 @!p0 $0x2890, s11;
	s15 =	simm.s32 @!p0 $0xAE20  }
0xc1: {  	[tilespmem:s15], [sflag:$0x4] =	stream.indirect.gather @!p0 [hbm4b:s7+s14], $0x40, s12, s14, $0xb8;
	[tilespmem:$0x1DE20] =	vst v63  }
0xc2: {  	_ =	swait.ge @p1 [sflag:s23], $0x4000  }
0xc3: {  	[sflag:s23] =	ssyncset.done @p1 $0x0  }
0xc4: {  	s12 =	simm.s32 $0x6E90;
	[sflag:s23] =	ssyncadd.s32 @p1 $0xFFFFC000  }
0xc5: {  	s21 =	simm.s32 $0xCE90;
	v0 =	vld [tilespmem:s12+$0xFFFFFF90]  }
0xc6: {  	v1 =	vld [tilespmem:s21+$0xFFFFFF90];
	_ =	sdelay $0x4  }
0xc7: {  	v2 =	vshll.u32 v0, $0x10;
	v3 =	vshll.u32 v1, $0x10  }
0xc8: {  	v0 =	vand.u32 $0xFFFF0000, v0;
	v1 =	vand.u32 $0xFFFF0000, v1;
	v2 =	vadd.f32 v3, v2  }
0xc9: {  	v0 =	vadd.f32 v1, v0  }
0xca: {  	s22 =	simm.s32 $0x14F10;
	v1 =	vmax.f32 v2, $0.0e+00  }
0xcb: {  	v0 =	vmax.f32 v0, $0.0e+00;
	[tilespmem:s22+$0xFFFFFF10] =	vst v1  }
0xcc: {  	[tilespmem:s22+$0xFFFFFF20] =	vst v0  }
0xcd: {  	v0 =	vld [tilespmem:s12+$0xFFFFFFA0]  }
0xce: {  	v1 =	vld [tilespmem:s21+$0xFFFFFFA0];
	_ =	sdelay $0x4  }
0xcf: {  	v2 =	vshll.u32 v0, $0x10;
	v3 =	vshll.u32 v1, $0x10  }
0xd0: {  	v0 =	vand.u32 $0xFFFF0000, v0;
	v1 =	vand.u32 $0xFFFF0000, v1;
	v2 =	vadd.f32 v3, v2  }
0xd1: {  	v0 =	vadd.f32 v1, v0  }
0xd2: {  	v1 =	vmax.f32 v2, $0.0e+00  }
0xd3: {  	v0 =	vmax.f32 v0, $0.0e+00;
	[tilespmem:s22+$0xFFFFFF30] =	vst v1  }
0xd4: {  	[tilespmem:s22+$0xFFFFFF40] =	vst v0  }
0xd5: {  	v0 =	vld [tilespmem:s12+$0xFFFFFFB0]  }
0xd6: {  	v1 =	vld [tilespmem:s21+$0xFFFFFFB0];
	_ =	sdelay $0x4  }
0xd7: {  	v2 =	vshll.u32 v0, $0x10;
	v3 =	vshll.u32 v1, $0x10  }
0xd8: {  	v0 =	vand.u32 $0xFFFF0000, v0;
	v1 =	vand.u32 $0xFFFF0000, v1;
	v2 =	vadd.f32 v3, v2  }
0xd9: {  	v0 =	vadd.f32 v1, v0  }
0xda: {  	v1 =	vmax.f32 v2, $0.0e+00  }
0xdb: {  	v0 =	vmax.f32 v0, $0.0e+00;
	[tilespmem:s22+$0xFFFFFF50] =	vst v1  }
0xdc: {  	[tilespmem:s22+$0xFFFFFF60] =	vst v0  }
0xdd: {  	v0 =	vld [tilespmem:s12+$0xFFFFFFC0]  }
0xde: {  	v1 =	vld [tilespmem:s21+$0xFFFFFFC0];
	_ =	sdelay $0x4  }
0xdf: {  	v2 =	vshll.u32 v0, $0x10;
	v3 =	vshll.u32 v1, $0x10  }
0xe0: {  	v0 =	vand.u32 $0xFFFF0000, v0;
	v1 =	vand.u32 $0xFFFF0000, v1;
	v2 =	vadd.f32 v3, v2  }
0xe1: {  	v0 =	vadd.f32 v1, v0  }
0xe2: {  	v1 =	vmax.f32 v2, $0.0e+00  }
0xe3: {  	v0 =	vmax.f32 v0, $0.0e+00;
	[tilespmem:s22+$0xFFFFFF70] =	vst v1  }
0xe4: {  	[tilespmem:s22+$0xFFFFFF80] =	vst v0  }
0xe5: {  	v0 =	vld [tilespmem:s12+$0xFFFFFFD0]  }
0xe6: {  	v1 =	vld [tilespmem:s21+$0xFFFFFFD0];
	_ =	sdelay $0x4  }
0xe7: {  	v2 =	vshll.u32 v0, $0x10;
	v3 =	vshll.u32 v1, $0x10  }
0xe8: {  	v0 =	vand.u32 $0xFFFF0000, v0;
	v1 =	vand.u32 $0xFFFF0000, v1;
	v2 =	vadd.f32 v3, v2  }
0xe9: {  	v0 =	vadd.f32 v1, v0  }
0xea: {  	v1 =	vmax.f32 v2, $0.0e+00  }
0xeb: {  	v0 =	vmax.f32 v0, $0.0e+00;
	[tilespmem:s22+$0xFFFFFF90] =	vst v1  }
0xec: {  	[tilespmem:s22+$0xFFFFFFA0] =	vst v0  }
0xed: {  	v0 =	vld [tilespmem:s12+$0xFFFFFFE0]  }
0xee: {  	v1 =	vld [tilespmem:s21+$0xFFFFFFE0];
	_ =	sdelay $0x4  }
0xef: {  	v2 =	vshll.u32 v0, $0x10;
	v3 =	vshll.u32 v1, $0x10  }
0xf0: {  	v0 =	vand.u32 $0xFFFF0000, v0;
	v1 =	vand.u32 $0xFFFF0000, v1;
	v2 =	vadd.f32 v3, v2  }
0xf1: {  	v0 =	vadd.f32 v1, v0  }
0xf2: {  	v1 =	vmax.f32 v2, $0.0e+00  }
0xf3: {  	v0 =	vmax.f32 v0, $0.0e+00;
	[tilespmem:s22+$0xFFFFFFB0] =	vst v1  }
0xf4: {  	[tilespmem:s22+$0xFFFFFFC0] =	vst v0  }
0xf5: {  	v0 =	vld [tilespmem:s12+$0xFFFFFFF0]  }
0xf6: {  	v1 =	vld [tilespmem:s21+$0xFFFFFFF0];
	_ =	sdelay $0x3  }
0xf7: {  	v2 =	vshll.u32 v0, $0x10  }
0xf8: {  	s24 =	simm.s32 $0x14F10;
	v3 =	vand.u32 $0xFFFF0000, v0;
	v0 =	vshll.u32 v1, $0x10;
	v1 =	vand.u32 $0xFFFF0000, v1  }
0xf9: {  	s25 =	simm.s32 $0x0;
	s15 =	simm.s32 $0x6F10;
	s14 =	simm.s32 $0xCE90;
	v0 =	vadd.f32 v0, v2;
	v1 =	vadd.f32 v1, v3  }
.LBB2_5:
0xfa: {  	s25 =	sadd.s32 $0x2, s25;
	s22 =	sadd.s32 $0x100, s22;
	s21 =	sadd.s32 $0x80, s21  }
0xfb: {  	p2 =	slt.u32 s25, $0x7E;
	v0 =	vmax.f32 v0, $0.0e+00;
	v1 =	vmax.f32 v1, $0.0e+00  }
0xfc: {  	[tilespmem:s24+$0xFFFFFFD0] =	vst v0  }
0xfd: {  	[tilespmem:s24+$0xFFFFFFE0] =	vst v1  }
0xfe: {  	v0 =	vld [tilespmem:s12+$0x0];
	s12 =	smov.u32 s15  }
0xff: {  	v1 =	vld [tilespmem:s14+$0x0];
	s14 =	smov.u32 s21;
	_ =	sdelay $0x3  }
0x100: {  	v2 =	vshll.u32 v0, $0x10;
	v0 =	vand.u32 $0xFFFF0000, v0  }
0x101: {  	v3 =	vshll.u32 v1, $0x10;
	v1 =	vand.u32 $0xFFFF0000, v1  }
0x102: {  	v2 =	vadd.f32 v3, v2;
	v0 =	vadd.f32 v1, v0;
	_ =	sdelay $0x1  }
0x103: {  	v1 =	vmax.f32 v2, $0.0e+00;
	v0 =	vmax.f32 v0, $0.0e+00  }
0x104: {  	[tilespmem:s24+$0xFFFFFFF0] =	vst v1  }
0x105: {  	[tilespmem:s24+$0x0] =	vst v0;
	s24 =	smov.u32 s22  }
0x106: {  	v0 =	vld [tilespmem:s15+$0xFFFFFF90]  }
0x107: {  	v1 =	vld [tilespmem:s21+$0xFFFFFF90];
	_ =	sdelay $0x3  }
0x108: {  	v2 =	vand.u32 $0xFFFF0000, v0  }
0x109: {  	v0 =	vshll.u32 v0, $0x10;
	v3 =	vshll.u32 v1, $0x10;
	v1 =	vand.u32 $0xFFFF0000, v1  }
0x10a: {  	v0 =	vadd.f32 v3, v0;
	v1 =	vadd.f32 v1, v2;
	_ =	sdelay $0x1  }
0x10b: {  	v0 =	vmax.f32 v0, $0.0e+00;
	v1 =	vmax.f32 v1, $0.0e+00  }
0x10c: {  	[tilespmem:s22+$0xFFFFFF10] =	vst v0  }
0x10d: {  	[tilespmem:s22+$0xFFFFFF20] =	vst v1  }
0x10e: {  	v0 =	vld [tilespmem:s15+$0xFFFFFFA0]  }
0x10f: {  	v1 =	vld [tilespmem:s21+$0xFFFFFFA0];
	_ =	sdelay $0x3  }
0x110: {  	v2 =	vshll.u32 v0, $0x10;
	v0 =	vand.u32 $0xFFFF0000, v0  }
0x111: {  	v3 =	vshll.u32 v1, $0x10;
	v1 =	vand.u32 $0xFFFF0000, v1  }
0x112: {  	v2 =	vadd.f32 v3, v2;
	v0 =	vadd.f32 v1, v0;
	_ =	sdelay $0x1  }
0x113: {  	v1 =	vmax.f32 v2, $0.0e+00;
	v0 =	vmax.f32 v0, $0.0e+00  }
0x114: {  	[tilespmem:s22+$0xFFFFFF30] =	vst v1  }
0x115: {  	[tilespmem:s22+$0xFFFFFF40] =	vst v0  }
0x116: {  	v0 =	vld [tilespmem:s15+$0xFFFFFFB0]  }
0x117: {  	v1 =	vld [tilespmem:s21+$0xFFFFFFB0];
	_ =	sdelay $0x3  }
0x118: {  	v2 =	vshll.u32 v0, $0x10;
	v0 =	vand.u32 $0xFFFF0000, v0  }
0x119: {  	v3 =	vshll.u32 v1, $0x10;
	v1 =	vand.u32 $0xFFFF0000, v1  }
0x11a: {  	v2 =	vadd.f32 v3, v2;
	v0 =	vadd.f32 v1, v0;
	_ =	sdelay $0x1  }
0x11b: {  	v1 =	vmax.f32 v2, $0.0e+00;
	v0 =	vmax.f32 v0, $0.0e+00  }
0x11c: {  	[tilespmem:s22+$0xFFFFFF50] =	vst v1  }
0x11d: {  	[tilespmem:s22+$0xFFFFFF60] =	vst v0  }
0x11e: {  	v0 =	vld [tilespmem:s15+$0xFFFFFFC0]  }
0x11f: {  	v1 =	vld [tilespmem:s21+$0xFFFFFFC0];
	_ =	sdelay $0x3  }
0x120: {  	v2 =	vshll.u32 v0, $0x10;
	v0 =	vand.u32 $0xFFFF0000, v0  }
0x121: {  	v3 =	vshll.u32 v1, $0x10;
	v1 =	vand.u32 $0xFFFF0000, v1  }
0x122: {  	v2 =	vadd.f32 v3, v2;
	v0 =	vadd.f32 v1, v0;
	_ =	sdelay $0x1  }
0x123: {  	v1 =	vmax.f32 v2, $0.0e+00;
	v0 =	vmax.f32 v0, $0.0e+00  }
0x124: {  	[tilespmem:s22+$0xFFFFFF70] =	vst v1  }
0x125: {  	[tilespmem:s22+$0xFFFFFF80] =	vst v0  }
0x126: {  	v0 =	vld [tilespmem:s15+$0xFFFFFFD0]  }
0x127: {  	v1 =	vld [tilespmem:s21+$0xFFFFFFD0];
	_ =	sdelay $0x3  }
0x128: {  	v2 =	vshll.u32 v0, $0x10;
	v0 =	vand.u32 $0xFFFF0000, v0  }
0x129: {  	v3 =	vshll.u32 v1, $0x10;
	v1 =	vand.u32 $0xFFFF0000, v1  }
0x12a: {  	v2 =	vadd.f32 v3, v2;
	v0 =	vadd.f32 v1, v0;
	_ =	sdelay $0x1  }
0x12b: {  	v1 =	vmax.f32 v2, $0.0e+00;
	v0 =	vmax.f32 v0, $0.0e+00  }
0x12c: {  	[tilespmem:s22+$0xFFFFFF90] =	vst v1  }
0x12d: {  	[tilespmem:s22+$0xFFFFFFA0] =	vst v0  }
0x12e: {  	v0 =	vld [tilespmem:s15+$0xFFFFFFE0]  }
0x12f: {  	v1 =	vld [tilespmem:s21+$0xFFFFFFE0];
	_ =	sdelay $0x3  }
0x130: {  	v2 =	vshll.u32 v0, $0x10;
	v0 =	vand.u32 $0xFFFF0000, v0  }
0x131: {  	v3 =	vshll.u32 v1, $0x10;
	v1 =	vand.u32 $0xFFFF0000, v1  }
0x132: {  	v2 =	vadd.f32 v3, v2;
	v0 =	vadd.f32 v1, v0;
	_ =	sdelay $0x1  }
0x133: {  	v1 =	vmax.f32 v2, $0.0e+00;
	v0 =	vmax.f32 v0, $0.0e+00  }
0x134: {  	[tilespmem:s22+$0xFFFFFFB0] =	vst v1  }
0x135: {  	[tilespmem:s22+$0xFFFFFFC0] =	vst v0  }
0x136: {  	v0 =	vld [tilespmem:s15+$0xFFFFFFF0]  }
0x137: {  	v1 =	vld [tilespmem:s21+$0xFFFFFFF0];
	_ =	sdelay $0x1  }
.Ltmp1:
0x138: {  	(pc) =	sbr.rel @p2 .LBB2_5-.Ltmp1, $4  }
0x139: {  	_ = 	snop  }
0x13a: {  	v2 =	vshll.u32 v0, $0x10;
	v3 =	vand.u32 $0xFFFF0000, v0  }
0x13b: {  	v0 =	vshll.u32 v1, $0x10;
	v1 =	vand.u32 $0xFFFF0000, v1  }
0x13c: {  	s15 =	sadd.s32 $0x80, s15;
	v0 =	vadd.f32 v0, v2;
	v1 =	vadd.f32 v1, v3  }
0x13d: {  	_ = 	snop  }
0x13e: {  	v0 =	vmax.f32 v0, $0.0e+00  }
0x13f: {  	v1 =	vmax.f32 v1, $0.0e+00;
	[tilespmem:s24+$0xFFFFFFD0] =	vst v0  }
0x140: {  	[tilespmem:s24+$0xFFFFFFE0] =	vst v1  }
0x141: {  	v0 =	vld [tilespmem:s12+$0x0]  }
0x142: {  	v1 =	vld [tilespmem:s14+$0x0];
	_ =	sdelay $0x4  }
0x143: {  	v2 =	vshll.u32 v0, $0x10;
	v3 =	vshll.u32 v1, $0x10  }
0x144: {  	s25 =	smul.u32 $0xC000, s8;
	v0 =	vand.u32 $0xFFFF0000, v0;
	v1 =	vand.u32 $0xFFFF0000, v1;
	v2 =	vadd.f32 v3, v2  }
0x145: {  	v0 =	vadd.f32 v1, v0  }
0x146: {  	s12 =	sadd.s32 s25, s10;
	v1 =	vmax.f32 v2, $0.0e+00  }
0x147: {  	s12 =	sshrl.u32 s12, $0x3;
	v0 =	vmax.f32 v0, $0.0e+00;
	[tilespmem:s24+$0xFFFFFFF0] =	vst v1  }
0x148: {  	s12 =	sadd.s32 s2, s12;
	[tilespmem:s24+$0x0] =	vst v0  }
0x149: {  	[hbm4b:s12+s3] =	stream.linear.scatter [tilespmem:s16], [sflag:$0x8], $0x4000, $0x38;
	[tilespmem:$0x1DE20] =	vst v63  }
0x14a: {  	_ =	swait.ge [sflag:s17], $0x2000  }
0x14b: {  	[sflag:s17] =	ssyncset.done $0x0  }
0x14c: {  	[sflag:s17] =	ssyncadd.s32 $0xFFFFE000  }
0x14d: {  	_ =	swait.ge [sflag:s18], $0x2000  }
0x14e: {  	s15 =	simm.s32 @!p0 $0x6E20;
	[sflag:s18] =	ssyncset.done $0x0  }
0x14f: {  	s14 =	simm.s32 @!p0 $0x80;
	s12 =	sadd.s32 @!p0 $0x200, s11;
	[sflag:s18] =	ssyncadd.s32 $0xFFFFE000  }
0x150: {  	[tilespmem:s15], [sflag:$0x2] =	stream.indirect.gather @!p0 [hbm4b:s5+s14], $0x40, s12, s14, $0xb8;
	[tilespmem:$0x1DE20] =	vst v63  }
0x151: {  	s11 =	sadd.s32 @!p0 $0x2910, s11;
	s12 =	simm.s32 @!p0 $0xCE20  }
0x152: {  	[tilespmem:s12], [sflag:$0x5] =	stream.indirect.gather @!p0 [hbm4b:s7+s14], $0x40, s11, s14, $0xb8;
	[tilespmem:$0x1DE20] =	vst v63  }
0x153: {  	_ =	swait.ge @p1 [sflag:s13], $0x4000  }
0x154: {  	[sflag:s13] =	ssyncset.done @p1 $0x0  }
0x155: {  	s12 =	simm.s32 $0x0;
	[sflag:s13] =	ssyncadd.s32 @p1 $0xFFFFC000  }
0x156: {  	v0 =	vld [tilespmem:s12+$0x8E20]  }
0x157: {  	v1 =	vld [tilespmem:s12+$0xEE20];
	_ =	sdelay $0x4  }
0x158: {  	v2 =	vshll.u32 v0, $0x10;
	v3 =	vshll.u32 v1, $0x10  }
0x159: {  	v0 =	vand.u32 $0xFFFF0000, v0;
	v1 =	vand.u32 $0xFFFF0000, v1;
	v2 =	vadd.f32 v3, v2  }
0x15a: {  	v0 =	vadd.f32 v1, v0  }
0x15b: {  	s11 =	simm.s32 $0x18F10;
	v1 =	vmax.f32 v2, $0.0e+00  }
0x15c: {  	v0 =	vmax.f32 v0, $0.0e+00;
	[tilespmem:s11+$0xFFFFFF10] =	vst v1  }
0x15d: {  	[tilespmem:s11+$0xFFFFFF20] =	vst v0  }
0x15e: {  	v0 =	vld [tilespmem:s12+$0x8E30]  }
0x15f: {  	v1 =	vld [tilespmem:s12+$0xEE30];
	_ =	sdelay $0x4  }
0x160: {  	v2 =	vshll.u32 v0, $0x10;
	v3 =	vshll.u32 v1, $0x10  }
0x161: {  	v0 =	vand.u32 $0xFFFF0000, v0;
	v1 =	vand.u32 $0xFFFF0000, v1;
	v2 =	vadd.f32 v3, v2  }
0x162: {  	v0 =	vadd.f32 v1, v0  }
0x163: {  	v1 =	vmax.f32 v2, $0.0e+00  }
0x164: {  	v0 =	vmax.f32 v0, $0.0e+00;
	[tilespmem:s11+$0xFFFFFF30] =	vst v1  }
0x165: {  	[tilespmem:s11+$0xFFFFFF40] =	vst v0  }
0x166: {  	v0 =	vld [tilespmem:s12+$0x8E40]  }
0x167: {  	v1 =	vld [tilespmem:s12+$0xEE40];
	_ =	sdelay $0x4  }
0x168: {  	v2 =	vshll.u32 v0, $0x10;
	v3 =	vshll.u32 v1, $0x10  }
0x169: {  	v0 =	vand.u32 $0xFFFF0000, v0;
	v1 =	vand.u32 $0xFFFF0000, v1;
	v2 =	vadd.f32 v3, v2  }
0x16a: {  	v0 =	vadd.f32 v1, v0  }
0x16b: {  	v1 =	vmax.f32 v2, $0.0e+00  }
0x16c: {  	v0 =	vmax.f32 v0, $0.0e+00;
	[tilespmem:s11+$0xFFFFFF50] =	vst v1  }
0x16d: {  	[tilespmem:s11+$0xFFFFFF60] =	vst v0  }
0x16e: {  	v0 =	vld [tilespmem:s12+$0x8E50]  }
0x16f: {  	v1 =	vld [tilespmem:s12+$0xEE50];
	_ =	sdelay $0x4  }
0x170: {  	v2 =	vshll.u32 v0, $0x10;
	v3 =	vshll.u32 v1, $0x10  }
0x171: {  	v0 =	vand.u32 $0xFFFF0000, v0;
	v1 =	vand.u32 $0xFFFF0000, v1;
	v2 =	vadd.f32 v3, v2  }
0x172: {  	v0 =	vadd.f32 v1, v0  }
0x173: {  	v1 =	vmax.f32 v2, $0.0e+00  }
0x174: {  	v0 =	vmax.f32 v0, $0.0e+00;
	[tilespmem:s11+$0xFFFFFF70] =	vst v1  }
0x175: {  	[tilespmem:s11+$0xFFFFFF80] =	vst v0  }
0x176: {  	v0 =	vld [tilespmem:s12+$0x8E60]  }
0x177: {  	v1 =	vld [tilespmem:s12+$0xEE60];
	_ =	sdelay $0x4  }
0x178: {  	v2 =	vshll.u32 v0, $0x10;
	v3 =	vshll.u32 v1, $0x10  }
0x179: {  	v0 =	vand.u32 $0xFFFF0000, v0;
	v1 =	vand.u32 $0xFFFF0000, v1;
	v2 =	vadd.f32 v3, v2  }
0x17a: {  	v0 =	vadd.f32 v1, v0  }
0x17b: {  	v1 =	vmax.f32 v2, $0.0e+00  }
0x17c: {  	v0 =	vmax.f32 v0, $0.0e+00;
	[tilespmem:s11+$0xFFFFFF90] =	vst v1  }
0x17d: {  	[tilespmem:s11+$0xFFFFFFA0] =	vst v0  }
0x17e: {  	v0 =	vld [tilespmem:s12+$0x8E70]  }
0x17f: {  	v1 =	vld [tilespmem:s12+$0xEE70];
	_ =	sdelay $0x4  }
0x180: {  	v2 =	vshll.u32 v0, $0x10;
	v3 =	vshll.u32 v1, $0x10  }
0x181: {  	v0 =	vand.u32 $0xFFFF0000, v0;
	v1 =	vand.u32 $0xFFFF0000, v1;
	v2 =	vadd.f32 v3, v2  }
0x182: {  	v0 =	vadd.f32 v1, v0  }
0x183: {  	v1 =	vmax.f32 v2, $0.0e+00  }
0x184: {  	v0 =	vmax.f32 v0, $0.0e+00;
	[tilespmem:s11+$0xFFFFFFB0] =	vst v1  }
0x185: {  	[tilespmem:s11+$0xFFFFFFC0] =	vst v0  }
0x186: {  	v1 =	vld [tilespmem:s12+$0x8E80]  }
0x187: {  	v3 =	vld [tilespmem:s12+$0xEE80];
	_ =	sdelay $0x3  }
0x188: {  	v0 =	vshll.u32 v1, $0x10  }
0x189: {  	s21 =	simm.s32 $0x18F10;
	s15 =	simm.s32 $0x0;
	s14 =	simm.s32 $0x0;
	v1 =	vand.u32 $0xFFFF0000, v1;
	v2 =	vshll.u32 v3, $0x10;
	v3 =	vand.u32 $0xFFFF0000, v3  }
.LBB2_7:
0x18a: {  	s15 =	sadd.s32 $0x2, s15;
	v0 =	vadd.f32 v2, v0;
	v1 =	vadd.f32 v3, v1;
	s11 =	sadd.s32 $0x100, s11;
	s14 =	sadd.s32 $0x200, s14  }
0x18b: {  	p0 =	slt.u32 s15, $0x7E  }
0x18c: {  	v0 =	vmax.f32 v0, $0.0e+00;
	v1 =	vmax.f32 v1, $0.0e+00  }
0x18d: {  	[tilespmem:s21+$0xFFFFFFD0] =	vst v0  }
0x18e: {  	[tilespmem:s21+$0xFFFFFFE0] =	vst v1  }
0x18f: {  	v0 =	vld [tilespmem:s12+$0x8E90]  }
0x190: {  	v1 =	vld [tilespmem:s12+$0xEE90];
	_ =	sdelay $0x3  }
0x191: {  	v2 =	vshll.u32 v0, $0x10;
	v0 =	vand.u32 $0xFFFF0000, v0  }
0x192: {  	v3 =	vshll.u32 v1, $0x10;
	v1 =	vand.u32 $0xFFFF0000, v1  }
0x193: {  	v2 =	vadd.f32 v3, v2;
	v0 =	vadd.f32 v1, v0;
	_ =	sdelay $0x1  }
0x194: {  	v1 =	vmax.f32 v2, $0.0e+00;
	v0 =	vmax.f32 v0, $0.0e+00  }
0x195: {  	[tilespmem:s21+$0xFFFFFFF0] =	vst v1  }
0x196: {  	s12 =	sshra.s32 s14, $0x2;
	[tilespmem:s21+$0x0] =	vst v0;
	s21 =	smov.u32 s11  }
0x197: {  	v0 =	vld [tilespmem:s12+$0x8E20]  }
0x198: {  	v1 =	vld [tilespmem:s12+$0xEE20];
	_ =	sdelay $0x3  }
0x199: {  	v2 =	vshll.u32 v0, $0x10;
	v0 =	vand.u32 $0xFFFF0000, v0  }
0x19a: {  	v3 =	vshll.u32 v1, $0x10;
	v1 =	vand.u32 $0xFFFF0000, v1  }
0x19b: {  	v2 =	vadd.f32 v3, v2;
	v0 =	vadd.f32 v1, v0;
	_ =	sdelay $0x1  }
0x19c: {  	v1 =	vmax.f32 v2, $0.0e+00;
	v0 =	vmax.f32 v0, $0.0e+00  }
0x19d: {  	[tilespmem:s11+$0xFFFFFF10] =	vst v1  }
0x19e: {  	[tilespmem:s11+$0xFFFFFF20] =	vst v0  }
0x19f: {  	v0 =	vld [tilespmem:s12+$0x8E30]  }
0x1a0: {  	v1 =	vld [tilespmem:s12+$0xEE30];
	_ =	sdelay $0x3  }
0x1a1: {  	v2 =	vshll.u32 v0, $0x10;
	v0 =	vand.u32 $0xFFFF0000, v0  }
0x1a2: {  	v3 =	vshll.u32 v1, $0x10;
	v1 =	vand.u32 $0xFFFF0000, v1  }
0x1a3: {  	v2 =	vadd.f32 v3, v2;
	v0 =	vadd.f32 v1, v0;
	_ =	sdelay $0x1  }
0x1a4: {  	v1 =	vmax.f32 v2, $0.0e+00;
	v0 =	vmax.f32 v0, $0.0e+00  }
0x1a5: {  	[tilespmem:s11+$0xFFFFFF30] =	vst v1  }
0x1a6: {  	[tilespmem:s11+$0xFFFFFF40] =	vst v0  }
0x1a7: {  	v0 =	vld [tilespmem:s12+$0x8E40]  }
0x1a8: {  	v1 =	vld [tilespmem:s12+$0xEE40];
	_ =	sdelay $0x3  }
0x1a9: {  	v2 =	vshll.u32 v0, $0x10;
	v0 =	vand.u32 $0xFFFF0000, v0  }
0x1aa: {  	v3 =	vshll.u32 v1, $0x10;
	v1 =	vand.u32 $0xFFFF0000, v1  }
0x1ab: {  	v2 =	vadd.f32 v3, v2;
	v0 =	vadd.f32 v1, v0;
	_ =	sdelay $0x1  }
0x1ac: {  	v1 =	vmax.f32 v2, $0.0e+00;
	v0 =	vmax.f32 v0, $0.0e+00  }
0x1ad: {  	[tilespmem:s11+$0xFFFFFF50] =	vst v1  }
0x1ae: {  	[tilespmem:s11+$0xFFFFFF60] =	vst v0  }
0x1af: {  	v0 =	vld [tilespmem:s12+$0x8E50]  }
0x1b0: {  	v1 =	vld [tilespmem:s12+$0xEE50];
	_ =	sdelay $0x3  }
0x1b1: {  	v2 =	vshll.u32 v0, $0x10;
	v0 =	vand.u32 $0xFFFF0000, v0  }
0x1b2: {  	v3 =	vshll.u32 v1, $0x10;
	v1 =	vand.u32 $0xFFFF0000, v1  }
0x1b3: {  	v2 =	vadd.f32 v3, v2;
	v0 =	vadd.f32 v1, v0;
	_ =	sdelay $0x1  }
0x1b4: {  	v1 =	vmax.f32 v2, $0.0e+00;
	v0 =	vmax.f32 v0, $0.0e+00  }
0x1b5: {  	[tilespmem:s11+$0xFFFFFF70] =	vst v1  }
0x1b6: {  	[tilespmem:s11+$0xFFFFFF80] =	vst v0  }
0x1b7: {  	v0 =	vld [tilespmem:s12+$0x8E60]  }
0x1b8: {  	v1 =	vld [tilespmem:s12+$0xEE60];
	_ =	sdelay $0x3  }
0x1b9: {  	v2 =	vshll.u32 v0, $0x10;
	v0 =	vand.u32 $0xFFFF0000, v0  }
0x1ba: {  	v3 =	vshll.u32 v1, $0x10;
	v1 =	vand.u32 $0xFFFF0000, v1  }
0x1bb: {  	v2 =	vadd.f32 v3, v2;
	v0 =	vadd.f32 v1, v0;
	_ =	sdelay $0x1  }
0x1bc: {  	v1 =	vmax.f32 v2, $0.0e+00;
	v0 =	vmax.f32 v0, $0.0e+00  }
0x1bd: {  	[tilespmem:s11+$0xFFFFFF90] =	vst v1  }
0x1be: {  	[tilespmem:s11+$0xFFFFFFA0] =	vst v0  }
0x1bf: {  	v0 =	vld [tilespmem:s12+$0x8E70]  }
0x1c0: {  	v1 =	vld [tilespmem:s12+$0xEE70];
	_ =	sdelay $0x3  }
0x1c1: {  	v2 =	vshll.u32 v0, $0x10;
	v0 =	vand.u32 $0xFFFF0000, v0  }
0x1c2: {  	v3 =	vshll.u32 v1, $0x10;
	v1 =	vand.u32 $0xFFFF0000, v1  }
0x1c3: {  	v2 =	vadd.f32 v3, v2;
	v0 =	vadd.f32 v1, v0;
	_ =	sdelay $0x1  }
0x1c4: {  	v1 =	vmax.f32 v2, $0.0e+00;
	v0 =	vmax.f32 v0, $0.0e+00  }
0x1c5: {  	[tilespmem:s11+$0xFFFFFFB0] =	vst v1  }
0x1c6: {  	[tilespmem:s11+$0xFFFFFFC0] =	vst v0  }
0x1c7: {  	v1 =	vld [tilespmem:s12+$0x8E80]  }
0x1c8: {  	v3 =	vld [tilespmem:s12+$0xEE80]  }
.Ltmp2:
0x1c9: {  	(pc) =	sbr.rel @p0 .LBB2_7-.Ltmp2, $3  }
0x1ca: {  	_ =	sdelay $0x1  }
0x1cb: {  	v0 =	vshll.u32 v1, $0x10;
	v1 =	vand.u32 $0xFFFF0000, v1  }
0x1cc: {  	v2 =	vshll.u32 v3, $0x10;
	v3 =	vand.u32 $0xFFFF0000, v3  }
0x1cd: {  	v0 =	vadd.f32 v2, v0  }
0x1ce: {  	v1 =	vadd.f32 v3, v1  }
0x1cf: {  	v0 =	vmax.f32 v0, $0.0e+00  }
0x1d0: {  	v1 =	vmax.f32 v1, $0.0e+00;
	[tilespmem:s21+$0xFFFFFFD0] =	vst v0  }
0x1d1: {  	[tilespmem:s21+$0xFFFFFFE0] =	vst v1  }
0x1d2: {  	v0 =	vld [tilespmem:s12+$0x8E90]  }
0x1d3: {  	v1 =	vld [tilespmem:s12+$0xEE90];
	_ =	sdelay $0x4  }
0x1d4: {  	s8 =	sadd.s32 $0x1, s8;
	v61 =	vshll.u32 v0, $0x10;
	v62 =	vshll.u32 v1, $0x10  }
0x1d5: {  	p0 =	sne.s32 s8, $0x1A;
	v0 =	vand.u32 $0xFFFF0000, v0;
	v1 =	vand.u32 $0xFFFF0000, v1;
	v2 =	vadd.f32 v62, v61  }
.Ltmp3:
0x1d6: {  	s9 =	sshll.u32 s9, $0xE;
	v0 =	vadd.f32 v1, v0;
	(pc) =	sbr.rel @p0 .LBB2_2-.Ltmp3, $4  }
0x1d7: {  	s9 =	sadd.s32 s6, s9;
	v63 =	vmax.f32 v2, $0.0e+00  }
0x1d8: {  	s9 =	sshrl.u32 s9, $0x3;
	v0 =	vmax.f32 v0, $0.0e+00;
	[tilespmem:s21+$0xFFFFFFF0] =	vst v63  }
0x1d9: {  	s9 =	sadd.s32 s2, s9;
	[tilespmem:s21+$0x0] =	vst v0  }
0x1da: {  	[hbm4b:s9+s3] =	stream.linear.scatter [tilespmem:s19], [sflag:$0x9], $0x4000, $0x38;
	[tilespmem:$0x1DE20] =	vst v63  }
0x1db: {  	s8 =	simm.s32 $0xB  }
0x1dc: {  	_ =	swait.ge [sflag:s8], $0x400  }
0x1dd: {  	[sflag:s8] =	ssyncset.done $0x0  }
0x1de: {  	s25 =	simm.s32 $0xC;
	[sflag:s8] =	ssyncadd.s32 $0xFFFFFC00  }
0x1df: {  	_ =	swait.ge [sflag:s25], $0x400  }
0x1e0: {  	[sflag:s25] =	ssyncset.done $0x0  }
0x1e1: {  	s9 =	simm.s32 $0x0;
	[sflag:s25] =	ssyncadd.s32 $0xFFFFFC00  }
0x1e2: {  	v0 =	vld [tilespmem:s9+$0x1CE20]  }
0x1e3: {  	v1 =	vld [tilespmem:s9+$0x1D220];
	_ =	sdelay $0x4  }
0x1e4: {  	v2 =	vshll.u32 v0, $0x10;
	v3 =	vshll.u32 v1, $0x10  }
0x1e5: {  	v0 =	vand.u32 $0xFFFF0000, v0;
	v1 =	vand.u32 $0xFFFF0000, v1;
	v2 =	vadd.f32 v3, v2  }
0x1e6: {  	v0 =	vadd.f32 v1, v0  }
0x1e7: {  	s8 =	simm.s32 $0x1D660;
	v1 =	vmax.f32 v2, $0.0e+00  }
0x1e8: {  	v0 =	vmax.f32 v0, $0.0e+00;
	[tilespmem:s8+$0xFFFFFFC0] =	vst v1  }
0x1e9: {  	[tilespmem:s8+$0xFFFFFFD0] =	vst v0  }
0x1ea: {  	v0 =	vld [tilespmem:s9+$0x1CE30]  }
0x1eb: {  	v1 =	vld [tilespmem:s9+$0x1D230];
	_ =	sdelay $0x4  }
0x1ec: {  	v2 =	vshll.u32 v0, $0x10;
	v3 =	vshll.u32 v1, $0x10  }
0x1ed: {  	v0 =	vand.u32 $0xFFFF0000, v0;
	v1 =	vand.u32 $0xFFFF0000, v1;
	v2 =	vadd.f32 v3, v2  }
0x1ee: {  	v0 =	vadd.f32 v1, v0  }
0x1ef: {  	v1 =	vmax.f32 v2, $0.0e+00  }
0x1f0: {  	v0 =	vmax.f32 v0, $0.0e+00;
	[tilespmem:s8+$0xFFFFFFE0] =	vst v1  }
0x1f1: {  	[tilespmem:s8+$0xFFFFFFF0] =	vst v0  }
0x1f2: {  	v0 =	vld [tilespmem:s9+$0x1CE40]  }
0x1f3: {  	v1 =	vld [tilespmem:s9+$0x1D240];
	_ =	sdelay $0x4  }
0x1f4: {  	v2 =	vshll.u32 v0, $0x10;
	v3 =	vshll.u32 v1, $0x10  }
0x1f5: {  	v0 =	vand.u32 $0xFFFF0000, v0;
	v1 =	vand.u32 $0xFFFF0000, v1;
	v2 =	vadd.f32 v3, v2  }
0x1f6: {  	v0 =	vadd.f32 v1, v0  }
0x1f7: {  	v1 =	vmax.f32 v2, $0.0e+00  }
0x1f8: {  	v0 =	vmax.f32 v0, $0.0e+00;
	[tilespmem:s8+$0x0] =	vst v1  }
0x1f9: {  	[tilespmem:s8+$0x10] =	vst v0  }
0x1fa: {  	v0 =	vld [tilespmem:s9+$0x1CE50]  }
0x1fb: {  	s11 =	simm.s32 $0x100;
	v1 =	vld [tilespmem:s9+$0x1D250];
	s9 =	simm.s32 $0x1D660  }
.LBB2_10:
0x1fc: {  	p0 =	sne.s32 s11, $0xF00  }
0x1fd: {  	s8 =	sadd.s32 $0x80, s8;
	s12 =	smov.u32 s11;
	s11 =	sadd.s32 $0x100, s11  }
0x1fe: {  	_ = 	snop  }
0x1ff: {  	v2 =	vshll.u32 v0, $0x10;
	v0 =	vand.u32 $0xFFFF0000, v0  }
0x200: {  	v3 =	vshll.u32 v1, $0x10;
	v1 =	vand.u32 $0xFFFF0000, v1  }
0x201: {  	v2 =	vadd.f32 v3, v2;
	v0 =	vadd.f32 v1, v0;
	_ =	sdelay $0x1  }
0x202: {  	v1 =	vmax.f32 v2, $0.0e+00;
	v0 =	vmax.f32 v0, $0.0e+00  }
0x203: {  	[tilespmem:s9+$0x20] =	vst v1  }
0x204: {  	s12 =	sshra.s32 s12, $0x2;
	[tilespmem:s9+$0x30] =	vst v0;
	s9 =	smov.u32 s8  }
0x205: {  	v0 =	vld [tilespmem:s12+$0x1CE20]  }
0x206: {  	v1 =	vld [tilespmem:s12+$0x1D220];
	_ =	sdelay $0x3  }
0x207: {  	v2 =	vshll.u32 v0, $0x10;
	v0 =	vand.u32 $0xFFFF0000, v0  }
0x208: {  	v3 =	vshll.u32 v1, $0x10;
	v1 =	vand.u32 $0xFFFF0000, v1  }
0x209: {  	v2 =	vadd.f32 v3, v2;
	v0 =	vadd.f32 v1, v0;
	_ =	sdelay $0x1  }
0x20a: {  	v1 =	vmax.f32 v2, $0.0e+00;
	v0 =	vmax.f32 v0, $0.0e+00  }
0x20b: {  	[tilespmem:s8+$0xFFFFFFC0] =	vst v1  }
0x20c: {  	[tilespmem:s8+$0xFFFFFFD0] =	vst v0  }
0x20d: {  	v0 =	vld [tilespmem:s12+$0x1CE30]  }
0x20e: {  	v1 =	vld [tilespmem:s12+$0x1D230];
	_ =	sdelay $0x3  }
0x20f: {  	v2 =	vshll.u32 v0, $0x10;
	v0 =	vand.u32 $0xFFFF0000, v0  }
0x210: {  	v3 =	vshll.u32 v1, $0x10;
	v1 =	vand.u32 $0xFFFF0000, v1  }
0x211: {  	v2 =	vadd.f32 v3, v2;
	v0 =	vadd.f32 v1, v0;
	_ =	sdelay $0x1  }
0x212: {  	v1 =	vmax.f32 v2, $0.0e+00;
	v0 =	vmax.f32 v0, $0.0e+00  }
0x213: {  	[tilespmem:s8+$0xFFFFFFE0] =	vst v1  }
0x214: {  	[tilespmem:s8+$0xFFFFFFF0] =	vst v0  }
0x215: {  	v0 =	vld [tilespmem:s12+$0x1CE40]  }
0x216: {  	v1 =	vld [tilespmem:s12+$0x1D240];
	_ =	sdelay $0x3  }
0x217: {  	v2 =	vshll.u32 v0, $0x10;
	v0 =	vand.u32 $0xFFFF0000, v0  }
0x218: {  	v3 =	vshll.u32 v1, $0x10;
	v1 =	vand.u32 $0xFFFF0000, v1  }
0x219: {  	v2 =	vadd.f32 v3, v2;
	v0 =	vadd.f32 v1, v0;
	_ =	sdelay $0x1  }
.Ltmp4:
0x21a: {  	v1 =	vmax.f32 v2, $0.0e+00;
	v0 =	vmax.f32 v0, $0.0e+00;
	(pc) =	sbr.rel @p0 .LBB2_10-.Ltmp4, $4  }
0x21b: {  	[tilespmem:s8+$0x0] =	vst v1  }
0x21c: {  	[tilespmem:s8+$0x10] =	vst v0  }
0x21d: {  	v0 =	vld [tilespmem:s12+$0x1CE50]  }
0x21e: {  	v1 =	vld [tilespmem:s12+$0x1D250]  }
0x21f: {  	_ =	sdelay $0x3  }
0x220: {  	v2 =	vshll.u32 v0, $0x10;
	v3 =	vshll.u32 v1, $0x10  }
0x221: {  	v61 =	vand.u32 $0xFFFF0000, v0;
	v62 =	vand.u32 $0xFFFF0000, v1;
	v2 =	vadd.f32 v3, v2  }
0x222: {  	v0 =	vadd.f32 v62, v61  }
0x223: {  	v63 =	vmax.f32 v2, $0.0e+00  }
0x224: {  	v0 =	vmax.f32 v0, $0.0e+00;
	[tilespmem:s9+$0x20] =	vst v63  }
0x225: {  	s8 =	rddreg [dreg:$0x5];
	s15 =	simm.s32 $0x1D620;
	s21 =	simm.s32 $0xD;
	[tilespmem:s9+$0x30] =	vst v0  }
0x226: {  	[hbm4b:s8+s3] =	stream.linear.scatter [tilespmem:s15], [sflag:$0xD], $0x800, $0x38;
	[tilespmem:$0x1DE20] =	vst v63  }
0x227: {  	_ =	swait.ge [sflag:s21], $0x800  }
0x228: {  	[sflag:s21] =	ssyncset.done $0x0  }
0x229: {  	s22 =	simm.s32 $0x7;
	[sflag:s21] =	ssyncadd.s32 $0xFFFFF800  }
0x22a: {  	_ =	swait.ge [sflag:s22], $0x4000  }
0x22b: {  	[sflag:s22] =	ssyncset.done $0x0  }
0x22c: {  	[sflag:s22] =	ssyncadd.s32 $0xFFFFC000  }
0x22d: {  	_ =	swait.ge [sflag:s23], $0x4000  }
0x22e: {  	[sflag:s23] =	ssyncset.done $0x0  }
0x22f: {  	[sflag:s23] =	ssyncadd.s32 $0xFFFFC000  }
0x230: {  	_ =	swait.ge [sflag:s13], $0x4000  }
0x231: {  	s24 =	rddreg [dreg:$0x7]  }
0x232: {  	s25 =	rddreg [dreg:$0x6];
	s9 =	sadd.s32 $0x1, s24  }
0x233: {  	p0 =	sne.s32 s9, s25  }
.Ltmp5:
0x234: {  	_ = 	snop;
	(pc) =	sbr.rel @p0 .LBB2_1-.Ltmp5, $3  }
0x235: {  	_ =	sdelay $0x1  }
0x236: {  	[sflag:s13] =	ssyncset.done $0x0  }
0x237: {  	[sflag:s13] =	ssyncadd.s32 $0xFFFFC000  }
0x238: {  	_ =	sfence.sel $0x180000  }
0x239: {  	[bflag:$0x0] =	sbarrier.arrive $0xFFFF  }
0x23a: {  	_ =	strace $0x90000047  }
0x23b: {  	s0 =	stileid.u32;
	[bflag:$0x2] =	sbarrier.arrive $0xFFFF  }
0x23c: {  	p0 =	sne.s32 s0, $0x0;
	s0 =	rddreg [dreg:$0x2]  }
0x23d: {  	s0 =	sadd.s32 @!p0 $0x100000, s0  }
0x23e: {  	[sflag:s0] =	ssyncadd.tile.s32 @!p0 $0x1;
	_ =	shalt  }
.Lfunc_end2:
_tile_overlayer_lowered:
.L_overlay_start_2:
0x23f: {  	(tag) =	ssettag $0x2  }
0x240: {  	s0 =	rddreg [dreg:$0x0];
	s2 =	stileid.u32  }
0x241: {  	s1 =	rddreg [dreg:$0x1];
	p0 =	sne.s32 s2, $0x0  }
0x242: {  	s3 =	rddreg [dreg:$0x2];
	[bflag:$0x3] =	sbarrier.arrive $0xFFFF;
	s2 =	simm.s32 @!p0 $0x1C0D  }
0x243: {  	[timem:s3], [sflag:s2] =	dma.local @!p0 [hbm:s0], s1  }
0x244: {  	s0 =	simm.s32 @!p0 $0xD  }
0x245: {  	_ =	swait.ge @!p0 [sflag:s0], s1  }
0x246: {  	s1 =	ssub.s32 @!p0 $0x0, s1;
	[sflag:s0] =	ssyncset.done @!p0 $0x0  }
0x247: {  	[sflag:s0] =	ssyncadd.s32 @!p0 s1  }
0x248: {  	[bflag:$0x3] =	sbarrier.arrive $0xFFFF  }
0x249: {  	_ =	shalt  }

</sc_bundles>
